<compile_context>
chip_gen: v7x
topology: tpu7x:2x2x1
jax: 0.10.2.dev20260603
libtpu: 0.0.44.dev20260713+nightly
codegen_flags: <defaults>
</compile_context>

<pallas_src>
import functools
import jax
import jax.numpy as jnp
from jax import lax
from jax.experimental import pallas as pl
from jax.experimental.pallas import tpu as pltpu
from jax.experimental.pallas import tpu_sc as plsc

_K = 16
_RING = 2


def _make_sc_kernel(n_total, n_rows, hidden, nc, ns):
    nw = nc * ns
    b_per_w = n_total // nw
    ch = b_per_w // _K

    mesh = plsc.VectorSubcoreMesh(
        core_axis_name="c", subcore_axis_name="s", num_cores=nc, num_subcores=ns
    )

    @functools.partial(
        pl.kernel,
        out_type=jax.ShapeDtypeStruct((n_total, hidden), jnp.float32),
        mesh=mesh,
        scratch_types=[
            pltpu.VMEM((n_rows, hidden), jnp.float32),
            pltpu.VMEM((ch, _K), jnp.int32),
            pltpu.SemaphoreType.DMA,
        ],
    )
    def k(table_hbm, idx_hbm, out_hbm, table_v, idx_v, sem):
        wid = lax.axis_index("s") * nc + lax.axis_index("c")
        base = wid * b_per_w
        pltpu.sync_copy(table_hbm, table_v)
        pltpu.sync_copy(idx_hbm.at[wid], idx_v)

        def fire(g):
            idxvec = idx_v[g, :]
            for r in range(_K):
                rowid = idxvec[r]
                pltpu.async_copy(
                    table_v.at[pl.ds(rowid, 1)],
                    out_hbm.at[pl.ds(base + g * _K + r, 1)],
                    sem,
                )

        def drain(count):
            for _ in range(count):
                pltpu.make_async_copy(
                    table_v.at[pl.ds(0, 1)], out_hbm.at[pl.ds(base, 1)], sem
                ).wait()

        def step(g, _):
            fire(g)

            @pl.when(g >= _RING)
            def _():
                drain(_K)

            return 0

        lax.fori_loop(0, ch, step, 0)
        drain(_RING * _K)

    return k


def kernel(modality_ids, table):
    b, s = modality_ids.shape
    n_rows, hidden = table.shape
    n = b * s
    nc, ns = 2, 16
    nw = nc * ns
    ids3 = modality_ids.reshape(nw, (n // nw) // _K, _K).astype(jnp.int32)
    k = _make_sc_kernel(n, n_rows, hidden, nc, ns)
    out = k(table, ids3)
    return out.reshape(b, s, hidden)

# --- scband reference (transcript-rebuilt; emitter-appended) ---
"""Pipeline reference for scband-modality-embedding-85993835200871 (READ-ONLY COPY).

The authoritative reference and input builder live on the scoring server;
editing this copy changes nothing except your own understanding.
"""

import jax, jax.numpy as jnp
import numpy as np

NUM_MODALITIES = 3
HIDDEN_DIM = 2048

def setup_inputs(seed: int = 0) -> dict:
    key = jax.random.key(seed)
    k_idx, k_tab = jax.random.split(key)
    modality_ids = jax.random.randint(k_idx, (4, 8192), 0, NUM_MODALITIES, dtype=jnp.int64 if jax.config.jax_enable_x64 else jnp.int32)
    table = jax.random.normal(k_tab, (NUM_MODALITIES, HIDDEN_DIM), dtype=jnp.float32)
    return {"modality_ids": modality_ids, "table": table}

def reference(modality_ids, table):
    # nn.Embedding lookup: [B, S] -> [B, S, hidden_dim]
    return jnp.take(table, modality_ids, axis=0)

if __name__ == "__main__":
    import jax
    _d = setup_inputs()
    print(jax.jit(kernel)(*tuple(_d.values())))

</pallas_src>

<mosaic_0001>
#map = affine_map<(d0, d1) -> (0, 0)>
#map1 = affine_map<(d0, d1) -> (0, 0, 0)>
module attributes {stable_mosaic.version = 14 : i64} {
  func.func @k(%arg0: i32, %arg1: i32, %arg2: memref<3x2048xf32, #tpu.memory_space<hbm>>, %arg3: memref<32x64x16xi32, #tpu.memory_space<hbm>>, %arg4: memref<32768x2048xf32, #tpu.memory_space<hbm>>, %arg5: memref<3x2048xf32, #tpu.memory_space<vmem>>, %arg6: memref<64x16xi32, #tpu.memory_space<vmem>>, %arg7: memref<!tpu.dma_semaphore, #tpu.memory_space<semaphore_mem>>) attributes {dimension_semantics = [#tpu.dimension_semantics<core_parallel>, #tpu.dimension_semantics<subcore_parallel>], iteration_bounds = array<i64: 2, 16>, scalar_prefetch = 0 : i64, scratch_operands = 3 : i64, tpu.core_type = #tpu.core_type<sc_vector_subcore>, window_params = [{transform_indices = #map}, {transform_indices = #map1}, {transform_indices = #map}]} {
    %mul3A = arith.constant 2 : i32
    %mul3A_0 = arith.muli %arg1, %mul3A : i32
    %add3A = arith.addi %mul3A_0, %arg0 : i32
    %mul3A_1 = arith.constant 1024 : i32
    %mul3A_2 = arith.muli %add3A, %mul3A_1 : i32
    "tpu.region"() ({
      %run_scoped3A = tpu.sem_alloc : memref<!tpu.dma_semaphore, #tpu.memory_space<semaphore_mem>>
      tpu.enqueue_dma source(%arg2 : memref<3x2048xf32, #tpu.memory_space<hbm>>) target(%arg5 : memref<3x2048xf32, #tpu.memory_space<vmem>>) target_semaphore(%run_scoped3A : memref<!tpu.dma_semaphore, #tpu.memory_space<semaphore_mem>>)
      tpu.wait_dma2 semaphore(%run_scoped3A : memref<!tpu.dma_semaphore, #tpu.memory_space<semaphore_mem>>) src(%arg2 : memref<3x2048xf32, #tpu.memory_space<hbm>>) dst(%arg5 : memref<3x2048xf32, #tpu.memory_space<vmem>>)
      tpu.yield
    }) : () -> ()
    "tpu.region"() ({
      %run_scoped3A = tpu.sem_alloc : memref<!tpu.dma_semaphore, #tpu.memory_space<semaphore_mem>>
      %dma_start3A = arith.constant 0 : i32
      %dma_start3A_328 = arith.constant 0 : i32
      %dma_start3A_329 = tpu.memref_slice %arg3[%add3A, %dma_start3A, %dma_start3A_328] : memref<32x64x16xi32, #tpu.memory_space<hbm>> -> memref<1x64x16xi32, #tpu.memory_space<hbm>>
      %dma_start3A_330 = tpu.memref_squeeze %dma_start3A_329 : memref<1x64x16xi32, #tpu.memory_space<hbm>> -> memref<64x16xi32, #tpu.memory_space<hbm>>
      %dma_start3A_331 = arith.constant 0 : i32
      %dma_start3A_332 = arith.constant 0 : i32
      %dma_start3A_333 = tpu.memref_slice %arg3[%add3A, %dma_start3A_331, %dma_start3A_332] : memref<32x64x16xi32, #tpu.memory_space<hbm>> -> memref<1x64x16xi32, #tpu.memory_space<hbm>>
      %dma_start3A_334 = tpu.memref_squeeze %dma_start3A_333 : memref<1x64x16xi32, #tpu.memory_space<hbm>> -> memref<64x16xi32, #tpu.memory_space<hbm>>
      tpu.enqueue_dma source(%dma_start3A_334 : memref<64x16xi32, #tpu.memory_space<hbm>>) target(%arg6 : memref<64x16xi32, #tpu.memory_space<vmem>>) target_semaphore(%run_scoped3A : memref<!tpu.dma_semaphore, #tpu.memory_space<semaphore_mem>>)
      %dma_wait3A_335 = arith.constant 0 : i32
      %dma_wait3A_336 = arith.constant 0 : i32
      %dma_wait3A_337 = tpu.memref_slice %arg3[%add3A, %dma_wait3A_335, %dma_wait3A_336] : memref<32x64x16xi32, #tpu.memory_space<hbm>> -> memref<1x64x16xi32, #tpu.memory_space<hbm>>
      %dma_wait3A_338 = tpu.memref_squeeze %dma_wait3A_337 : memref<1x64x16xi32, #tpu.memory_space<hbm>> -> memref<64x16xi32, #tpu.memory_space<hbm>>
      %dma_wait3A_339 = arith.constant 0 : i32
      %dma_wait3A_340 = arith.constant 0 : i32
      %dma_wait3A_341 = tpu.memref_slice %arg3[%add3A, %dma_wait3A_339, %dma_wait3A_340] : memref<32x64x16xi32, #tpu.memory_space<hbm>> -> memref<1x64x16xi32, #tpu.memory_space<hbm>>
      %dma_wait3A_342 = tpu.memref_squeeze %dma_wait3A_341 : memref<1x64x16xi32, #tpu.memory_space<hbm>> -> memref<64x16xi32, #tpu.memory_space<hbm>>
      tpu.wait_dma2 semaphore(%run_scoped3A : memref<!tpu.dma_semaphore, #tpu.memory_space<semaphore_mem>>) src(%dma_wait3A_342 : memref<64x16xi32, #tpu.memory_space<hbm>>) dst(%arg6 : memref<64x16xi32, #tpu.memory_space<vmem>>)
      tpu.yield
    }) : () -> ()
    %scan3A = arith.constant 0 : i32
    %scan3A_3 = arith.constant 0 : i32
    %scan3A_4 = arith.constant 64 : i32
    %scan3A_5 = arith.addi %scan3A_3, %scan3A_4 : i32
    %scan3A_6 = arith.constant 1 : i32
    %scan3A_7 = scf.for %scan3A_328 = %scan3A_3 to %scan3A_5 step %scan3A_6 iter_args(%scan3A_329 = %scan3A) -> (i32)  : i32 {
      %get3A = arith.index_cast %scan3A_328 : i32 to index
      %get3A_330 = arith.constant 0 : index
      %get3A_331 = tpu.vector_load %arg6[%get3A, %get3A_330] {strides = array<i32>} : memref<64x16xi32, #tpu.memory_space<vmem>>, vector<1x16xi32>,
      %get3A_332 = vector.shape_cast %get3A_331 : vector<1x16xi32> to vector<16xi32>
      %slice3A = vector.extract_strided_slice %get3A_332 {offsets = [0], sizes = [1], strides = [1]} : vector<16xi32> to vector<1xi32>
      %squeeze3A = vector.extract %slice3A[0] : i32 from vector<1xi32>
      %mul3A_333 = arith.constant 16 : i32
      %mul3A_334 = arith.muli %scan3A_328, %mul3A_333 : i32
      %add3A_335 = arith.addi %mul3A_2, %mul3A_334 : i32
      %add3A_336 = arith.constant 0 : i32
      %add3A_337 = arith.addi %add3A_335, %add3A_336 : i32
      %dma_start3A = arith.constant 0 : i32
      %dma_start3A_338 = tpu.memref_slice %arg5[%squeeze3A, %dma_start3A] : memref<3x2048xf32, #tpu.memory_space<vmem>> -> memref<1x2048xf32, #tpu.memory_space<vmem>>
      %dma_start3A_339 = arith.constant 0 : i32
      %dma_start3A_340 = tpu.memref_slice %arg4[%add3A_337, %dma_start3A_339] : memref<32768x2048xf32, #tpu.memory_space<hbm>> -> memref<1x2048xf32, #tpu.memory_space<hbm>>
      %dma_start3A_341 = arith.constant 0 : i32
      %dma_start3A_342 = tpu.memref_slice %arg4[%add3A_337, %dma_start3A_341] : memref<32768x2048xf32, #tpu.memory_space<hbm>> -> memref<1x2048xf32, #tpu.memory_space<hbm>>
      %dma_start3A_343 = arith.constant 0 : i32
      %dma_start3A_344 = tpu.memref_slice %arg5[%squeeze3A, %dma_start3A_343] : memref<3x2048xf32, #tpu.memory_space<vmem>> -> memref<1x2048xf32, #tpu.memory_space<vmem>>
      tpu.enqueue_dma source(%dma_start3A_344 : memref<1x2048xf32, #tpu.memory_space<vmem>>) target(%dma_start3A_342 : memref<1x2048xf32, #tpu.memory_space<hbm>>) target_semaphore(%arg7 : memref<!tpu.dma_semaphore, #tpu.memory_space<semaphore_mem>>)
      %slice3A_345 = vector.extract_strided_slice %get3A_332 {offsets = [1], sizes = [1], strides = [1]} : vector<16xi32> to vector<1xi32>
      %squeeze3A_346 = vector.extract %slice3A_345[0] : i32 from vector<1xi32>
      %mul3A_347 = arith.constant 16 : i32
      %mul3A_348 = arith.muli %scan3A_328, %mul3A_347 : i32
      %add3A_349 = arith.addi %mul3A_2, %mul3A_348 : i32
      %add3A_350 = arith.constant 1 : i32
      %add3A_351 = arith.addi %add3A_349, %add3A_350 : i32
      %dma_start3A_352 = arith.constant 0 : i32
      %dma_start3A_353 = tpu.memref_slice %arg5[%squeeze3A_346, %dma_start3A_352] : memref<3x2048xf32, #tpu.memory_space<vmem>> -> memref<1x2048xf32, #tpu.memory_space<vmem>>
      %dma_start3A_354 = arith.constant 0 : i32
      %dma_start3A_355 = tpu.memref_slice %arg4[%add3A_351, %dma_start3A_354] : memref<32768x2048xf32, #tpu.memory_space<hbm>> -> memref<1x2048xf32, #tpu.memory_space<hbm>>
      %dma_start3A_356 = arith.constant 0 : i32
      %dma_start3A_357 = tpu.memref_slice %arg4[%add3A_351, %dma_start3A_356] : memref<32768x2048xf32, #tpu.memory_space<hbm>> -> memref<1x2048xf32, #tpu.memory_space<hbm>>
      %dma_start3A_358 = arith.constant 0 : i32
      %dma_start3A_359 = tpu.memref_slice %arg5[%squeeze3A_346, %dma_start3A_358] : memref<3x2048xf32, #tpu.memory_space<vmem>> -> memref<1x2048xf32, #tpu.memory_space<vmem>>
      tpu.enqueue_dma source(%dma_start3A_359 : memref<1x2048xf32, #tpu.memory_space<vmem>>) target(%dma_start3A_357 : memref<1x2048xf32, #tpu.memory_space<hbm>>) target_semaphore(%arg7 : memref<!tpu.dma_semaphore, #tpu.memory_space<semaphore_mem>>)
      %slice3A_360 = vector.extract_strided_slice %get3A_332 {offsets = [2], sizes = [1], strides = [1]} : vector<16xi32> to vector<1xi32>
      %squeeze3A_361 = vector.extract %slice3A_360[0] : i32 from vector<1xi32>
      %mul3A_362 = arith.constant 16 : i32
      %mul3A_363 = arith.muli %scan3A_328, %mul3A_362 : i32
      %add3A_364 = arith.addi %mul3A_2, %mul3A_363 : i32
      %add3A_365 = arith.constant 2 : i32
      %add3A_366 = arith.addi %add3A_364, %add3A_365 : i32
      %dma_start3A_367 = arith.constant 0 : i32
      %dma_start3A_368 = tpu.memref_slice %arg5[%squeeze3A_361, %dma_start3A_367] : memref<3x2048xf32, #tpu.memory_space<vmem>> -> memref<1x2048xf32, #tpu.memory_space<vmem>>
      %dma_start3A_369 = arith.constant 0 : i32
      %dma_start3A_370 = tpu.memref_slice %arg4[%add3A_366, %dma_start3A_369] : memref<32768x2048xf32, #tpu.memory_space<hbm>> -> memref<1x2048xf32, #tpu.memory_space<hbm>>
      %dma_start3A_371 = arith.constant 0 : i32
      %dma_start3A_372 = tpu.memref_slice %arg4[%add3A_366, %dma_start3A_371] : memref<32768x2048xf32, #tpu.memory_space<hbm>> -> memref<1x2048xf32, #tpu.memory_space<hbm>>
      %dma_start3A_373 = arith.constant 0 : i32
      %dma_start3A_374 = tpu.memref_slice %arg5[%squeeze3A_361, %dma_start3A_373] : memref<3x2048xf32, #tpu.memory_space<vmem>> -> memref<1x2048xf32, #tpu.memory_space<vmem>>
      tpu.enqueue_dma source(%dma_start3A_374 : memref<1x2048xf32, #tpu.memory_space<vmem>>) target(%dma_start3A_372 : memref<1x2048xf32, #tpu.memory_space<hbm>>) target_semaphore(%arg7 : memref<!tpu.dma_semaphore, #tpu.memory_space<semaphore_mem>>)
      %slice3A_375 = vector.extract_strided_slice %get3A_332 {offsets = [3], sizes = [1], strides = [1]} : vector<16xi32> to vector<1xi32>
      %squeeze3A_376 = vector.extract %slice3A_375[0] : i32 from vector<1xi32>
      %mul3A_377 = arith.constant 16 : i32
      %mul3A_378 = arith.muli %scan3A_328, %mul3A_377 : i32
      %add3A_379 = arith.addi %mul3A_2, %mul3A_378 : i32
      %add3A_380 = arith.constant 3 : i32
      %add3A_381 = arith.addi %add3A_379, %add3A_380 : i32
      %dma_start3A_382 = arith.constant 0 : i32
      %dma_start3A_383 = tpu.memref_slice %arg5[%squeeze3A_376, %dma_start3A_382] : memref<3x2048xf32, #tpu.memory_space<vmem>> -> memref<1x2048xf32, #tpu.memory_space<vmem>>
      %dma_start3A_384 = arith.constant 0 : i32
      %dma_start3A_385 = tpu.memref_slice %arg4[%add3A_381, %dma_start3A_384] : memref<32768x2048xf32, #tpu.memory_space<hbm>> -> memref<1x2048xf32, #tpu.memory_space<hbm>>
      %dma_start3A_386 = arith.constant 0 : i32
      %dma_start3A_387 = tpu.memref_slice %arg4[%add3A_381, %dma_start3A_386] : memref<32768x2048xf32, #tpu.memory_space<hbm>> -> memref<1x2048xf32, #tpu.memory_space<hbm>>
      %dma_start3A_388 = arith.constant 0 : i32
      %dma_start3A_389 = tpu.memref_slice %arg5[%squeeze3A_376, %dma_start3A_388] : memref<3x2048xf32, #tpu.memory_space<vmem>> -> memref<1x2048xf32, #tpu.memory_space<vmem>>
      tpu.enqueue_dma source(%dma_start3A_389 : memref<1x2048xf32, #tpu.memory_space<vmem>>) target(%dma_start3A_387 : memref<1x2048xf32, #tpu.memory_space<hbm>>) target_semaphore(%arg7 : memref<!tpu.dma_semaphore, #tpu.memory_space<semaphore_mem>>)
      %slice3A_390 = vector.extract_strided_slice %get3A_332 {offsets = [4], sizes = [1], strides = [1]} : vector<16xi32> to vector<1xi32>
      %squeeze3A_391 = vector.extract %slice3A_390[0] : i32 from vector<1xi32>
      %mul3A_392 = arith.constant 16 : i32
      %mul3A_393 = arith.muli %scan3A_328, %mul3A_392 : i32
      %add3A_394 = arith.addi %mul3A_2, %mul3A_393 : i32
      %add3A_395 = arith.constant 4 : i32
      %add3A_396 = arith.addi %add3A_394, %add3A_395 : i32
      %dma_start3A_397 = arith.constant 0 : i32
      %dma_start3A_398 = tpu.memref_slice %arg5[%squeeze3A_391, %dma_start3A_397] : memref<3x2048xf32, #tpu.memory_space<vmem>> -> memref<1x2048xf32, #tpu.memory_space<vmem>>
      %dma_start3A_399 = arith.constant 0 : i32
      %dma_start3A_400 = tpu.memref_slice %arg4[%add3A_396, %dma_start3A_399] : memref<32768x2048xf32, #tpu.memory_space<hbm>> -> memref<1x2048xf32, #tpu.memory_space<hbm>>
      %dma_start3A_401 = arith.constant 0 : i32
      %dma_start3A_402 = tpu.memref_slice %arg4[%add3A_396, %dma_start3A_401] : memref<32768x2048xf32, #tpu.memory_space<hbm>> -> memref<1x2048xf32, #tpu.memory_space<hbm>>
      %dma_start3A_403 = arith.constant 0 : i32
      %dma_start3A_404 = tpu.memref_slice %arg5[%squeeze3A_391, %dma_start3A_403] : memref<3x2048xf32, #tpu.memory_space<vmem>> -> memref<1x2048xf32, #tpu.memory_space<vmem>>
      tpu.enqueue_dma source(%dma_start3A_404 : memref<1x2048xf32, #tpu.memory_space<vmem>>) target(%dma_start3A_402 : memref<1x2048xf32, #tpu.memory_space<hbm>>) target_semaphore(%arg7 : memref<!tpu.dma_semaphore, #tpu.memory_space<semaphore_mem>>)
      %slice3A_405 = vector.extract_strided_slice %get3A_332 {offsets = [5], sizes = [1], strides = [1]} : vector<16xi32> to vector<1xi32>
      %squeeze3A_406 = vector.extract %slice3A_405[0] : i32 from vector<1xi32>
      %mul3A_407 = arith.constant 16 : i32
      %mul3A_408 = arith.muli %scan3A_328, %mul3A_407 : i32
      %add3A_409 = arith.addi %mul3A_2, %mul3A_408 : i32
      %add3A_410 = arith.constant 5 : i32
      %add3A_411 = arith.addi %add3A_409, %add3A_410 : i32
      %dma_start3A_412 = arith.constant 0 : i32
      %dma_start3A_413 = tpu.memref_slice %arg5[%squeeze3A_406, %dma_start3A_412] : memref<3x2048xf32, #tpu.memory_space<vmem>> -> memref<1x2048xf32, #tpu.memory_space<vmem>>
      %dma_start3A_414 = arith.constant 0 : i32
      %dma_start3A_415 = tpu.memref_slice %arg4[%add3A_411, %dma_start3A_414] : memref<32768x2048xf32, #tpu.memory_space<hbm>> -> memref<1x2048xf32, #tpu.memory_space<hbm>>
      %dma_start3A_416 = arith.constant 0 : i32
      %dma_start3A_417 = tpu.memref_slice %arg4[%add3A_411, %dma_start3A_416] : memref<32768x2048xf32, #tpu.memory_space<hbm>> -> memref<1x2048xf32, #tpu.memory_space<hbm>>
      %dma_start3A_418 = arith.constant 0 : i32
      %dma_start3A_419 = tpu.memref_slice %arg5[%squeeze3A_406, %dma_start3A_418] : memref<3x2048xf32, #tpu.memory_space<vmem>> -> memref<1x2048xf32, #tpu.memory_space<vmem>>
      tpu.enqueue_dma source(%dma_start3A_419 : memref<1x2048xf32, #tpu.memory_space<vmem>>) target(%dma_start3A_417 : memref<1x2048xf32, #tpu.memory_space<hbm>>) target_semaphore(%arg7 : memref<!tpu.dma_semaphore, #tpu.memory_space<semaphore_mem>>)
      %slice3A_420 = vector.extract_strided_slice %get3A_332 {offsets = [6], sizes = [1], strides = [1]} : vector<16xi32> to vector<1xi32>
      %squeeze3A_421 = vector.extract %slice3A_420[0] : i32 from vector<1xi32>
      %mul3A_422 = arith.constant 16 : i32
      %mul3A_423 = arith.muli %scan3A_328, %mul3A_422 : i32
      %add3A_424 = arith.addi %mul3A_2, %mul3A_423 : i32
      %add3A_425 = arith.constant 6 : i32
      %add3A_426 = arith.addi %add3A_424, %add3A_425 : i32
      %dma_start3A_427 = arith.constant 0 : i32
      %dma_start3A_428 = tpu.memref_slice %arg5[%squeeze3A_421, %dma_start3A_427] : memref<3x2048xf32, #tpu.memory_space<vmem>> -> memref<1x2048xf32, #tpu.memory_space<vmem>>
      %dma_start3A_429 = arith.constant 0 : i32
      %dma_start3A_430 = tpu.memref_slice %arg4[%add3A_426, %dma_start3A_429] : memref<32768x2048xf32, #tpu.memory_space<hbm>> -> memref<1x2048xf32, #tpu.memory_space<hbm>>
      %dma_start3A_431 = arith.constant 0 : i32
      %dma_start3A_432 = tpu.memref_slice %arg4[%add3A_426, %dma_start3A_431] : memref<32768x2048xf32, #tpu.memory_space<hbm>> -> memref<1x2048xf32, #tpu.memory_space<hbm>>
      %dma_start3A_433 = arith.constant 0 : i32
      %dma_start3A_434 = tpu.memref_slice %arg5[%squeeze3A_421, %dma_start3A_433] : memref<3x2048xf32, #tpu.memory_space<vmem>> -> memref<1x2048xf32, #tpu.memory_space<vmem>>
      tpu.enqueue_dma source(%dma_start3A_434 : memref<1x2048xf32, #tpu.memory_space<vmem>>) target(%dma_start3A_432 : memref<1x2048xf32, #tpu.memory_space<hbm>>) target_semaphore(%arg7 : memref<!tpu.dma_semaphore, #tpu.memory_space<semaphore_mem>>)
      %slice3A_435 = vector.extract_strided_slice %get3A_332 {offsets = [7], sizes = [1], strides = [1]} : vector<16xi32> to vector<1xi32>
      %squeeze3A_436 = vector.extract %slice3A_435[0] : i32 from vector<1xi32>
      %mul3A_437 = arith.constant 16 : i32
      %mul3A_438 = arith.muli %scan3A_328, %mul3A_437 : i32
      %add3A_439 = arith.addi %mul3A_2, %mul3A_438 : i32
      %add3A_440 = arith.constant 7 : i32
      %add3A_441 = arith.addi %add3A_439, %add3A_440 : i32
      %dma_start3A_442 = arith.constant 0 : i32
      %dma_start3A_443 = tpu.memref_slice %arg5[%squeeze3A_436, %dma_start3A_442] : memref<3x2048xf32, #tpu.memory_space<vmem>> -> memref<1x2048xf32, #tpu.memory_space<vmem>>
      %dma_start3A_444 = arith.constant 0 : i32
      %dma_start3A_445 = tpu.memref_slice %arg4[%add3A_441, %dma_start3A_444] : memref<32768x2048xf32, #tpu.memory_space<hbm>> -> memref<1x2048xf32, #tpu.memory_space<hbm>>
      %dma_start3A_446 = arith.constant 0 : i32
      %dma_start3A_447 = tpu.memref_slice %arg4[%add3A_441, %dma_start3A_446] : memref<32768x2048xf32, #tpu.memory_space<hbm>> -> memref<1x2048xf32, #tpu.memory_space<hbm>>
      %dma_start3A_448 = arith.constant 0 : i32
      %dma_start3A_449 = tpu.memref_slice %arg5[%squeeze3A_436, %dma_start3A_448] : memref<3x2048xf32, #tpu.memory_space<vmem>> -> memref<1x2048xf32, #tpu.memory_space<vmem>>
      tpu.enqueue_dma source(%dma_start3A_449 : memref<1x2048xf32, #tpu.memory_space<vmem>>) target(%dma_start3A_447 : memref<1x2048xf32, #tpu.memory_space<hbm>>) target_semaphore(%arg7 : memref<!tpu.dma_semaphore, #tpu.memory_space<semaphore_mem>>)
      %slice3A_450 = vector.extract_strided_slice %get3A_332 {offsets = [8], sizes = [1], strides = [1]} : vector<16xi32> to vector<1xi32>
      %squeeze3A_451 = vector.extract %slice3A_450[0] : i32 from vector<1xi32>
      %mul3A_452 = arith.constant 16 : i32
      %mul3A_453 = arith.muli %scan3A_328, %mul3A_452 : i32
      %add3A_454 = arith.addi %mul3A_2, %mul3A_453 : i32
      %add3A_455 = arith.constant 8 : i32
      %add3A_456 = arith.addi %add3A_454, %add3A_455 : i32
      %dma_start3A_457 = arith.constant 0 : i32
      %dma_start3A_458 = tpu.memref_slice %arg5[%squeeze3A_451, %dma_start3A_457] : memref<3x2048xf32, #tpu.memory_space<vmem>> -> memref<1x2048xf32, #tpu.memory_space<vmem>>
      %dma_start3A_459 = arith.constant 0 : i32
      %dma_start3A_460 = tpu.memref_slice %arg4[%add3A_456, %dma_start3A_459] : memref<32768x2048xf32, #tpu.memory_space<hbm>> -> memref<1x2048xf32, #tpu.memory_space<hbm>>
      %dma_start3A_461 = arith.constant 0 : i32
      %dma_start3A_462 = tpu.memref_slice %arg4[%add3A_456, %dma_start3A_461] : memref<32768x2048xf32, #tpu.memory_space<hbm>> -> memref<1x2048xf32, #tpu.memory_space<hbm>>
      %dma_start3A_463 = arith.constant 0 : i32
      %dma_start3A_464 = tpu.memref_slice %arg5[%squeeze3A_451, %dma_start3A_463] : memref<3x2048xf32, #tpu.memory_space<vmem>> -> memref<1x2048xf32, #tpu.memory_space<vmem>>
      tpu.enqueue_dma source(%dma_start3A_464 : memref<1x2048xf32, #tpu.memory_space<vmem>>) target(%dma_start3A_462 : memref<1x2048xf32, #tpu.memory_space<hbm>>) target_semaphore(%arg7 : memref<!tpu.dma_semaphore, #tpu.memory_space<semaphore_mem>>)
      %slice3A_465 = vector.extract_strided_slice %get3A_332 {offsets = [9], sizes = [1], strides = [1]} : vector<16xi32> to vector<1xi32>
      %squeeze3A_466 = vector.extract %slice3A_465[0] : i32 from vector<1xi32>
      %mul3A_467 = arith.constant 16 : i32
      %mul3A_468 = arith.muli %scan3A_328, %mul3A_467 : i32
      %add3A_469 = arith.addi %mul3A_2, %mul3A_468 : i32
      %add3A_470 = arith.constant 9 : i32
      %add3A_471 = arith.addi %add3A_469, %add3A_470 : i32
      %dma_start3A_472 = arith.constant 0 : i32
      %dma_start3A_473 = tpu.memref_slice %arg5[%squeeze3A_466, %dma_start3A_472] : memref<3x2048xf32, #tpu.memory_space<vmem>> -> memref<1x2048xf32, #tpu.memory_space<vmem>>
      %dma_start3A_474 = arith.constant 0 : i32
      %dma_start3A_475 = tpu.memref_slice %arg4[%add3A_471, %dma_start3A_474] : memref<32768x2048xf32, #tpu.memory_space<hbm>> -> memref<1x2048xf32, #tpu.memory_space<hbm>>
      %dma_start3A_476 = arith.constant 0 : i32
      %dma_start3A_477 = tpu.memref_slice %arg4[%add3A_471, %dma_start3A_476] : memref<32768x2048xf32, #tpu.memory_space<hbm>> -> memref<1x2048xf32, #tpu.memory_space<hbm>>
      %dma_start3A_478 = arith.constant 0 : i32
      %dma_start3A_479 = tpu.memref_slice %arg5[%squeeze3A_466, %dma_start3A_478] : memref<3x2048xf32, #tpu.memory_space<vmem>> -> memref<1x2048xf32, #tpu.memory_space<vmem>>
      tpu.enqueue_dma source(%dma_start3A_479 : memref<1x2048xf32, #tpu.memory_space<vmem>>) target(%dma_start3A_477 : memref<1x2048xf32, #tpu.memory_space<hbm>>) target_semaphore(%arg7 : memref<!tpu.dma_semaphore, #tpu.memory_space<semaphore_mem>>)
      %slice3A_480 = vector.extract_strided_slice %get3A_332 {offsets = [10], sizes = [1], strides = [1]} : vector<16xi32> to vector<1xi32>
      %squeeze3A_481 = vector.extract %slice3A_480[0] : i32 from vector<1xi32>
      %mul3A_482 = arith.constant 16 : i32
      %mul3A_483 = arith.muli %scan3A_328, %mul3A_482 : i32
      %add3A_484 = arith.addi %mul3A_2, %mul3A_483 : i32
      %add3A_485 = arith.constant 10 : i32
      %add3A_486 = arith.addi %add3A_484, %add3A_485 : i32
      %dma_start3A_487 = arith.constant 0 : i32
      %dma_start3A_488 = tpu.memref_slice %arg5[%squeeze3A_481, %dma_start3A_487] : memref<3x2048xf32, #tpu.memory_space<vmem>> -> memref<1x2048xf32, #tpu.memory_space<vmem>>
      %dma_start3A_489 = arith.constant 0 : i32
      %dma_start3A_490 = tpu.memref_slice %arg4[%add3A_486, %dma_start3A_489] : memref<32768x2048xf32, #tpu.memory_space<hbm>> -> memref<1x2048xf32, #tpu.memory_space<hbm>>
      %dma_start3A_491 = arith.constant 0 : i32
      %dma_start3A_492 = tpu.memref_slice %arg4[%add3A_486, %dma_start3A_491] : memref<32768x2048xf32, #tpu.memory_space<hbm>> -> memref<1x2048xf32, #tpu.memory_space<hbm>>
      %dma_start3A_493 = arith.constant 0 : i32
      %dma_start3A_494 = tpu.memref_slice %arg5[%squeeze3A_481, %dma_start3A_493] : memref<3x2048xf32, #tpu.memory_space<vmem>> -> memref<1x2048xf32, #tpu.memory_space<vmem>>
      tpu.enqueue_dma source(%dma_start3A_494 : memref<1x2048xf32, #tpu.memory_space<vmem>>) target(%dma_start3A_492 : memref<1x2048xf32, #tpu.memory_space<hbm>>) target_semaphore(%arg7 : memref<!tpu.dma_semaphore, #tpu.memory_space<semaphore_mem>>)
      %slice3A_495 = vector.extract_strided_slice %get3A_332 {offsets = [11], sizes = [1], strides = [1]} : vector<16xi32> to vector<1xi32>
      %squeeze3A_496 = vector.extract %slice3A_495[0] : i32 from vector<1xi32>
      %mul3A_497 = arith.constant 16 : i32
      %mul3A_498 = arith.muli %scan3A_328, %mul3A_497 : i32
      %add3A_499 = arith.addi %mul3A_2, %mul3A_498 : i32
      %add3A_500 = arith.constant 11 : i32
      %add3A_501 = arith.addi %add3A_499, %add3A_500 : i32
      %dma_start3A_502 = arith.constant 0 : i32
      %dma_start3A_503 = tpu.memref_slice %arg5[%squeeze3A_496, %dma_start3A_502] : memref<3x2048xf32, #tpu.memory_space<vmem>> -> memref<1x2048xf32, #tpu.memory_space<vmem>>
      %dma_start3A_504 = arith.constant 0 : i32
      %dma_start3A_505 = tpu.memref_slice %arg4[%add3A_501, %dma_start3A_504] : memref<32768x2048xf32, #tpu.memory_space<hbm>> -> memref<1x2048xf32, #tpu.memory_space<hbm>>
      %dma_start3A_506 = arith.constant 0 : i32
      %dma_start3A_507 = tpu.memref_slice %arg4[%add3A_501, %dma_start3A_506] : memref<32768x2048xf32, #tpu.memory_space<hbm>> -> memref<1x2048xf32, #tpu.memory_space<hbm>>
      %dma_start3A_508 = arith.constant 0 : i32
      %dma_start3A_509 = tpu.memref_slice %arg5[%squeeze3A_496, %dma_start3A_508] : memref<3x2048xf32, #tpu.memory_space<vmem>> -> memref<1x2048xf32, #tpu.memory_space<vmem>>
      tpu.enqueue_dma source(%dma_start3A_509 : memref<1x2048xf32, #tpu.memory_space<vmem>>) target(%dma_start3A_507 : memref<1x2048xf32, #tpu.memory_space<hbm>>) target_semaphore(%arg7 : memref<!tpu.dma_semaphore, #tpu.memory_space<semaphore_mem>>)
      %slice3A_510 = vector.extract_strided_slice %get3A_332 {offsets = [12], sizes = [1], strides = [1]} : vector<16xi32> to vector<1xi32>
      %squeeze3A_511 = vector.extract %slice3A_510[0] : i32 from vector<1xi32>
      %mul3A_512 = arith.constant 16 : i32
      %mul3A_513 = arith.muli %scan3A_328, %mul3A_512 : i32
      %add3A_514 = arith.addi %mul3A_2, %mul3A_513 : i32
      %add3A_515 = arith.constant 12 : i32
      %add3A_516 = arith.addi %add3A_514, %add3A_515 : i32
      %dma_start3A_517 = arith.constant 0 : i32
      %dma_start3A_518 = tpu.memref_slice %arg5[%squeeze3A_511, %dma_start3A_517] : memref<3x2048xf32, #tpu.memory_space<vmem>> -> memref<1x2048xf32, #tpu.memory_space<vmem>>
      %dma_start3A_519 = arith.constant 0 : i32
      %dma_start3A_520 = tpu.memref_slice %arg4[%add3A_516, %dma_start3A_519] : memref<32768x2048xf32, #tpu.memory_space<hbm>> -> memref<1x2048xf32, #tpu.memory_space<hbm>>
      %dma_start3A_521 = arith.constant 0 : i32
      %dma_start3A_522 = tpu.memref_slice %arg4[%add3A_516, %dma_start3A_521] : memref<32768x2048xf32, #tpu.memory_space<hbm>> -> memref<1x2048xf32, #tpu.memory_space<hbm>>
      %dma_start3A_523 = arith.constant 0 : i32
      %dma_start3A_524 = tpu.memref_slice %arg5[%squeeze3A_511, %dma_start3A_523] : memref<3x2048xf32, #tpu.memory_space<vmem>> -> memref<1x2048xf32, #tpu.memory_space<vmem>>
      tpu.enqueue_dma source(%dma_start3A_524 : memref<1x2048xf32, #tpu.memory_space<vmem>>) target(%dma_start3A_522 : memref<1x2048xf32, #tpu.memory_space<hbm>>) target_semaphore(%arg7 : memref<!tpu.dma_semaphore, #tpu.memory_space<semaphore_mem>>)
      %slice3A_525 = vector.extract_strided_slice %get3A_332 {offsets = [13], sizes = [1], strides = [1]} : vector<16xi32> to vector<1xi32>
      %squeeze3A_526 = vector.extract %slice3A_525[0] : i32 from vector<1xi32>
      %mul3A_527 = arith.constant 16 : i32
      %mul3A_528 = arith.muli %scan3A_328, %mul3A_527 : i32
      %add3A_529 = arith.addi %mul3A_2, %mul3A_528 : i32
      %add3A_530 = arith.constant 13 : i32
      %add3A_531 = arith.addi %add3A_529, %add3A_530 : i32
      %dma_start3A_532 = arith.constant 0 : i32
      %dma_start3A_533 = tpu.memref_slice %arg5[%squeeze3A_526, %dma_start3A_532] : memref<3x2048xf32, #tpu.memory_space<vmem>> -> memref<1x2048xf32, #tpu.memory_space<vmem>>
      %dma_start3A_534 = arith.constant 0 : i32
      %dma_start3A_535 = tpu.memref_slice %arg4[%add3A_531, %dma_start3A_534] : memref<32768x2048xf32, #tpu.memory_space<hbm>> -> memref<1x2048xf32, #tpu.memory_space<hbm>>
      %dma_start3A_536 = arith.constant 0 : i32
      %dma_start3A_537 = tpu.memref_slice %arg4[%add3A_531, %dma_start3A_536] : memref<32768x2048xf32, #tpu.memory_space<hbm>> -> memref<1x2048xf32, #tpu.memory_space<hbm>>
      %dma_start3A_538 = arith.constant 0 : i32
      %dma_start3A_539 = tpu.memref_slice %arg5[%squeeze3A_526, %dma_start3A_538] : memref<3x2048xf32, #tpu.memory_space<vmem>> -> memref<1x2048xf32, #tpu.memory_space<vmem>>
      tpu.enqueue_dma source(%dma_start3A_539 : memref<1x2048xf32, #tpu.memory_space<vmem>>) target(%dma_start3A_537 : memref<1x2048xf32, #tpu.memory_space<hbm>>) target_semaphore(%arg7 : memref<!tpu.dma_semaphore, #tpu.memory_space<semaphore_mem>>)
      %slice3A_540 = vector.extract_strided_slice %get3A_332 {offsets = [14], sizes = [1], strides = [1]} : vector<16xi32> to vector<1xi32>
      %squeeze3A_541 = vector.extract %slice3A_540[0] : i32 from vector<1xi32>
      %mul3A_542 = arith.constant 16 : i32
      %mul3A_543 = arith.muli %scan3A_328, %mul3A_542 : i32
      %add3A_544 = arith.addi %mul3A_2, %mul3A_543 : i32
      %add3A_545 = arith.constant 14 : i32
      %add3A_546 = arith.addi %add3A_544, %add3A_545 : i32
      %dma_start3A_547 = arith.constant 0 : i32
      %dma_start3A_548 = tpu.memref_slice %arg5[%squeeze3A_541, %dma_start3A_547] : memref<3x2048xf32, #tpu.memory_space<vmem>> -> memref<1x2048xf32, #tpu.memory_space<vmem>>
      %dma_start3A_549 = arith.constant 0 : i32
      %dma_start3A_550 = tpu.memref_slice %arg4[%add3A_546, %dma_start3A_549] : memref<32768x2048xf32, #tpu.memory_space<hbm>> -> memref<1x2048xf32, #tpu.memory_space<hbm>>
      %dma_start3A_551 = arith.constant 0 : i32
      %dma_start3A_552 = tpu.memref_slice %arg4[%add3A_546, %dma_start3A_551] : memref<32768x2048xf32, #tpu.memory_space<hbm>> -> memref<1x2048xf32, #tpu.memory_space<hbm>>
      %dma_start3A_553 = arith.constant 0 : i32
      %dma_start3A_554 = tpu.memref_slice %arg5[%squeeze3A_541, %dma_start3A_553] : memref<3x2048xf32, #tpu.memory_space<vmem>> -> memref<1x2048xf32, #tpu.memory_space<vmem>>
      tpu.enqueue_dma source(%dma_start3A_554 : memref<1x2048xf32, #tpu.memory_space<vmem>>) target(%dma_start3A_552 : memref<1x2048xf32, #tpu.memory_space<hbm>>) target_semaphore(%arg7 : memref<!tpu.dma_semaphore, #tpu.memory_space<semaphore_mem>>)
      %slice3A_555 = vector.extract_strided_slice %get3A_332 {offsets = [15], sizes = [1], strides = [1]} : vector<16xi32> to vector<1xi32>
      %squeeze3A_556 = vector.extract %slice3A_555[0] : i32 from vector<1xi32>
      %mul3A_557 = arith.constant 16 : i32
      %mul3A_558 = arith.muli %scan3A_328, %mul3A_557 : i32
      %add3A_559 = arith.addi %mul3A_2, %mul3A_558 : i32
      %add3A_560 = arith.constant 15 : i32
      %add3A_561 = arith.addi %add3A_559, %add3A_560 : i32
      %dma_start3A_562 = arith.constant 0 : i32
      %dma_start3A_563 = tpu.memref_slice %arg5[%squeeze3A_556, %dma_start3A_562] : memref<3x2048xf32, #tpu.memory_space<vmem>> -> memref<1x2048xf32, #tpu.memory_space<vmem>>
      %dma_start3A_564 = arith.constant 0 : i32
      %dma_start3A_565 = tpu.memref_slice %arg4[%add3A_561, %dma_start3A_564] : memref<32768x2048xf32, #tpu.memory_space<hbm>> -> memref<1x2048xf32, #tpu.memory_space<hbm>>
      %dma_start3A_566 = arith.constant 0 : i32
      %dma_start3A_567 = tpu.memref_slice %arg4[%add3A_561, %dma_start3A_566] : memref<32768x2048xf32, #tpu.memory_space<hbm>> -> memref<1x2048xf32, #tpu.memory_space<hbm>>
      %dma_start3A_568 = arith.constant 0 : i32
      %dma_start3A_569 = tpu.memref_slice %arg5[%squeeze3A_556, %dma_start3A_568] : memref<3x2048xf32, #tpu.memory_space<vmem>> -> memref<1x2048xf32, #tpu.memory_space<vmem>>
      tpu.enqueue_dma source(%dma_start3A_569 : memref<1x2048xf32, #tpu.memory_space<vmem>>) target(%dma_start3A_567 : memref<1x2048xf32, #tpu.memory_space<hbm>>) target_semaphore(%arg7 : memref<!tpu.dma_semaphore, #tpu.memory_space<semaphore_mem>>)
      %ge3A = arith.constant 2 : i32
      %ge3A_570 = arith.cmpi sge, %scan3A_328, %ge3A : i32
      %convert_element_type3A = arith.extui %ge3A_570 : i1 to i32
      %cond3A = arith.constant 0 : i32
      %cond3A_571 = arith.cmpi ne, %convert_element_type3A, %cond3A : i32
      scf.if %cond3A_571 {
        %dma_wait3A_573 = arith.constant 0 : i32
        %dma_wait3A_574 = arith.constant 0 : i32
        %dma_wait3A_575 = tpu.memref_slice %arg5[%dma_wait3A_573, %dma_wait3A_574] : memref<3x2048xf32, #tpu.memory_space<vmem>> -> memref<1x2048xf32, #tpu.memory_space<vmem>>
        %dma_wait3A_576 = arith.constant 0 : i32
        %dma_wait3A_577 = tpu.memref_slice %arg4[%mul3A_2, %dma_wait3A_576] : memref<32768x2048xf32, #tpu.memory_space<hbm>> -> memref<1x2048xf32, #tpu.memory_space<hbm>>
        %dma_wait3A_578 = arith.constant 0 : i32
        %dma_wait3A_579 = tpu.memref_slice %arg4[%mul3A_2, %dma_wait3A_578] : memref<32768x2048xf32, #tpu.memory_space<hbm>> -> memref<1x2048xf32, #tpu.memory_space<hbm>>
        %dma_wait3A_580 = arith.constant 0 : i32
        %dma_wait3A_581 = arith.constant 0 : i32
        %dma_wait3A_582 = tpu.memref_slice %arg5[%dma_wait3A_580, %dma_wait3A_581] : memref<3x2048xf32, #tpu.memory_space<vmem>> -> memref<1x2048xf32, #tpu.memory_space<vmem>>
        tpu.wait_dma2 semaphore(%arg7 : memref<!tpu.dma_semaphore, #tpu.memory_space<semaphore_mem>>) src(%dma_wait3A_582 : memref<1x2048xf32, #tpu.memory_space<vmem>>) dst(%dma_wait3A_579 : memref<1x2048xf32, #tpu.memory_space<hbm>>)
        %dma_wait3A_583 = arith.constant 0 : i32
        %dma_wait3A_584 = arith.constant 0 : i32
        %dma_wait3A_585 = tpu.memref_slice %arg5[%dma_wait3A_583, %dma_wait3A_584] : memref<3x2048xf32, #tpu.memory_space<vmem>> -> memref<1x2048xf32, #tpu.memory_space<vmem>>
        %dma_wait3A_586 = arith.constant 0 : i32
        %dma_wait3A_587 = tpu.memref_slice %arg4[%mul3A_2, %dma_wait3A_586] : memref<32768x2048xf32, #tpu.memory_space<hbm>> -> memref<1x2048xf32, #tpu.memory_space<hbm>>
        %dma_wait3A_588 = arith.constant 0 : i32
        %dma_wait3A_589 = tpu.memref_slice %arg4[%mul3A_2, %dma_wait3A_588] : memref<32768x2048xf32, #tpu.memory_space<hbm>> -> memref<1x2048xf32, #tpu.memory_space<hbm>>
        %dma_wait3A_590 = arith.constant 0 : i32
        %dma_wait3A_591 = arith.constant 0 : i32
        %dma_wait3A_592 = tpu.memref_slice %arg5[%dma_wait3A_590, %dma_wait3A_591] : memref<3x2048xf32, #tpu.memory_space<vmem>> -> memref<1x2048xf32, #tpu.memory_space<vmem>>
        tpu.wait_dma2 semaphore(%arg7 : memref<!tpu.dma_semaphore, #tpu.memory_space<semaphore_mem>>) src(%dma_wait3A_592 : memref<1x2048xf32, #tpu.memory_space<vmem>>) dst(%dma_wait3A_589 : memref<1x2048xf32, #tpu.memory_space<hbm>>)
        %dma_wait3A_593 = arith.constant 0 : i32
        %dma_wait3A_594 = arith.constant 0 : i32
        %dma_wait3A_595 = tpu.memref_slice %arg5[%dma_wait3A_593, %dma_wait3A_594] : memref<3x2048xf32, #tpu.memory_space<vmem>> -> memref<1x2048xf32, #tpu.memory_space<vmem>>
        %dma_wait3A_596 = arith.constant 0 : i32
        %dma_wait3A_597 = tpu.memref_slice %arg4[%mul3A_2, %dma_wait3A_596] : memref<32768x2048xf32, #tpu.memory_space<hbm>> -> memref<1x2048xf32, #tpu.memory_space<hbm>>
        %dma_wait3A_598 = arith.constant 0 : i32
        %dma_wait3A_599 = tpu.memref_slice %arg4[%mul3A_2, %dma_wait3A_598] : memref<32768x2048xf32, #tpu.memory_space<hbm>> -> memref<1x2048xf32, #tpu.memory_space<hbm>>
        %dma_wait3A_600 = arith.constant 0 : i32
        %dma_wait3A_601 = arith.constant 0 : i32
        %dma_wait3A_602 = tpu.memref_slice %arg5[%dma_wait3A_600, %dma_wait3A_601] : memref<3x2048xf32, #tpu.memory_space<vmem>> -> memref<1x2048xf32, #tpu.memory_space<vmem>>
        tpu.wait_dma2 semaphore(%arg7 : memref<!tpu.dma_semaphore, #tpu.memory_space<semaphore_mem>>) src(%dma_wait3A_602 : memref<1x2048xf32, #tpu.memory_space<vmem>>) dst(%dma_wait3A_599 : memref<1x2048xf32, #tpu.memory_space<hbm>>)
        %dma_wait3A_603 = arith.constant 0 : i32
        %dma_wait3A_604 = arith.constant 0 : i32
        %dma_wait3A_605 = tpu.memref_slice %arg5[%dma_wait3A_603, %dma_wait3A_604] : memref<3x2048xf32, #tpu.memory_space<vmem>> -> memref<1x2048xf32, #tpu.memory_space<vmem>>
        %dma_wait3A_606 = arith.constant 0 : i32
        %dma_wait3A_607 = tpu.memref_slice %arg4[%mul3A_2, %dma_wait3A_606] : memref<32768x2048xf32, #tpu.memory_space<hbm>> -> memref<1x2048xf32, #tpu.memory_space<hbm>>
        %dma_wait3A_608 = arith.constant 0 : i32
        %dma_wait3A_609 = tpu.memref_slice %arg4[%mul3A_2, %dma_wait3A_608] : memref<32768x2048xf32, #tpu.memory_space<hbm>> -> memref<1x2048xf32, #tpu.memory_space<hbm>>
        %dma_wait3A_610 = arith.constant 0 : i32
        %dma_wait3A_611 = arith.constant 0 : i32
        %dma_wait3A_612 = tpu.memref_slice %arg5[%dma_wait3A_610, %dma_wait3A_611] : memref<3x2048xf32, #tpu.memory_space<vmem>> -> memref<1x2048xf32, #tpu.memory_space<vmem>>
        tpu.wait_dma2 semaphore(%arg7 : memref<!tpu.dma_semaphore, #tpu.memory_space<semaphore_mem>>) src(%dma_wait3A_612 : memref<1x2048xf32, #tpu.memory_space<vmem>>) dst(%dma_wait3A_609 : memref<1x2048xf32, #tpu.memory_space<hbm>>)
        %dma_wait3A_613 = arith.constant 0 : i32
        %dma_wait3A_614 = arith.constant 0 : i32
        %dma_wait3A_615 = tpu.memref_slice %arg5[%dma_wait3A_613, %dma_wait3A_614] : memref<3x2048xf32, #tpu.memory_space<vmem>> -> memref<1x2048xf32, #tpu.memory_space<vmem>>
        %dma_wait3A_616 = arith.constant 0 : i32
        %dma_wait3A_617 = tpu.memref_slice %arg4[%mul3A_2, %dma_wait3A_616] : memref<32768x2048xf32, #tpu.memory_space<hbm>> -> memref<1x2048xf32, #tpu.memory_space<hbm>>
        %dma_wait3A_618 = arith.constant 0 : i32
        %dma_wait3A_619 = tpu.memref_slice %arg4[%mul3A_2, %dma_wait3A_618] : memref<32768x2048xf32, #tpu.memory_space<hbm>> -> memref<1x2048xf32, #tpu.memory_space<hbm>>
        %dma_wait3A_620 = arith.constant 0 : i32
        %dma_wait3A_621 = arith.constant 0 : i32
        %dma_wait3A_622 = tpu.memref_slice %arg5[%dma_wait3A_620, %dma_wait3A_621] : memref<3x2048xf32, #tpu.memory_space<vmem>> -> memref<1x2048xf32, #tpu.memory_space<vmem>>
        tpu.wait_dma2 semaphore(%arg7 : memref<!tpu.dma_semaphore, #tpu.memory_space<semaphore_mem>>) src(%dma_wait3A_622 : memref<1x2048xf32, #tpu.memory_space<vmem>>) dst(%dma_wait3A_619 : memref<1x2048xf32, #tpu.memory_space<hbm>>)
        %dma_wait3A_623 = arith.constant 0 : i32
        %dma_wait3A_624 = arith.constant 0 : i32
        %dma_wait3A_625 = tpu.memref_slice %arg5[%dma_wait3A_623, %dma_wait3A_624] : memref<3x2048xf32, #tpu.memory_space<vmem>> -> memref<1x2048xf32, #tpu.memory_space<vmem>>
        %dma_wait3A_626 = arith.constant 0 : i32
        %dma_wait3A_627 = tpu.memref_slice %arg4[%mul3A_2, %dma_wait3A_626] : memref<32768x2048xf32, #tpu.memory_space<hbm>> -> memref<1x2048xf32, #tpu.memory_space<hbm>>
        %dma_wait3A_628 = arith.constant 0 : i32
        %dma_wait3A_629 = tpu.memref_slice %arg4[%mul3A_2, %dma_wait3A_628] : memref<32768x2048xf32, #tpu.memory_space<hbm>> -> memref<1x2048xf32, #tpu.memory_space<hbm>>
        %dma_wait3A_630 = arith.constant 0 : i32
        %dma_wait3A_631 = arith.constant 0 : i32
        %dma_wait3A_632 = tpu.memref_slice %arg5[%dma_wait3A_630, %dma_wait3A_631] : memref<3x2048xf32, #tpu.memory_space<vmem>> -> memref<1x2048xf32, #tpu.memory_space<vmem>>
        tpu.wait_dma2 semaphore(%arg7 : memref<!tpu.dma_semaphore, #tpu.memory_space<semaphore_mem>>) src(%dma_wait3A_632 : memref<1x2048xf32, #tpu.memory_space<vmem>>) dst(%dma_wait3A_629 : memref<1x2048xf32, #tpu.memory_space<hbm>>)
        %dma_wait3A_633 = arith.constant 0 : i32
        %dma_wait3A_634 = arith.constant 0 : i32
        %dma_wait3A_635 = tpu.memref_slice %arg5[%dma_wait3A_633, %dma_wait3A_634] : memref<3x2048xf32, #tpu.memory_space<vmem>> -> memref<1x2048xf32, #tpu.memory_space<vmem>>
        %dma_wait3A_636 = arith.constant 0 : i32
        %dma_wait3A_637 = tpu.memref_slice %arg4[%mul3A_2, %dma_wait3A_636] : memref<32768x2048xf32, #tpu.memory_space<hbm>> -> memref<1x2048xf32, #tpu.memory_space<hbm>>
        %dma_wait3A_638 = arith.constant 0 : i32
        %dma_wait3A_639 = tpu.memref_slice %arg4[%mul3A_2, %dma_wait3A_638] : memref<32768x2048xf32, #tpu.memory_space<hbm>> -> memref<1x2048xf32, #tpu.memory_space<hbm>>
        %dma_wait3A_640 = arith.constant 0 : i32
        %dma_wait3A_641 = arith.constant 0 : i32
        %dma_wait3A_642 = tpu.memref_slice %arg5[%dma_wait3A_640, %dma_wait3A_641] : memref<3x2048xf32, #tpu.memory_space<vmem>> -> memref<1x2048xf32, #tpu.memory_space<vmem>>
        tpu.wait_dma2 semaphore(%arg7 : memref<!tpu.dma_semaphore, #tpu.memory_space<semaphore_mem>>) src(%dma_wait3A_642 : memref<1x2048xf32, #tpu.memory_space<vmem>>) dst(%dma_wait3A_639 : memref<1x2048xf32, #tpu.memory_space<hbm>>)
        %dma_wait3A_643 = arith.constant 0 : i32
        %dma_wait3A_644 = arith.constant 0 : i32
        %dma_wait3A_645 = tpu.memref_slice %arg5[%dma_wait3A_643, %dma_wait3A_644] : memref<3x2048xf32, #tpu.memory_space<vmem>> -> memref<1x2048xf32, #tpu.memory_space<vmem>>
        %dma_wait3A_646 = arith.constant 0 : i32
        %dma_wait3A_647 = tpu.memref_slice %arg4[%mul3A_2, %dma_wait3A_646] : memref<32768x2048xf32, #tpu.memory_space<hbm>> -> memref<1x2048xf32, #tpu.memory_space<hbm>>
        %dma_wait3A_648 = arith.constant 0 : i32
        %dma_wait3A_649 = tpu.memref_slice %arg4[%mul3A_2, %dma_wait3A_648] : memref<32768x2048xf32, #tpu.memory_space<hbm>> -> memref<1x2048xf32, #tpu.memory_space<hbm>>
        %dma_wait3A_650 = arith.constant 0 : i32
        %dma_wait3A_651 = arith.constant 0 : i32
        %dma_wait3A_652 = tpu.memref_slice %arg5[%dma_wait3A_650, %dma_wait3A_651] : memref<3x2048xf32, #tpu.memory_space<vmem>> -> memref<1x2048xf32, #tpu.memory_space<vmem>>
        tpu.wait_dma2 semaphore(%arg7 : memref<!tpu.dma_semaphore, #tpu.memory_space<semaphore_mem>>) src(%dma_wait3A_652 : memref<1x2048xf32, #tpu.memory_space<vmem>>) dst(%dma_wait3A_649 : memref<1x2048xf32, #tpu.memory_space<hbm>>)
        %dma_wait3A_653 = arith.constant 0 : i32
        %dma_wait3A_654 = arith.constant 0 : i32
        %dma_wait3A_655 = tpu.memref_slice %arg5[%dma_wait3A_653, %dma_wait3A_654] : memref<3x2048xf32, #tpu.memory_space<vmem>> -> memref<1x2048xf32, #tpu.memory_space<vmem>>
        %dma_wait3A_656 = arith.constant 0 : i32
        %dma_wait3A_657 = tpu.memref_slice %arg4[%mul3A_2, %dma_wait3A_656] : memref<32768x2048xf32, #tpu.memory_space<hbm>> -> memref<1x2048xf32, #tpu.memory_space<hbm>>
        %dma_wait3A_658 = arith.constant 0 : i32
        %dma_wait3A_659 = tpu.memref_slice %arg4[%mul3A_2, %dma_wait3A_658] : memref<32768x2048xf32, #tpu.memory_space<hbm>> -> memref<1x2048xf32, #tpu.memory_space<hbm>>
        %dma_wait3A_660 = arith.constant 0 : i32
        %dma_wait3A_661 = arith.constant 0 : i32
        %dma_wait3A_662 = tpu.memref_slice %arg5[%dma_wait3A_660, %dma_wait3A_661] : memref<3x2048xf32, #tpu.memory_space<vmem>> -> memref<1x2048xf32, #tpu.memory_space<vmem>>
        tpu.wait_dma2 semaphore(%arg7 : memref<!tpu.dma_semaphore, #tpu.memory_space<semaphore_mem>>) src(%dma_wait3A_662 : memref<1x2048xf32, #tpu.memory_space<vmem>>) dst(%dma_wait3A_659 : memref<1x2048xf32, #tpu.memory_space<hbm>>)
        %dma_wait3A_663 = arith.constant 0 : i32
        %dma_wait3A_664 = arith.constant 0 : i32
        %dma_wait3A_665 = tpu.memref_slice %arg5[%dma_wait3A_663, %dma_wait3A_664] : memref<3x2048xf32, #tpu.memory_space<vmem>> -> memref<1x2048xf32, #tpu.memory_space<vmem>>
        %dma_wait3A_666 = arith.constant 0 : i32
        %dma_wait3A_667 = tpu.memref_slice %arg4[%mul3A_2, %dma_wait3A_666] : memref<32768x2048xf32, #tpu.memory_space<hbm>> -> memref<1x2048xf32, #tpu.memory_space<hbm>>
        %dma_wait3A_668 = arith.constant 0 : i32
        %dma_wait3A_669 = tpu.memref_slice %arg4[%mul3A_2, %dma_wait3A_668] : memref<32768x2048xf32, #tpu.memory_space<hbm>> -> memref<1x2048xf32, #tpu.memory_space<hbm>>
        %dma_wait3A_670 = arith.constant 0 : i32
        %dma_wait3A_671 = arith.constant 0 : i32
        %dma_wait3A_672 = tpu.memref_slice %arg5[%dma_wait3A_670, %dma_wait3A_671] : memref<3x2048xf32, #tpu.memory_space<vmem>> -> memref<1x2048xf32, #tpu.memory_space<vmem>>
        tpu.wait_dma2 semaphore(%arg7 : memref<!tpu.dma_semaphore, #tpu.memory_space<semaphore_mem>>) src(%dma_wait3A_672 : memref<1x2048xf32, #tpu.memory_space<vmem>>) dst(%dma_wait3A_669 : memref<1x2048xf32, #tpu.memory_space<hbm>>)
        %dma_wait3A_673 = arith.constant 0 : i32
        %dma_wait3A_674 = arith.constant 0 : i32
        %dma_wait3A_675 = tpu.memref_slice %arg5[%dma_wait3A_673, %dma_wait3A_674] : memref<3x2048xf32, #tpu.memory_space<vmem>> -> memref<1x2048xf32, #tpu.memory_space<vmem>>
        %dma_wait3A_676 = arith.constant 0 : i32
        %dma_wait3A_677 = tpu.memref_slice %arg4[%mul3A_2, %dma_wait3A_676] : memref<32768x2048xf32, #tpu.memory_space<hbm>> -> memref<1x2048xf32, #tpu.memory_space<hbm>>
        %dma_wait3A_678 = arith.constant 0 : i32
        %dma_wait3A_679 = tpu.memref_slice %arg4[%mul3A_2, %dma_wait3A_678] : memref<32768x2048xf32, #tpu.memory_space<hbm>> -> memref<1x2048xf32, #tpu.memory_space<hbm>>
        %dma_wait3A_680 = arith.constant 0 : i32
        %dma_wait3A_681 = arith.constant 0 : i32
        %dma_wait3A_682 = tpu.memref_slice %arg5[%dma_wait3A_680, %dma_wait3A_681] : memref<3x2048xf32, #tpu.memory_space<vmem>> -> memref<1x2048xf32, #tpu.memory_space<vmem>>
        tpu.wait_dma2 semaphore(%arg7 : memref<!tpu.dma_semaphore, #tpu.memory_space<semaphore_mem>>) src(%dma_wait3A_682 : memref<1x2048xf32, #tpu.memory_space<vmem>>) dst(%dma_wait3A_679 : memref<1x2048xf32, #tpu.memory_space<hbm>>)
        %dma_wait3A_683 = arith.constant 0 : i32
        %dma_wait3A_684 = arith.constant 0 : i32
        %dma_wait3A_685 = tpu.memref_slice %arg5[%dma_wait3A_683, %dma_wait3A_684] : memref<3x2048xf32, #tpu.memory_space<vmem>> -> memref<1x2048xf32, #tpu.memory_space<vmem>>
        %dma_wait3A_686 = arith.constant 0 : i32
        %dma_wait3A_687 = tpu.memref_slice %arg4[%mul3A_2, %dma_wait3A_686] : memref<32768x2048xf32, #tpu.memory_space<hbm>> -> memref<1x2048xf32, #tpu.memory_space<hbm>>
        %dma_wait3A_688 = arith.constant 0 : i32
        %dma_wait3A_689 = tpu.memref_slice %arg4[%mul3A_2, %dma_wait3A_688] : memref<32768x2048xf32, #tpu.memory_space<hbm>> -> memref<1x2048xf32, #tpu.memory_space<hbm>>
        %dma_wait3A_690 = arith.constant 0 : i32
        %dma_wait3A_691 = arith.constant 0 : i32
        %dma_wait3A_692 = tpu.memref_slice %arg5[%dma_wait3A_690, %dma_wait3A_691] : memref<3x2048xf32, #tpu.memory_space<vmem>> -> memref<1x2048xf32, #tpu.memory_space<vmem>>
        tpu.wait_dma2 semaphore(%arg7 : memref<!tpu.dma_semaphore, #tpu.memory_space<semaphore_mem>>) src(%dma_wait3A_692 : memref<1x2048xf32, #tpu.memory_space<vmem>>) dst(%dma_wait3A_689 : memref<1x2048xf32, #tpu.memory_space<hbm>>)
        %dma_wait3A_693 = arith.constant 0 : i32
        %dma_wait3A_694 = arith.constant 0 : i32
        %dma_wait3A_695 = tpu.memref_slice %arg5[%dma_wait3A_693, %dma_wait3A_694] : memref<3x2048xf32, #tpu.memory_space<vmem>> -> memref<1x2048xf32, #tpu.memory_space<vmem>>
        %dma_wait3A_696 = arith.constant 0 : i32
        %dma_wait3A_697 = tpu.memref_slice %arg4[%mul3A_2, %dma_wait3A_696] : memref<32768x2048xf32, #tpu.memory_space<hbm>> -> memref<1x2048xf32, #tpu.memory_space<hbm>>
        %dma_wait3A_698 = arith.constant 0 : i32
        %dma_wait3A_699 = tpu.memref_slice %arg4[%mul3A_2, %dma_wait3A_698] : memref<32768x2048xf32, #tpu.memory_space<hbm>> -> memref<1x2048xf32, #tpu.memory_space<hbm>>
        %dma_wait3A_700 = arith.constant 0 : i32
        %dma_wait3A_701 = arith.constant 0 : i32
        %dma_wait3A_702 = tpu.memref_slice %arg5[%dma_wait3A_700, %dma_wait3A_701] : memref<3x2048xf32, #tpu.memory_space<vmem>> -> memref<1x2048xf32, #tpu.memory_space<vmem>>
        tpu.wait_dma2 semaphore(%arg7 : memref<!tpu.dma_semaphore, #tpu.memory_space<semaphore_mem>>) src(%dma_wait3A_702 : memref<1x2048xf32, #tpu.memory_space<vmem>>) dst(%dma_wait3A_699 : memref<1x2048xf32, #tpu.memory_space<hbm>>)
        %dma_wait3A_703 = arith.constant 0 : i32
        %dma_wait3A_704 = arith.constant 0 : i32
        %dma_wait3A_705 = tpu.memref_slice %arg5[%dma_wait3A_703, %dma_wait3A_704] : memref<3x2048xf32, #tpu.memory_space<vmem>> -> memref<1x2048xf32, #tpu.memory_space<vmem>>
        %dma_wait3A_706 = arith.constant 0 : i32
        %dma_wait3A_707 = tpu.memref_slice %arg4[%mul3A_2, %dma_wait3A_706] : memref<32768x2048xf32, #tpu.memory_space<hbm>> -> memref<1x2048xf32, #tpu.memory_space<hbm>>
        %dma_wait3A_708 = arith.constant 0 : i32
        %dma_wait3A_709 = tpu.memref_slice %arg4[%mul3A_2, %dma_wait3A_708] : memref<32768x2048xf32, #tpu.memory_space<hbm>> -> memref<1x2048xf32, #tpu.memory_space<hbm>>
        %dma_wait3A_710 = arith.constant 0 : i32
        %dma_wait3A_711 = arith.constant 0 : i32
        %dma_wait3A_712 = tpu.memref_slice %arg5[%dma_wait3A_710, %dma_wait3A_711] : memref<3x2048xf32, #tpu.memory_space<vmem>> -> memref<1x2048xf32, #tpu.memory_space<vmem>>
        tpu.wait_dma2 semaphore(%arg7 : memref<!tpu.dma_semaphore, #tpu.memory_space<semaphore_mem>>) src(%dma_wait3A_712 : memref<1x2048xf32, #tpu.memory_space<vmem>>) dst(%dma_wait3A_709 : memref<1x2048xf32, #tpu.memory_space<hbm>>)
        %dma_wait3A_713 = arith.constant 0 : i32
        %dma_wait3A_714 = arith.constant 0 : i32
        %dma_wait3A_715 = tpu.memref_slice %arg5[%dma_wait3A_713, %dma_wait3A_714] : memref<3x2048xf32, #tpu.memory_space<vmem>> -> memref<1x2048xf32, #tpu.memory_space<vmem>>
        %dma_wait3A_716 = arith.constant 0 : i32
        %dma_wait3A_717 = tpu.memref_slice %arg4[%mul3A_2, %dma_wait3A_716] : memref<32768x2048xf32, #tpu.memory_space<hbm>> -> memref<1x2048xf32, #tpu.memory_space<hbm>>
        %dma_wait3A_718 = arith.constant 0 : i32
        %dma_wait3A_719 = tpu.memref_slice %arg4[%mul3A_2, %dma_wait3A_718] : memref<32768x2048xf32, #tpu.memory_space<hbm>> -> memref<1x2048xf32, #tpu.memory_space<hbm>>
        %dma_wait3A_720 = arith.constant 0 : i32
        %dma_wait3A_721 = arith.constant 0 : i32
        %dma_wait3A_722 = tpu.memref_slice %arg5[%dma_wait3A_720, %dma_wait3A_721] : memref<3x2048xf32, #tpu.memory_space<vmem>> -> memref<1x2048xf32, #tpu.memory_space<vmem>>
        tpu.wait_dma2 semaphore(%arg7 : memref<!tpu.dma_semaphore, #tpu.memory_space<semaphore_mem>>) src(%dma_wait3A_722 : memref<1x2048xf32, #tpu.memory_space<vmem>>) dst(%dma_wait3A_719 : memref<1x2048xf32, #tpu.memory_space<hbm>>)
        %dma_wait3A_723 = arith.constant 0 : i32
        %dma_wait3A_724 = arith.constant 0 : i32
        %dma_wait3A_725 = tpu.memref_slice %arg5[%dma_wait3A_723, %dma_wait3A_724] : memref<3x2048xf32, #tpu.memory_space<vmem>> -> memref<1x2048xf32, #tpu.memory_space<vmem>>
        %dma_wait3A_726 = arith.constant 0 : i32
        %dma_wait3A_727 = tpu.memref_slice %arg4[%mul3A_2, %dma_wait3A_726] : memref<32768x2048xf32, #tpu.memory_space<hbm>> -> memref<1x2048xf32, #tpu.memory_space<hbm>>
        %dma_wait3A_728 = arith.constant 0 : i32
        %dma_wait3A_729 = tpu.memref_slice %arg4[%mul3A_2, %dma_wait3A_728] : memref<32768x2048xf32, #tpu.memory_space<hbm>> -> memref<1x2048xf32, #tpu.memory_space<hbm>>
        %dma_wait3A_730 = arith.constant 0 : i32
        %dma_wait3A_731 = arith.constant 0 : i32
        %dma_wait3A_732 = tpu.memref_slice %arg5[%dma_wait3A_730, %dma_wait3A_731] : memref<3x2048xf32, #tpu.memory_space<vmem>> -> memref<1x2048xf32, #tpu.memory_space<vmem>>
        tpu.wait_dma2 semaphore(%arg7 : memref<!tpu.dma_semaphore, #tpu.memory_space<semaphore_mem>>) src(%dma_wait3A_732 : memref<1x2048xf32, #tpu.memory_space<vmem>>) dst(%dma_wait3A_729 : memref<1x2048xf32, #tpu.memory_space<hbm>>)
      } else {
      }
      %scan3A_572 = arith.constant 0 : i32
      scf.yield %scan3A_572 : i32
    }
    %scan3A_8 = arith.constant 64 : i32
    %dma_wait3A = arith.constant 0 : i32
    %dma_wait3A_9 = arith.constant 0 : i32
    %dma_wait3A_10 = tpu.memref_slice %arg5[%dma_wait3A, %dma_wait3A_9] : memref<3x2048xf32, #tpu.memory_space<vmem>> -> memref<1x2048xf32, #tpu.memory_space<vmem>>
    %dma_wait3A_11 = arith.constant 0 : i32
    %dma_wait3A_12 = tpu.memref_slice %arg4[%mul3A_2, %dma_wait3A_11] : memref<32768x2048xf32, #tpu.memory_space<hbm>> -> memref<1x2048xf32, #tpu.memory_space<hbm>>
    %dma_wait3A_13 = arith.constant 0 : i32
    %dma_wait3A_14 = tpu.memref_slice %arg4[%mul3A_2, %dma_wait3A_13] : memref<32768x2048xf32, #tpu.memory_space<hbm>> -> memref<1x2048xf32, #tpu.memory_space<hbm>>
    %dma_wait3A_15 = arith.constant 0 : i32
    %dma_wait3A_16 = arith.constant 0 : i32
    %dma_wait3A_17 = tpu.memref_slice %arg5[%dma_wait3A_15, %dma_wait3A_16] : memref<3x2048xf32, #tpu.memory_space<vmem>> -> memref<1x2048xf32, #tpu.memory_space<vmem>>
    tpu.wait_dma2 semaphore(%arg7 : memref<!tpu.dma_semaphore, #tpu.memory_space<semaphore_mem>>) src(%dma_wait3A_17 : memref<1x2048xf32, #tpu.memory_space<vmem>>) dst(%dma_wait3A_14 : memref<1x2048xf32, #tpu.memory_space<hbm>>)
    %dma_wait3A_18 = arith.constant 0 : i32
    %dma_wait3A_19 = arith.constant 0 : i32
    %dma_wait3A_20 = tpu.memref_slice %arg5[%dma_wait3A_18, %dma_wait3A_19] : memref<3x2048xf32, #tpu.memory_space<vmem>> -> memref<1x2048xf32, #tpu.memory_space<vmem>>
    %dma_wait3A_21 = arith.constant 0 : i32
    %dma_wait3A_22 = tpu.memref_slice %arg4[%mul3A_2, %dma_wait3A_21] : memref<32768x2048xf32, #tpu.memory_space<hbm>> -> memref<1x2048xf32, #tpu.memory_space<hbm>>
    %dma_wait3A_23 = arith.constant 0 : i32
    %dma_wait3A_24 = tpu.memref_slice %arg4[%mul3A_2, %dma_wait3A_23] : memref<32768x2048xf32, #tpu.memory_space<hbm>> -> memref<1x2048xf32, #tpu.memory_space<hbm>>
    %dma_wait3A_25 = arith.constant 0 : i32
    %dma_wait3A_26 = arith.constant 0 : i32
    %dma_wait3A_27 = tpu.memref_slice %arg5[%dma_wait3A_25, %dma_wait3A_26] : memref<3x2048xf32, #tpu.memory_space<vmem>> -> memref<1x2048xf32, #tpu.memory_space<vmem>>
    tpu.wait_dma2 semaphore(%arg7 : memref<!tpu.dma_semaphore, #tpu.memory_space<semaphore_mem>>) src(%dma_wait3A_27 : memref<1x2048xf32, #tpu.memory_space<vmem>>) dst(%dma_wait3A_24 : memref<1x2048xf32, #tpu.memory_space<hbm>>)
    %dma_wait3A_28 = arith.constant 0 : i32
    %dma_wait3A_29 = arith.constant 0 : i32
    %dma_wait3A_30 = tpu.memref_slice %arg5[%dma_wait3A_28, %dma_wait3A_29] : memref<3x2048xf32, #tpu.memory_space<vmem>> -> memref<1x2048xf32, #tpu.memory_space<vmem>>
    %dma_wait3A_31 = arith.constant 0 : i32
    %dma_wait3A_32 = tpu.memref_slice %arg4[%mul3A_2, %dma_wait3A_31] : memref<32768x2048xf32, #tpu.memory_space<hbm>> -> memref<1x2048xf32, #tpu.memory_space<hbm>>
    %dma_wait3A_33 = arith.constant 0 : i32
    %dma_wait3A_34 = tpu.memref_slice %arg4[%mul3A_2, %dma_wait3A_33] : memref<32768x2048xf32, #tpu.memory_space<hbm>> -> memref<1x2048xf32, #tpu.memory_space<hbm>>
    %dma_wait3A_35 = arith.constant 0 : i32
    %dma_wait3A_36 = arith.constant 0 : i32
    %dma_wait3A_37 = tpu.memref_slice %arg5[%dma_wait3A_35, %dma_wait3A_36] : memref<3x2048xf32, #tpu.memory_space<vmem>> -> memref<1x2048xf32, #tpu.memory_space<vmem>>
    tpu.wait_dma2 semaphore(%arg7 : memref<!tpu.dma_semaphore, #tpu.memory_space<semaphore_mem>>) src(%dma_wait3A_37 : memref<1x2048xf32, #tpu.memory_space<vmem>>) dst(%dma_wait3A_34 : memref<1x2048xf32, #tpu.memory_space<hbm>>)
    %dma_wait3A_38 = arith.constant 0 : i32
    %dma_wait3A_39 = arith.constant 0 : i32
    %dma_wait3A_40 = tpu.memref_slice %arg5[%dma_wait3A_38, %dma_wait3A_39] : memref<3x2048xf32, #tpu.memory_space<vmem>> -> memref<1x2048xf32, #tpu.memory_space<vmem>>
    %dma_wait3A_41 = arith.constant 0 : i32
    %dma_wait3A_42 = tpu.memref_slice %arg4[%mul3A_2, %dma_wait3A_41] : memref<32768x2048xf32, #tpu.memory_space<hbm>> -> memref<1x2048xf32, #tpu.memory_space<hbm>>
    %dma_wait3A_43 = arith.constant 0 : i32
    %dma_wait3A_44 = tpu.memref_slice %arg4[%mul3A_2, %dma_wait3A_43] : memref<32768x2048xf32, #tpu.memory_space<hbm>> -> memref<1x2048xf32, #tpu.memory_space<hbm>>
    %dma_wait3A_45 = arith.constant 0 : i32
    %dma_wait3A_46 = arith.constant 0 : i32
    %dma_wait3A_47 = tpu.memref_slice %arg5[%dma_wait3A_45, %dma_wait3A_46] : memref<3x2048xf32, #tpu.memory_space<vmem>> -> memref<1x2048xf32, #tpu.memory_space<vmem>>
    tpu.wait_dma2 semaphore(%arg7 : memref<!tpu.dma_semaphore, #tpu.memory_space<semaphore_mem>>) src(%dma_wait3A_47 : memref<1x2048xf32, #tpu.memory_space<vmem>>) dst(%dma_wait3A_44 : memref<1x2048xf32, #tpu.memory_space<hbm>>)
    %dma_wait3A_48 = arith.constant 0 : i32
    %dma_wait3A_49 = arith.constant 0 : i32
    %dma_wait3A_50 = tpu.memref_slice %arg5[%dma_wait3A_48, %dma_wait3A_49] : memref<3x2048xf32, #tpu.memory_space<vmem>> -> memref<1x2048xf32, #tpu.memory_space<vmem>>
    %dma_wait3A_51 = arith.constant 0 : i32
    %dma_wait3A_52 = tpu.memref_slice %arg4[%mul3A_2, %dma_wait3A_51] : memref<32768x2048xf32, #tpu.memory_space<hbm>> -> memref<1x2048xf32, #tpu.memory_space<hbm>>
    %dma_wait3A_53 = arith.constant 0 : i32
    %dma_wait3A_54 = tpu.memref_slice %arg4[%mul3A_2, %dma_wait3A_53] : memref<32768x2048xf32, #tpu.memory_space<hbm>> -> memref<1x2048xf32, #tpu.memory_space<hbm>>
    %dma_wait3A_55 = arith.constant 0 : i32
    %dma_wait3A_56 = arith.constant 0 : i32
    %dma_wait3A_57 = tpu.memref_slice %arg5[%dma_wait3A_55, %dma_wait3A_56] : memref<3x2048xf32, #tpu.memory_space<vmem>> -> memref<1x2048xf32, #tpu.memory_space<vmem>>
    tpu.wait_dma2 semaphore(%arg7 : memref<!tpu.dma_semaphore, #tpu.memory_space<semaphore_mem>>) src(%dma_wait3A_57 : memref<1x2048xf32, #tpu.memory_space<vmem>>) dst(%dma_wait3A_54 : memref<1x2048xf32, #tpu.memory_space<hbm>>)
    %dma_wait3A_58 = arith.constant 0 : i32
    %dma_wait3A_59 = arith.constant 0 : i32
    %dma_wait3A_60 = tpu.memref_slice %arg5[%dma_wait3A_58, %dma_wait3A_59] : memref<3x2048xf32, #tpu.memory_space<vmem>> -> memref<1x2048xf32, #tpu.memory_space<vmem>>
    %dma_wait3A_61 = arith.constant 0 : i32
    %dma_wait3A_62 = tpu.memref_slice %arg4[%mul3A_2, %dma_wait3A_61] : memref<32768x2048xf32, #tpu.memory_space<hbm>> -> memref<1x2048xf32, #tpu.memory_space<hbm>>
    %dma_wait3A_63 = arith.constant 0 : i32
    %dma_wait3A_64 = tpu.memref_slice %arg4[%mul3A_2, %dma_wait3A_63] : memref<32768x2048xf32, #tpu.memory_space<hbm>> -> memref<1x2048xf32, #tpu.memory_space<hbm>>
    %dma_wait3A_65 = arith.constant 0 : i32
    %dma_wait3A_66 = arith.constant 0 : i32
    %dma_wait3A_67 = tpu.memref_slice %arg5[%dma_wait3A_65, %dma_wait3A_66] : memref<3x2048xf32, #tpu.memory_space<vmem>> -> memref<1x2048xf32, #tpu.memory_space<vmem>>
    tpu.wait_dma2 semaphore(%arg7 : memref<!tpu.dma_semaphore, #tpu.memory_space<semaphore_mem>>) src(%dma_wait3A_67 : memref<1x2048xf32, #tpu.memory_space<vmem>>) dst(%dma_wait3A_64 : memref<1x2048xf32, #tpu.memory_space<hbm>>)
    %dma_wait3A_68 = arith.constant 0 : i32
    %dma_wait3A_69 = arith.constant 0 : i32
    %dma_wait3A_70 = tpu.memref_slice %arg5[%dma_wait3A_68, %dma_wait3A_69] : memref<3x2048xf32, #tpu.memory_space<vmem>> -> memref<1x2048xf32, #tpu.memory_space<vmem>>
    %dma_wait3A_71 = arith.constant 0 : i32
    %dma_wait3A_72 = tpu.memref_slice %arg4[%mul3A_2, %dma_wait3A_71] : memref<32768x2048xf32, #tpu.memory_space<hbm>> -> memref<1x2048xf32, #tpu.memory_space<hbm>>
    %dma_wait3A_73 = arith.constant 0 : i32
    %dma_wait3A_74 = tpu.memref_slice %arg4[%mul3A_2, %dma_wait3A_73] : memref<32768x2048xf32, #tpu.memory_space<hbm>> -> memref<1x2048xf32, #tpu.memory_space<hbm>>
    %dma_wait3A_75 = arith.constant 0 : i32
    %dma_wait3A_76 = arith.constant 0 : i32
    %dma_wait3A_77 = tpu.memref_slice %arg5[%dma_wait3A_75, %dma_wait3A_76] : memref<3x2048xf32, #tpu.memory_space<vmem>> -> memref<1x2048xf32, #tpu.memory_space<vmem>>
    tpu.wait_dma2 semaphore(%arg7 : memref<!tpu.dma_semaphore, #tpu.memory_space<semaphore_mem>>) src(%dma_wait3A_77 : memref<1x2048xf32, #tpu.memory_space<vmem>>) dst(%dma_wait3A_74 : memref<1x2048xf32, #tpu.memory_space<hbm>>)
    %dma_wait3A_78 = arith.constant 0 : i32
    %dma_wait3A_79 = arith.constant 0 : i32
    %dma_wait3A_80 = tpu.memref_slice %arg5[%dma_wait3A_78, %dma_wait3A_79] : memref<3x2048xf32, #tpu.memory_space<vmem>> -> memref<1x2048xf32, #tpu.memory_space<vmem>>
    %dma_wait3A_81 = arith.constant 0 : i32
    %dma_wait3A_82 = tpu.memref_slice %arg4[%mul3A_2, %dma_wait3A_81] : memref<32768x2048xf32, #tpu.memory_space<hbm>> -> memref<1x2048xf32, #tpu.memory_space<hbm>>
    %dma_wait3A_83 = arith.constant 0 : i32
    %dma_wait3A_84 = tpu.memref_slice %arg4[%mul3A_2, %dma_wait3A_83] : memref<32768x2048xf32, #tpu.memory_space<hbm>> -> memref<1x2048xf32, #tpu.memory_space<hbm>>
    %dma_wait3A_85 = arith.constant 0 : i32
    %dma_wait3A_86 = arith.constant 0 : i32
    %dma_wait3A_87 = tpu.memref_slice %arg5[%dma_wait3A_85, %dma_wait3A_86] : memref<3x2048xf32, #tpu.memory_space<vmem>> -> memref<1x2048xf32, #tpu.memory_space<vmem>>
    tpu.wait_dma2 semaphore(%arg7 : memref<!tpu.dma_semaphore, #tpu.memory_space<semaphore_mem>>) src(%dma_wait3A_87 : memref<1x2048xf32, #tpu.memory_space<vmem>>) dst(%dma_wait3A_84 : memref<1x2048xf32, #tpu.memory_space<hbm>>)
    %dma_wait3A_88 = arith.constant 0 : i32
    %dma_wait3A_89 = arith.constant 0 : i32
    %dma_wait3A_90 = tpu.memref_slice %arg5[%dma_wait3A_88, %dma_wait3A_89] : memref<3x2048xf32, #tpu.memory_space<vmem>> -> memref<1x2048xf32, #tpu.memory_space<vmem>>
    %dma_wait3A_91 = arith.constant 0 : i32
    %dma_wait3A_92 = tpu.memref_slice %arg4[%mul3A_2, %dma_wait3A_91] : memref<32768x2048xf32, #tpu.memory_space<hbm>> -> memref<1x2048xf32, #tpu.memory_space<hbm>>
    %dma_wait3A_93 = arith.constant 0 : i32
    %dma_wait3A_94 = tpu.memref_slice %arg4[%mul3A_2, %dma_wait3A_93] : memref<32768x2048xf32, #tpu.memory_space<hbm>> -> memref<1x2048xf32, #tpu.memory_space<hbm>>
    %dma_wait3A_95 = arith.constant 0 : i32
    %dma_wait3A_96 = arith.constant 0 : i32
    %dma_wait3A_97 = tpu.memref_slice %arg5[%dma_wait3A_95, %dma_wait3A_96] : memref<3x2048xf32, #tpu.memory_space<vmem>> -> memref<1x2048xf32, #tpu.memory_space<vmem>>
    tpu.wait_dma2 semaphore(%arg7 : memref<!tpu.dma_semaphore, #tpu.memory_space<semaphore_mem>>) src(%dma_wait3A_97 : memref<1x2048xf32, #tpu.memory_space<vmem>>) dst(%dma_wait3A_94 : memref<1x2048xf32, #tpu.memory_space<hbm>>)
    %dma_wait3A_98 = arith.constant 0 : i32
    %dma_wait3A_99 = arith.constant 0 : i32
    %dma_wait3A_100 = tpu.memref_slice %arg5[%dma_wait3A_98, %dma_wait3A_99] : memref<3x2048xf32, #tpu.memory_space<vmem>> -> memref<1x2048xf32, #tpu.memory_space<vmem>>
    %dma_wait3A_101 = arith.constant 0 : i32
    %dma_wait3A_102 = tpu.memref_slice %arg4[%mul3A_2, %dma_wait3A_101] : memref<32768x2048xf32, #tpu.memory_space<hbm>> -> memref<1x2048xf32, #tpu.memory_space<hbm>>
    %dma_wait3A_103 = arith.constant 0 : i32
    %dma_wait3A_104 = tpu.memref_slice %arg4[%mul3A_2, %dma_wait3A_103] : memref<32768x2048xf32, #tpu.memory_space<hbm>> -> memref<1x2048xf32, #tpu.memory_space<hbm>>
    %dma_wait3A_105 = arith.constant 0 : i32
    %dma_wait3A_106 = arith.constant 0 : i32
    %dma_wait3A_107 = tpu.memref_slice %arg5[%dma_wait3A_105, %dma_wait3A_106] : memref<3x2048xf32, #tpu.memory_space<vmem>> -> memref<1x2048xf32, #tpu.memory_space<vmem>>
    tpu.wait_dma2 semaphore(%arg7 : memref<!tpu.dma_semaphore, #tpu.memory_space<semaphore_mem>>) src(%dma_wait3A_107 : memref<1x2048xf32, #tpu.memory_space<vmem>>) dst(%dma_wait3A_104 : memref<1x2048xf32, #tpu.memory_space<hbm>>)
    %dma_wait3A_108 = arith.constant 0 : i32
    %dma_wait3A_109 = arith.constant 0 : i32
    %dma_wait3A_110 = tpu.memref_slice %arg5[%dma_wait3A_108, %dma_wait3A_109] : memref<3x2048xf32, #tpu.memory_space<vmem>> -> memref<1x2048xf32, #tpu.memory_space<vmem>>
    %dma_wait3A_111 = arith.constant 0 : i32
    %dma_wait3A_112 = tpu.memref_slice %arg4[%mul3A_2, %dma_wait3A_111] : memref<32768x2048xf32, #tpu.memory_space<hbm>> -> memref<1x2048xf32, #tpu.memory_space<hbm>>
    %dma_wait3A_113 = arith.constant 0 : i32
    %dma_wait3A_114 = tpu.memref_slice %arg4[%mul3A_2, %dma_wait3A_113] : memref<32768x2048xf32, #tpu.memory_space<hbm>> -> memref<1x2048xf32, #tpu.memory_space<hbm>>
    %dma_wait3A_115 = arith.constant 0 : i32
    %dma_wait3A_116 = arith.constant 0 : i32
    %dma_wait3A_117 = tpu.memref_slice %arg5[%dma_wait3A_115, %dma_wait3A_116] : memref<3x2048xf32, #tpu.memory_space<vmem>> -> memref<1x2048xf32, #tpu.memory_space<vmem>>
    tpu.wait_dma2 semaphore(%arg7 : memref<!tpu.dma_semaphore, #tpu.memory_space<semaphore_mem>>) src(%dma_wait3A_117 : memref<1x2048xf32, #tpu.memory_space<vmem>>) dst(%dma_wait3A_114 : memref<1x2048xf32, #tpu.memory_space<hbm>>)
    %dma_wait3A_118 = arith.constant 0 : i32
    %dma_wait3A_119 = arith.constant 0 : i32
    %dma_wait3A_120 = tpu.memref_slice %arg5[%dma_wait3A_118, %dma_wait3A_119] : memref<3x2048xf32, #tpu.memory_space<vmem>> -> memref<1x2048xf32, #tpu.memory_space<vmem>>
    %dma_wait3A_121 = arith.constant 0 : i32
    %dma_wait3A_122 = tpu.memref_slice %arg4[%mul3A_2, %dma_wait3A_121] : memref<32768x2048xf32, #tpu.memory_space<hbm>> -> memref<1x2048xf32, #tpu.memory_space<hbm>>
    %dma_wait3A_123 = arith.constant 0 : i32
    %dma_wait3A_124 = tpu.memref_slice %arg4[%mul3A_2, %dma_wait3A_123] : memref<32768x2048xf32, #tpu.memory_space<hbm>> -> memref<1x2048xf32, #tpu.memory_space<hbm>>
    %dma_wait3A_125 = arith.constant 0 : i32
    %dma_wait3A_126 = arith.constant 0 : i32
    %dma_wait3A_127 = tpu.memref_slice %arg5[%dma_wait3A_125, %dma_wait3A_126] : memref<3x2048xf32, #tpu.memory_space<vmem>> -> memref<1x2048xf32, #tpu.memory_space<vmem>>
    tpu.wait_dma2 semaphore(%arg7 : memref<!tpu.dma_semaphore, #tpu.memory_space<semaphore_mem>>) src(%dma_wait3A_127 : memref<1x2048xf32, #tpu.memory_space<vmem>>) dst(%dma_wait3A_124 : memref<1x2048xf32, #tpu.memory_space<hbm>>)
    %dma_wait3A_128 = arith.constant 0 : i32
    %dma_wait3A_129 = arith.constant 0 : i32
    %dma_wait3A_130 = tpu.memref_slice %arg5[%dma_wait3A_128, %dma_wait3A_129] : memref<3x2048xf32, #tpu.memory_space<vmem>> -> memref<1x2048xf32, #tpu.memory_space<vmem>>
    %dma_wait3A_131 = arith.constant 0 : i32
    %dma_wait3A_132 = tpu.memref_slice %arg4[%mul3A_2, %dma_wait3A_131] : memref<32768x2048xf32, #tpu.memory_space<hbm>> -> memref<1x2048xf32, #tpu.memory_space<hbm>>
    %dma_wait3A_133 = arith.constant 0 : i32
    %dma_wait3A_134 = tpu.memref_slice %arg4[%mul3A_2, %dma_wait3A_133] : memref<32768x2048xf32, #tpu.memory_space<hbm>> -> memref<1x2048xf32, #tpu.memory_space<hbm>>
    %dma_wait3A_135 = arith.constant 0 : i32
    %dma_wait3A_136 = arith.constant 0 : i32
    %dma_wait3A_137 = tpu.memref_slice %arg5[%dma_wait3A_135, %dma_wait3A_136] : memref<3x2048xf32, #tpu.memory_space<vmem>> -> memref<1x2048xf32, #tpu.memory_space<vmem>>
    tpu.wait_dma2 semaphore(%arg7 : memref<!tpu.dma_semaphore, #tpu.memory_space<semaphore_mem>>) src(%dma_wait3A_137 : memref<1x2048xf32, #tpu.memory_space<vmem>>) dst(%dma_wait3A_134 : memref<1x2048xf32, #tpu.memory_space<hbm>>)
    %dma_wait3A_138 = arith.constant 0 : i32
    %dma_wait3A_139 = arith.constant 0 : i32
    %dma_wait3A_140 = tpu.memref_slice %arg5[%dma_wait3A_138, %dma_wait3A_139] : memref<3x2048xf32, #tpu.memory_space<vmem>> -> memref<1x2048xf32, #tpu.memory_space<vmem>>
    %dma_wait3A_141 = arith.constant 0 : i32
    %dma_wait3A_142 = tpu.memref_slice %arg4[%mul3A_2, %dma_wait3A_141] : memref<32768x2048xf32, #tpu.memory_space<hbm>> -> memref<1x2048xf32, #tpu.memory_space<hbm>>
    %dma_wait3A_143 = arith.constant 0 : i32
    %dma_wait3A_144 = tpu.memref_slice %arg4[%mul3A_2, %dma_wait3A_143] : memref<32768x2048xf32, #tpu.memory_space<hbm>> -> memref<1x2048xf32, #tpu.memory_space<hbm>>
    %dma_wait3A_145 = arith.constant 0 : i32
    %dma_wait3A_146 = arith.constant 0 : i32
    %dma_wait3A_147 = tpu.memref_slice %arg5[%dma_wait3A_145, %dma_wait3A_146] : memref<3x2048xf32, #tpu.memory_space<vmem>> -> memref<1x2048xf32, #tpu.memory_space<vmem>>
    tpu.wait_dma2 semaphore(%arg7 : memref<!tpu.dma_semaphore, #tpu.memory_space<semaphore_mem>>) src(%dma_wait3A_147 : memref<1x2048xf32, #tpu.memory_space<vmem>>) dst(%dma_wait3A_144 : memref<1x2048xf32, #tpu.memory_space<hbm>>)
    %dma_wait3A_148 = arith.constant 0 : i32
    %dma_wait3A_149 = arith.constant 0 : i32
    %dma_wait3A_150 = tpu.memref_slice %arg5[%dma_wait3A_148, %dma_wait3A_149] : memref<3x2048xf32, #tpu.memory_space<vmem>> -> memref<1x2048xf32, #tpu.memory_space<vmem>>
    %dma_wait3A_151 = arith.constant 0 : i32
    %dma_wait3A_152 = tpu.memref_slice %arg4[%mul3A_2, %dma_wait3A_151] : memref<32768x2048xf32, #tpu.memory_space<hbm>> -> memref<1x2048xf32, #tpu.memory_space<hbm>>
    %dma_wait3A_153 = arith.constant 0 : i32
    %dma_wait3A_154 = tpu.memref_slice %arg4[%mul3A_2, %dma_wait3A_153] : memref<32768x2048xf32, #tpu.memory_space<hbm>> -> memref<1x2048xf32, #tpu.memory_space<hbm>>
    %dma_wait3A_155 = arith.constant 0 : i32
    %dma_wait3A_156 = arith.constant 0 : i32
    %dma_wait3A_157 = tpu.memref_slice %arg5[%dma_wait3A_155, %dma_wait3A_156] : memref<3x2048xf32, #tpu.memory_space<vmem>> -> memref<1x2048xf32, #tpu.memory_space<vmem>>
    tpu.wait_dma2 semaphore(%arg7 : memref<!tpu.dma_semaphore, #tpu.memory_space<semaphore_mem>>) src(%dma_wait3A_157 : memref<1x2048xf32, #tpu.memory_space<vmem>>) dst(%dma_wait3A_154 : memref<1x2048xf32, #tpu.memory_space<hbm>>)
    %dma_wait3A_158 = arith.constant 0 : i32
    %dma_wait3A_159 = arith.constant 0 : i32
    %dma_wait3A_160 = tpu.memref_slice %arg5[%dma_wait3A_158, %dma_wait3A_159] : memref<3x2048xf32, #tpu.memory_space<vmem>> -> memref<1x2048xf32, #tpu.memory_space<vmem>>
    %dma_wait3A_161 = arith.constant 0 : i32
    %dma_wait3A_162 = tpu.memref_slice %arg4[%mul3A_2, %dma_wait3A_161] : memref<32768x2048xf32, #tpu.memory_space<hbm>> -> memref<1x2048xf32, #tpu.memory_space<hbm>>
    %dma_wait3A_163 = arith.constant 0 : i32
    %dma_wait3A_164 = tpu.memref_slice %arg4[%mul3A_2, %dma_wait3A_163] : memref<32768x2048xf32, #tpu.memory_space<hbm>> -> memref<1x2048xf32, #tpu.memory_space<hbm>>
    %dma_wait3A_165 = arith.constant 0 : i32
    %dma_wait3A_166 = arith.constant 0 : i32
    %dma_wait3A_167 = tpu.memref_slice %arg5[%dma_wait3A_165, %dma_wait3A_166] : memref<3x2048xf32, #tpu.memory_space<vmem>> -> memref<1x2048xf32, #tpu.memory_space<vmem>>
    tpu.wait_dma2 semaphore(%arg7 : memref<!tpu.dma_semaphore, #tpu.memory_space<semaphore_mem>>) src(%dma_wait3A_167 : memref<1x2048xf32, #tpu.memory_space<vmem>>) dst(%dma_wait3A_164 : memref<1x2048xf32, #tpu.memory_space<hbm>>)
    %dma_wait3A_168 = arith.constant 0 : i32
    %dma_wait3A_169 = arith.constant 0 : i32
    %dma_wait3A_170 = tpu.memref_slice %arg5[%dma_wait3A_168, %dma_wait3A_169] : memref<3x2048xf32, #tpu.memory_space<vmem>> -> memref<1x2048xf32, #tpu.memory_space<vmem>>
    %dma_wait3A_171 = arith.constant 0 : i32
    %dma_wait3A_172 = tpu.memref_slice %arg4[%mul3A_2, %dma_wait3A_171] : memref<32768x2048xf32, #tpu.memory_space<hbm>> -> memref<1x2048xf32, #tpu.memory_space<hbm>>
    %dma_wait3A_173 = arith.constant 0 : i32
    %dma_wait3A_174 = tpu.memref_slice %arg4[%mul3A_2, %dma_wait3A_173] : memref<32768x2048xf32, #tpu.memory_space<hbm>> -> memref<1x2048xf32, #tpu.memory_space<hbm>>
    %dma_wait3A_175 = arith.constant 0 : i32
    %dma_wait3A_176 = arith.constant 0 : i32
    %dma_wait3A_177 = tpu.memref_slice %arg5[%dma_wait3A_175, %dma_wait3A_176] : memref<3x2048xf32, #tpu.memory_space<vmem>> -> memref<1x2048xf32, #tpu.memory_space<vmem>>
    tpu.wait_dma2 semaphore(%arg7 : memref<!tpu.dma_semaphore, #tpu.memory_space<semaphore_mem>>) src(%dma_wait3A_177 : memref<1x2048xf32, #tpu.memory_space<vmem>>) dst(%dma_wait3A_174 : memref<1x2048xf32, #tpu.memory_space<hbm>>)
    %dma_wait3A_178 = arith.constant 0 : i32
    %dma_wait3A_179 = arith.constant 0 : i32
    %dma_wait3A_180 = tpu.memref_slice %arg5[%dma_wait3A_178, %dma_wait3A_179] : memref<3x2048xf32, #tpu.memory_space<vmem>> -> memref<1x2048xf32, #tpu.memory_space<vmem>>
    %dma_wait3A_181 = arith.constant 0 : i32
    %dma_wait3A_182 = tpu.memref_slice %arg4[%mul3A_2, %dma_wait3A_181] : memref<32768x2048xf32, #tpu.memory_space<hbm>> -> memref<1x2048xf32, #tpu.memory_space<hbm>>
    %dma_wait3A_183 = arith.constant 0 : i32
    %dma_wait3A_184 = tpu.memref_slice %arg4[%mul3A_2, %dma_wait3A_183] : memref<32768x2048xf32, #tpu.memory_space<hbm>> -> memref<1x2048xf32, #tpu.memory_space<hbm>>
    %dma_wait3A_185 = arith.constant 0 : i32
    %dma_wait3A_186 = arith.constant 0 : i32
    %dma_wait3A_187 = tpu.memref_slice %arg5[%dma_wait3A_185, %dma_wait3A_186] : memref<3x2048xf32, #tpu.memory_space<vmem>> -> memref<1x2048xf32, #tpu.memory_space<vmem>>
    tpu.wait_dma2 semaphore(%arg7 : memref<!tpu.dma_semaphore, #tpu.memory_space<semaphore_mem>>) src(%dma_wait3A_187 : memref<1x2048xf32, #tpu.memory_space<vmem>>) dst(%dma_wait3A_184 : memref<1x2048xf32, #tpu.memory_space<hbm>>)
    %dma_wait3A_188 = arith.constant 0 : i32
    %dma_wait3A_189 = arith.constant 0 : i32
    %dma_wait3A_190 = tpu.memref_slice %arg5[%dma_wait3A_188, %dma_wait3A_189] : memref<3x2048xf32, #tpu.memory_space<vmem>> -> memref<1x2048xf32, #tpu.memory_space<vmem>>
    %dma_wait3A_191 = arith.constant 0 : i32
    %dma_wait3A_192 = tpu.memref_slice %arg4[%mul3A_2, %dma_wait3A_191] : memref<32768x2048xf32, #tpu.memory_space<hbm>> -> memref<1x2048xf32, #tpu.memory_space<hbm>>
    %dma_wait3A_193 = arith.constant 0 : i32
    %dma_wait3A_194 = tpu.memref_slice %arg4[%mul3A_2, %dma_wait3A_193] : memref<32768x2048xf32, #tpu.memory_space<hbm>> -> memref<1x2048xf32, #tpu.memory_space<hbm>>
    %dma_wait3A_195 = arith.constant 0 : i32
    %dma_wait3A_196 = arith.constant 0 : i32
    %dma_wait3A_197 = tpu.memref_slice %arg5[%dma_wait3A_195, %dma_wait3A_196] : memref<3x2048xf32, #tpu.memory_space<vmem>> -> memref<1x2048xf32, #tpu.memory_space<vmem>>
    tpu.wait_dma2 semaphore(%arg7 : memref<!tpu.dma_semaphore, #tpu.memory_space<semaphore_mem>>) src(%dma_wait3A_197 : memref<1x2048xf32, #tpu.memory_space<vmem>>) dst(%dma_wait3A_194 : memref<1x2048xf32, #tpu.memory_space<hbm>>)
    %dma_wait3A_198 = arith.constant 0 : i32
    %dma_wait3A_199 = arith.constant 0 : i32
    %dma_wait3A_200 = tpu.memref_slice %arg5[%dma_wait3A_198, %dma_wait3A_199] : memref<3x2048xf32, #tpu.memory_space<vmem>> -> memref<1x2048xf32, #tpu.memory_space<vmem>>
    %dma_wait3A_201 = arith.constant 0 : i32
    %dma_wait3A_202 = tpu.memref_slice %arg4[%mul3A_2, %dma_wait3A_201] : memref<32768x2048xf32, #tpu.memory_space<hbm>> -> memref<1x2048xf32, #tpu.memory_space<hbm>>
    %dma_wait3A_203 = arith.constant 0 : i32
    %dma_wait3A_204 = tpu.memref_slice %arg4[%mul3A_2, %dma_wait3A_203] : memref<32768x2048xf32, #tpu.memory_space<hbm>> -> memref<1x2048xf32, #tpu.memory_space<hbm>>
    %dma_wait3A_205 = arith.constant 0 : i32
    %dma_wait3A_206 = arith.constant 0 : i32
    %dma_wait3A_207 = tpu.memref_slice %arg5[%dma_wait3A_205, %dma_wait3A_206] : memref<3x2048xf32, #tpu.memory_space<vmem>> -> memref<1x2048xf32, #tpu.memory_space<vmem>>
    tpu.wait_dma2 semaphore(%arg7 : memref<!tpu.dma_semaphore, #tpu.memory_space<semaphore_mem>>) src(%dma_wait3A_207 : memref<1x2048xf32, #tpu.memory_space<vmem>>) dst(%dma_wait3A_204 : memref<1x2048xf32, #tpu.memory_space<hbm>>)
    %dma_wait3A_208 = arith.constant 0 : i32
    %dma_wait3A_209 = arith.constant 0 : i32
    %dma_wait3A_210 = tpu.memref_slice %arg5[%dma_wait3A_208, %dma_wait3A_209] : memref<3x2048xf32, #tpu.memory_space<vmem>> -> memref<1x2048xf32, #tpu.memory_space<vmem>>
    %dma_wait3A_211 = arith.constant 0 : i32
    %dma_wait3A_212 = tpu.memref_slice %arg4[%mul3A_2, %dma_wait3A_211] : memref<32768x2048xf32, #tpu.memory_space<hbm>> -> memref<1x2048xf32, #tpu.memory_space<hbm>>
    %dma_wait3A_213 = arith.constant 0 : i32
    %dma_wait3A_214 = tpu.memref_slice %arg4[%mul3A_2, %dma_wait3A_213] : memref<32768x2048xf32, #tpu.memory_space<hbm>> -> memref<1x2048xf32, #tpu.memory_space<hbm>>
    %dma_wait3A_215 = arith.constant 0 : i32
    %dma_wait3A_216 = arith.constant 0 : i32
    %dma_wait3A_217 = tpu.memref_slice %arg5[%dma_wait3A_215, %dma_wait3A_216] : memref<3x2048xf32, #tpu.memory_space<vmem>> -> memref<1x2048xf32, #tpu.memory_space<vmem>>
    tpu.wait_dma2 semaphore(%arg7 : memref<!tpu.dma_semaphore, #tpu.memory_space<semaphore_mem>>) src(%dma_wait3A_217 : memref<1x2048xf32, #tpu.memory_space<vmem>>) dst(%dma_wait3A_214 : memref<1x2048xf32, #tpu.memory_space<hbm>>)
    %dma_wait3A_218 = arith.constant 0 : i32
    %dma_wait3A_219 = arith.constant 0 : i32
    %dma_wait3A_220 = tpu.memref_slice %arg5[%dma_wait3A_218, %dma_wait3A_219] : memref<3x2048xf32, #tpu.memory_space<vmem>> -> memref<1x2048xf32, #tpu.memory_space<vmem>>
    %dma_wait3A_221 = arith.constant 0 : i32
    %dma_wait3A_222 = tpu.memref_slice %arg4[%mul3A_2, %dma_wait3A_221] : memref<32768x2048xf32, #tpu.memory_space<hbm>> -> memref<1x2048xf32, #tpu.memory_space<hbm>>
    %dma_wait3A_223 = arith.constant 0 : i32
    %dma_wait3A_224 = tpu.memref_slice %arg4[%mul3A_2, %dma_wait3A_223] : memref<32768x2048xf32, #tpu.memory_space<hbm>> -> memref<1x2048xf32, #tpu.memory_space<hbm>>
    %dma_wait3A_225 = arith.constant 0 : i32
    %dma_wait3A_226 = arith.constant 0 : i32
    %dma_wait3A_227 = tpu.memref_slice %arg5[%dma_wait3A_225, %dma_wait3A_226] : memref<3x2048xf32, #tpu.memory_space<vmem>> -> memref<1x2048xf32, #tpu.memory_space<vmem>>
    tpu.wait_dma2 semaphore(%arg7 : memref<!tpu.dma_semaphore, #tpu.memory_space<semaphore_mem>>) src(%dma_wait3A_227 : memref<1x2048xf32, #tpu.memory_space<vmem>>) dst(%dma_wait3A_224 : memref<1x2048xf32, #tpu.memory_space<hbm>>)
    %dma_wait3A_228 = arith.constant 0 : i32
    %dma_wait3A_229 = arith.constant 0 : i32
    %dma_wait3A_230 = tpu.memref_slice %arg5[%dma_wait3A_228, %dma_wait3A_229] : memref<3x2048xf32, #tpu.memory_space<vmem>> -> memref<1x2048xf32, #tpu.memory_space<vmem>>
    %dma_wait3A_231 = arith.constant 0 : i32
    %dma_wait3A_232 = tpu.memref_slice %arg4[%mul3A_2, %dma_wait3A_231] : memref<32768x2048xf32, #tpu.memory_space<hbm>> -> memref<1x2048xf32, #tpu.memory_space<hbm>>
    %dma_wait3A_233 = arith.constant 0 : i32
    %dma_wait3A_234 = tpu.memref_slice %arg4[%mul3A_2, %dma_wait3A_233] : memref<32768x2048xf32, #tpu.memory_space<hbm>> -> memref<1x2048xf32, #tpu.memory_space<hbm>>
    %dma_wait3A_235 = arith.constant 0 : i32
    %dma_wait3A_236 = arith.constant 0 : i32
    %dma_wait3A_237 = tpu.memref_slice %arg5[%dma_wait3A_235, %dma_wait3A_236] : memref<3x2048xf32, #tpu.memory_space<vmem>> -> memref<1x2048xf32, #tpu.memory_space<vmem>>
    tpu.wait_dma2 semaphore(%arg7 : memref<!tpu.dma_semaphore, #tpu.memory_space<semaphore_mem>>) src(%dma_wait3A_237 : memref<1x2048xf32, #tpu.memory_space<vmem>>) dst(%dma_wait3A_234 : memref<1x2048xf32, #tpu.memory_space<hbm>>)
    %dma_wait3A_238 = arith.constant 0 : i32
    %dma_wait3A_239 = arith.constant 0 : i32
    %dma_wait3A_240 = tpu.memref_slice %arg5[%dma_wait3A_238, %dma_wait3A_239] : memref<3x2048xf32, #tpu.memory_space<vmem>> -> memref<1x2048xf32, #tpu.memory_space<vmem>>
    %dma_wait3A_241 = arith.constant 0 : i32
    %dma_wait3A_242 = tpu.memref_slice %arg4[%mul3A_2, %dma_wait3A_241] : memref<32768x2048xf32, #tpu.memory_space<hbm>> -> memref<1x2048xf32, #tpu.memory_space<hbm>>
    %dma_wait3A_243 = arith.constant 0 : i32
    %dma_wait3A_244 = tpu.memref_slice %arg4[%mul3A_2, %dma_wait3A_243] : memref<32768x2048xf32, #tpu.memory_space<hbm>> -> memref<1x2048xf32, #tpu.memory_space<hbm>>
    %dma_wait3A_245 = arith.constant 0 : i32
    %dma_wait3A_246 = arith.constant 0 : i32
    %dma_wait3A_247 = tpu.memref_slice %arg5[%dma_wait3A_245, %dma_wait3A_246] : memref<3x2048xf32, #tpu.memory_space<vmem>> -> memref<1x2048xf32, #tpu.memory_space<vmem>>
    tpu.wait_dma2 semaphore(%arg7 : memref<!tpu.dma_semaphore, #tpu.memory_space<semaphore_mem>>) src(%dma_wait3A_247 : memref<1x2048xf32, #tpu.memory_space<vmem>>) dst(%dma_wait3A_244 : memref<1x2048xf32, #tpu.memory_space<hbm>>)
    %dma_wait3A_248 = arith.constant 0 : i32
    %dma_wait3A_249 = arith.constant 0 : i32
    %dma_wait3A_250 = tpu.memref_slice %arg5[%dma_wait3A_248, %dma_wait3A_249] : memref<3x2048xf32, #tpu.memory_space<vmem>> -> memref<1x2048xf32, #tpu.memory_space<vmem>>
    %dma_wait3A_251 = arith.constant 0 : i32
    %dma_wait3A_252 = tpu.memref_slice %arg4[%mul3A_2, %dma_wait3A_251] : memref<32768x2048xf32, #tpu.memory_space<hbm>> -> memref<1x2048xf32, #tpu.memory_space<hbm>>
    %dma_wait3A_253 = arith.constant 0 : i32
    %dma_wait3A_254 = tpu.memref_slice %arg4[%mul3A_2, %dma_wait3A_253] : memref<32768x2048xf32, #tpu.memory_space<hbm>> -> memref<1x2048xf32, #tpu.memory_space<hbm>>
    %dma_wait3A_255 = arith.constant 0 : i32
    %dma_wait3A_256 = arith.constant 0 : i32
    %dma_wait3A_257 = tpu.memref_slice %arg5[%dma_wait3A_255, %dma_wait3A_256] : memref<3x2048xf32, #tpu.memory_space<vmem>> -> memref<1x2048xf32, #tpu.memory_space<vmem>>
    tpu.wait_dma2 semaphore(%arg7 : memref<!tpu.dma_semaphore, #tpu.memory_space<semaphore_mem>>) src(%dma_wait3A_257 : memref<1x2048xf32, #tpu.memory_space<vmem>>) dst(%dma_wait3A_254 : memref<1x2048xf32, #tpu.memory_space<hbm>>)
    %dma_wait3A_258 = arith.constant 0 : i32
    %dma_wait3A_259 = arith.constant 0 : i32
    %dma_wait3A_260 = tpu.memref_slice %arg5[%dma_wait3A_258, %dma_wait3A_259] : memref<3x2048xf32, #tpu.memory_space<vmem>> -> memref<1x2048xf32, #tpu.memory_space<vmem>>
    %dma_wait3A_261 = arith.constant 0 : i32
    %dma_wait3A_262 = tpu.memref_slice %arg4[%mul3A_2, %dma_wait3A_261] : memref<32768x2048xf32, #tpu.memory_space<hbm>> -> memref<1x2048xf32, #tpu.memory_space<hbm>>
    %dma_wait3A_263 = arith.constant 0 : i32
    %dma_wait3A_264 = tpu.memref_slice %arg4[%mul3A_2, %dma_wait3A_263] : memref<32768x2048xf32, #tpu.memory_space<hbm>> -> memref<1x2048xf32, #tpu.memory_space<hbm>>
    %dma_wait3A_265 = arith.constant 0 : i32
    %dma_wait3A_266 = arith.constant 0 : i32
    %dma_wait3A_267 = tpu.memref_slice %arg5[%dma_wait3A_265, %dma_wait3A_266] : memref<3x2048xf32, #tpu.memory_space<vmem>> -> memref<1x2048xf32, #tpu.memory_space<vmem>>
    tpu.wait_dma2 semaphore(%arg7 : memref<!tpu.dma_semaphore, #tpu.memory_space<semaphore_mem>>) src(%dma_wait3A_267 : memref<1x2048xf32, #tpu.memory_space<vmem>>) dst(%dma_wait3A_264 : memref<1x2048xf32, #tpu.memory_space<hbm>>)
    %dma_wait3A_268 = arith.constant 0 : i32
    %dma_wait3A_269 = arith.constant 0 : i32
    %dma_wait3A_270 = tpu.memref_slice %arg5[%dma_wait3A_268, %dma_wait3A_269] : memref<3x2048xf32, #tpu.memory_space<vmem>> -> memref<1x2048xf32, #tpu.memory_space<vmem>>
    %dma_wait3A_271 = arith.constant 0 : i32
    %dma_wait3A_272 = tpu.memref_slice %arg4[%mul3A_2, %dma_wait3A_271] : memref<32768x2048xf32, #tpu.memory_space<hbm>> -> memref<1x2048xf32, #tpu.memory_space<hbm>>
    %dma_wait3A_273 = arith.constant 0 : i32
    %dma_wait3A_274 = tpu.memref_slice %arg4[%mul3A_2, %dma_wait3A_273] : memref<32768x2048xf32, #tpu.memory_space<hbm>> -> memref<1x2048xf32, #tpu.memory_space<hbm>>
    %dma_wait3A_275 = arith.constant 0 : i32
    %dma_wait3A_276 = arith.constant 0 : i32
    %dma_wait3A_277 = tpu.memref_slice %arg5[%dma_wait3A_275, %dma_wait3A_276] : memref<3x2048xf32, #tpu.memory_space<vmem>> -> memref<1x2048xf32, #tpu.memory_space<vmem>>
    tpu.wait_dma2 semaphore(%arg7 : memref<!tpu.dma_semaphore, #tpu.memory_space<semaphore_mem>>) src(%dma_wait3A_277 : memref<1x2048xf32, #tpu.memory_space<vmem>>) dst(%dma_wait3A_274 : memref<1x2048xf32, #tpu.memory_space<hbm>>)
    %dma_wait3A_278 = arith.constant 0 : i32
    %dma_wait3A_279 = arith.constant 0 : i32
    %dma_wait3A_280 = tpu.memref_slice %arg5[%dma_wait3A_278, %dma_wait3A_279] : memref<3x2048xf32, #tpu.memory_space<vmem>> -> memref<1x2048xf32, #tpu.memory_space<vmem>>
    %dma_wait3A_281 = arith.constant 0 : i32
    %dma_wait3A_282 = tpu.memref_slice %arg4[%mul3A_2, %dma_wait3A_281] : memref<32768x2048xf32, #tpu.memory_space<hbm>> -> memref<1x2048xf32, #tpu.memory_space<hbm>>
    %dma_wait3A_283 = arith.constant 0 : i32
    %dma_wait3A_284 = tpu.memref_slice %arg4[%mul3A_2, %dma_wait3A_283] : memref<32768x2048xf32, #tpu.memory_space<hbm>> -> memref<1x2048xf32, #tpu.memory_space<hbm>>
    %dma_wait3A_285 = arith.constant 0 : i32
    %dma_wait3A_286 = arith.constant 0 : i32
    %dma_wait3A_287 = tpu.memref_slice %arg5[%dma_wait3A_285, %dma_wait3A_286] : memref<3x2048xf32, #tpu.memory_space<vmem>> -> memref<1x2048xf32, #tpu.memory_space<vmem>>
    tpu.wait_dma2 semaphore(%arg7 : memref<!tpu.dma_semaphore, #tpu.memory_space<semaphore_mem>>) src(%dma_wait3A_287 : memref<1x2048xf32, #tpu.memory_space<vmem>>) dst(%dma_wait3A_284 : memref<1x2048xf32, #tpu.memory_space<hbm>>)
    %dma_wait3A_288 = arith.constant 0 : i32
    %dma_wait3A_289 = arith.constant 0 : i32
    %dma_wait3A_290 = tpu.memref_slice %arg5[%dma_wait3A_288, %dma_wait3A_289] : memref<3x2048xf32, #tpu.memory_space<vmem>> -> memref<1x2048xf32, #tpu.memory_space<vmem>>
    %dma_wait3A_291 = arith.constant 0 : i32
    %dma_wait3A_292 = tpu.memref_slice %arg4[%mul3A_2, %dma_wait3A_291] : memref<32768x2048xf32, #tpu.memory_space<hbm>> -> memref<1x2048xf32, #tpu.memory_space<hbm>>
    %dma_wait3A_293 = arith.constant 0 : i32
    %dma_wait3A_294 = tpu.memref_slice %arg4[%mul3A_2, %dma_wait3A_293] : memref<32768x2048xf32, #tpu.memory_space<hbm>> -> memref<1x2048xf32, #tpu.memory_space<hbm>>
    %dma_wait3A_295 = arith.constant 0 : i32
    %dma_wait3A_296 = arith.constant 0 : i32
    %dma_wait3A_297 = tpu.memref_slice %arg5[%dma_wait3A_295, %dma_wait3A_296] : memref<3x2048xf32, #tpu.memory_space<vmem>> -> memref<1x2048xf32, #tpu.memory_space<vmem>>
    tpu.wait_dma2 semaphore(%arg7 : memref<!tpu.dma_semaphore, #tpu.memory_space<semaphore_mem>>) src(%dma_wait3A_297 : memref<1x2048xf32, #tpu.memory_space<vmem>>) dst(%dma_wait3A_294 : memref<1x2048xf32, #tpu.memory_space<hbm>>)
    %dma_wait3A_298 = arith.constant 0 : i32
    %dma_wait3A_299 = arith.constant 0 : i32
    %dma_wait3A_300 = tpu.memref_slice %arg5[%dma_wait3A_298, %dma_wait3A_299] : memref<3x2048xf32, #tpu.memory_space<vmem>> -> memref<1x2048xf32, #tpu.memory_space<vmem>>
    %dma_wait3A_301 = arith.constant 0 : i32
    %dma_wait3A_302 = tpu.memref_slice %arg4[%mul3A_2, %dma_wait3A_301] : memref<32768x2048xf32, #tpu.memory_space<hbm>> -> memref<1x2048xf32, #tpu.memory_space<hbm>>
    %dma_wait3A_303 = arith.constant 0 : i32
    %dma_wait3A_304 = tpu.memref_slice %arg4[%mul3A_2, %dma_wait3A_303] : memref<32768x2048xf32, #tpu.memory_space<hbm>> -> memref<1x2048xf32, #tpu.memory_space<hbm>>
    %dma_wait3A_305 = arith.constant 0 : i32
    %dma_wait3A_306 = arith.constant 0 : i32
    %dma_wait3A_307 = tpu.memref_slice %arg5[%dma_wait3A_305, %dma_wait3A_306] : memref<3x2048xf32, #tpu.memory_space<vmem>> -> memref<1x2048xf32, #tpu.memory_space<vmem>>
    tpu.wait_dma2 semaphore(%arg7 : memref<!tpu.dma_semaphore, #tpu.memory_space<semaphore_mem>>) src(%dma_wait3A_307 : memref<1x2048xf32, #tpu.memory_space<vmem>>) dst(%dma_wait3A_304 : memref<1x2048xf32, #tpu.memory_space<hbm>>)
    %dma_wait3A_308 = arith.constant 0 : i32
    %dma_wait3A_309 = arith.constant 0 : i32
    %dma_wait3A_310 = tpu.memref_slice %arg5[%dma_wait3A_308, %dma_wait3A_309] : memref<3x2048xf32, #tpu.memory_space<vmem>> -> memref<1x2048xf32, #tpu.memory_space<vmem>>
    %dma_wait3A_311 = arith.constant 0 : i32
    %dma_wait3A_312 = tpu.memref_slice %arg4[%mul3A_2, %dma_wait3A_311] : memref<32768x2048xf32, #tpu.memory_space<hbm>> -> memref<1x2048xf32, #tpu.memory_space<hbm>>
    %dma_wait3A_313 = arith.constant 0 : i32
    %dma_wait3A_314 = tpu.memref_slice %arg4[%mul3A_2, %dma_wait3A_313] : memref<32768x2048xf32, #tpu.memory_space<hbm>> -> memref<1x2048xf32, #tpu.memory_space<hbm>>
    %dma_wait3A_315 = arith.constant 0 : i32
    %dma_wait3A_316 = arith.constant 0 : i32
    %dma_wait3A_317 = tpu.memref_slice %arg5[%dma_wait3A_315, %dma_wait3A_316] : memref<3x2048xf32, #tpu.memory_space<vmem>> -> memref<1x2048xf32, #tpu.memory_space<vmem>>
    tpu.wait_dma2 semaphore(%arg7 : memref<!tpu.dma_semaphore, #tpu.memory_space<semaphore_mem>>) src(%dma_wait3A_317 : memref<1x2048xf32, #tpu.memory_space<vmem>>) dst(%dma_wait3A_314 : memref<1x2048xf32, #tpu.memory_space<hbm>>)
    %dma_wait3A_318 = arith.constant 0 : i32
    %dma_wait3A_319 = arith.constant 0 : i32
    %dma_wait3A_320 = tpu.memref_slice %arg5[%dma_wait3A_318, %dma_wait3A_319] : memref<3x2048xf32, #tpu.memory_space<vmem>> -> memref<1x2048xf32, #tpu.memory_space<vmem>>
    %dma_wait3A_321 = arith.constant 0 : i32
    %dma_wait3A_322 = tpu.memref_slice %arg4[%mul3A_2, %dma_wait3A_321] : memref<32768x2048xf32, #tpu.memory_space<hbm>> -> memref<1x2048xf32, #tpu.memory_space<hbm>>
    %dma_wait3A_323 = arith.constant 0 : i32
    %dma_wait3A_324 = tpu.memref_slice %arg4[%mul3A_2, %dma_wait3A_323] : memref<32768x2048xf32, #tpu.memory_space<hbm>> -> memref<1x2048xf32, #tpu.memory_space<hbm>>
    %dma_wait3A_325 = arith.constant 0 : i32
    %dma_wait3A_326 = arith.constant 0 : i32
    %dma_wait3A_327 = tpu.memref_slice %arg5[%dma_wait3A_325, %dma_wait3A_326] : memref<3x2048xf32, #tpu.memory_space<vmem>> -> memref<1x2048xf32, #tpu.memory_space<vmem>>
    tpu.wait_dma2 semaphore(%arg7 : memref<!tpu.dma_semaphore, #tpu.memory_space<semaphore_mem>>) src(%dma_wait3A_327 : memref<1x2048xf32, #tpu.memory_space<vmem>>) dst(%dma_wait3A_324 : memref<1x2048xf32, #tpu.memory_space<hbm>>)
    return
  }
}

</mosaic_0001>

<sc_bundles>
// kernel: kernel.3.cloned.1.call-start
scs
__scs_entry_jumppad:
0x0: {  	(pc) =	sbr.rel $0x88, $3  }
0x1: {  	(tag) =	ssettag $0x0;
	lr =	simm.s32 $0x1  }
0x2: {  	[smem:$0x3F9F] =	sst lr;
	_ =	strace $0xD0000000  }
0x3: {  	_ = 	snop  }
0x4: {  	_ = 	snop  }
0x5: {  	_ = 	snop  }
0x6: {  	_ = 	snop  }
0x7: {  	_ = 	snop  }
__scs_overlays_trampoline_lowered:
0x8: {  	[smem:$0x3FAE] =	sst s0  }
0x9: {  	[smem:$0x3FAF] =	sst s1  }
0xa: {  	[smem:$0x3FB0] =	sst s2  }
0xb: {  	[smem:$0x3FB1] =	sst s3  }
0xc: {  	[smem:$0x3FB2] =	sst s4  }
0xd: {  	[smem:$0x3FB3] =	sst s5  }
0xe: {  	[smem:$0x3FB4] =	sst s6  }
0xf: {  	[smem:$0x3FB5] =	sst s7  }
0x10: {  	[smem:$0x3FB6] =	sst s8  }
0x11: {  	[smem:$0x3FB7] =	sst s9;
	s0 =	simm.s32 @!p0 $0x0  }
0x12: {  	s1 =	sld [smem:$0x3F9D];
	s0 =	simm.s32 @p0 $0x1  }
0x13: {  	[smem:$0x3FB8] =	sst s0;
	s0 =	simm.s32 @!p1 $0x0  }
0x14: {  	s2 =	sld [smem:$0x3F9C];
	s0 =	simm.s32 @p1 $0x1  }
0x15: {  	[smem:$0x3FB9] =	sst s0;
	s0 =	simm.s32 @!p2 $0x0  }
0x16: {  	s3 =	sld [smem:$0x3FDB];
	s0 =	simm.s32 @p2 $0x1  }
0x17: {  	s4 =	simm.s32 $0x1BF5;
	[smem:$0x3FBB] =	sst s0  }
0x18: {  	s0 =	sld [smem:$0x3F9E];
	_ =	swait.ge [sflag:s4], $0x0  }
0x19: {  	s7 =	sld [smem:$0x3F9F]  }
0x1a: {  	s8 =	sadd.s32 $0xFFFFE003, lr  }
0x1b: {  	s9 =	sadd.s32 $0xFFFFFEF7, lr;
	s5 =	simm.s32 $0xFFFFFFFF;
	p2 =	slt.u32 s8, $0xFFFFF086  }
0x1c: {  	p1 =	slt.u32 s9, $0xF7A;
	s5 =	simm.s32 @!p2 $0x0  }
0x1d: {  	s5 =	simm.s32 @p1 $0x1;
	p0 =	seq.s32 s7, s2  }
0x1e: {  	s7 =	smul.u32 @!p0 $0xF7A, s2;
	p2 =	seq.s32 @!p0 s5, $0x0  }
0x1f: {  	s9 =	smul.u32 $0xF7A, s1;
	s8 =	simm.s32 @!p0 $0x1BF5;
	p2 =	por !p2, p0  }
0x20: {  	[sflag:s8] =	ssyncset.s32 @!p0 $0xFFFFF086;
	s6 =	sadd.s32 @!p0 s3, s7;
	s7 =	simm.s32 @!p0 $0x108  }
0x21: {  	s3 =	sadd.s32 s3, s9;
	s6 =	sadd.s32 @!p0 $0x88, s6;
	s7 =	simm.s32 @p2 $0x1082  }
0x22: {  	[simem:s7], [sflag:s8] =	dma.local @!p0 [hbm:s6], $0xF7A  }
0x23: {  	s9 =	sor.u32 $0xD0000000, s2;
	s6 =	simm.s32 $0x108;
	_ =	swait.ge @!p0 [sflag:s8], $0x0  }
0x24: {  	s3 =	sadd.s32 $0x88, s3;
	s6 =	simm.s32 @!p1 $0x1082;
	[sflag:s4] =	ssyncset.s32 $0xFFFFF086  }
0x25: {  	[simem:s6], [sflag:s4] =	dma.local [hbm:s3], $0xF7A  }
0x26: {  	[smem:$0x3F9F] =	sst s1;
	(tag) =	ssettag s2;
	_ =	strace s9  }
0x27: {  	s1 =	sld [smem:$0x3FAF]  }
0x28: {  	s2 =	sld [smem:$0x3FB0]  }
0x29: {  	s4 =	sld [smem:$0x3FB2]  }
0x2a: {  	p0 =	seq.s32 s5, $0x0;
	s5 =	sld [smem:$0x3FB3]  }
0x2b: {  	s6 =	sld [smem:$0x3FB4]  }
0x2c: {  	s7 =	sld [smem:$0x3FB5]  }
0x2d: {  	s3 =	simm.s32 $0x108;
	s8 =	sld [smem:$0x3FB6]  }
0x2e: {  	s3 =	simm.s32 @!p0 $0x1082;
	s9 =	sld [smem:$0x3FB7]  }
0x2f: {  	lr =	sadd.s32 s0, s3;
	s0 =	sld [smem:$0x3FAE]  }
0x30: {  	s3 =	sld [smem:$0x3FB1]  }
0x31: {  	[smem:$0x3FBA] =	sst s10  }
0x32: {  	s10 =	sld [smem:$0x3FB8];
	_ =	sdelay $0x3  }
0x33: {  	p0 =	seq.s32 s10, $0x1;
	s10 =	sld [smem:$0x3FBA];
	_ =	sdelay $0x3  }
0x34: {  	[smem:$0x3FBA] =	sst s10  }
0x35: {  	s10 =	sld [smem:$0x3FB9];
	_ =	sdelay $0x3  }
0x36: {  	p1 =	seq.s32 s10, $0x1;
	s10 =	sld [smem:$0x3FBA];
	_ =	sdelay $0x3  }
0x37: {  	[smem:$0x3FBA] =	sst s10  }
0x38: {  	s10 =	sld [smem:$0x3FBB]  }
0x39: {  	_ = 	snop;
	(pc) =	sbr.ind lr, $3  }
0x3a: {  	_ = 	snop  }
0x3b: {  	_ = 	snop  }
0x3c: {  	p2 =	seq.s32 s10, $0x1;
	s10 =	sld [smem:$0x3FBA]  }
0x3d: {  	_ =	shalt  }
0x3e: {  	_ =	shalt  }
0x3f: {  	_ =	shalt  }
0x40: {  	_ =	shalt  }
0x41: {  	_ =	shalt  }
0x42: {  	_ =	shalt  }
0x43: {  	_ =	shalt  }
0x44: {  	_ =	shalt  }
0x45: {  	_ =	shalt  }
0x46: {  	_ =	shalt  }
0x47: {  	_ =	shalt  }
0x48: {  	_ =	shalt  }
0x49: {  	_ =	shalt  }
0x4a: {  	_ =	shalt  }
0x4b: {  	_ =	shalt  }
0x4c: {  	_ =	shalt  }
0x4d: {  	_ =	shalt  }
0x4e: {  	_ =	shalt  }
0x4f: {  	_ =	shalt  }
0x50: {  	_ =	shalt  }
0x51: {  	_ =	shalt  }
0x52: {  	_ =	shalt  }
0x53: {  	_ =	shalt  }
0x54: {  	_ =	shalt  }
0x55: {  	_ =	shalt  }
0x56: {  	_ =	shalt  }
0x57: {  	_ =	shalt  }
0x58: {  	_ =	shalt  }
0x59: {  	_ =	shalt  }
0x5a: {  	_ =	shalt  }
0x5b: {  	_ =	shalt  }
0x5c: {  	_ =	shalt  }
0x5d: {  	_ =	shalt  }
0x5e: {  	_ =	shalt  }
0x5f: {  	_ =	shalt  }
0x60: {  	_ =	shalt  }
0x61: {  	_ =	shalt  }
0x62: {  	_ =	shalt  }
0x63: {  	_ =	shalt  }
0x64: {  	_ =	shalt  }
0x65: {  	_ =	shalt  }
0x66: {  	_ =	shalt  }
0x67: {  	_ =	shalt  }
0x68: {  	_ =	shalt  }
0x69: {  	_ =	shalt  }
0x6a: {  	_ =	shalt  }
0x6b: {  	_ =	shalt  }
0x6c: {  	_ =	shalt  }
0x6d: {  	_ =	shalt  }
0x6e: {  	_ =	shalt  }
0x6f: {  	_ =	shalt  }
0x70: {  	_ =	shalt  }
0x71: {  	_ =	shalt  }
0x72: {  	_ =	shalt  }
0x73: {  	_ =	shalt  }
0x74: {  	_ =	shalt  }
0x75: {  	_ =	shalt  }
0x76: {  	_ =	shalt  }
0x77: {  	_ =	shalt  }
0x78: {  	_ =	shalt  }
0x79: {  	_ =	shalt  }
0x7a: {  	_ =	shalt  }
0x7b: {  	_ =	shalt  }
0x7c: {  	_ =	shalt  }
0x7d: {  	_ =	shalt  }
0x7e: {  	_ =	shalt  }
0x7f: {  	_ =	shalt  }
0x80: {  	_ =	shalt  }
0x81: {  	_ =	shalt  }
0x82: {  	_ =	shalt  }
0x83: {  	_ =	shalt  }
0x84: {  	_ =	shalt  }
0x85: {  	_ =	shalt  }
0x86: {  	_ =	shalt  }
0x87: {  	_ =	shalt  }
.Lfunc_end0:
.L_simem_size_0:
called_computation_lowered:
.L_overlay_start_0:
0x88: {  	s2 =	sld [smem:$0x3FD9]  }
0x89: {  	s3 =	sld [smem:$0x3FFE];
	_ =	sdelay $0x1  }
0x8a: {  	s1 =	srdreg.scid  }
0x8b: {  	s0 =	sand.u32 $0x1, s1  }
0x8c: {  	s17 =	sshll.u32 s0, $0xA;
	s2 =	sadd.s32 s3, s2  }
0x8d: {  	s2 =	sadd.s32 s2, s17  }
0x8e: {  	[smem:$0x3FC6] =	sst s2  }
0x8f: {  	_ = 	snop  }
0x90: {  	s2 =	sld [smem:$0x3FC8]  }
0x91: {  	s18 =	sld [smem:$0x3FD0];
	(tm) =	ssettm $0x1  }
0x92: {  	s4 =	sld [smem:$0x3FFB];
	_ =	sdelay $0x3  }
0x93: {  	_ =	strace s4  }
0x94: {  	s4 =	sld [smem:$0x3FFC];
	_ =	sdelay $0x3  }
0x95: {  	_ =	strace s4  }
0x96: {  	s4 =	sld [smem:$0x3FFD];
	_ =	sdelay $0x3  }
0x97: {  	_ =	strace s4  }
0x98: {  	_ =	strace $0x8FFFFFFF  }
0x99: {  	s19 =	sld [smem:$0x3FDB];
	_ =	sdelay $0x1  }
0x9a: {  	s5 =	simm.s32 $_scs_section_size  }
0x9b: {  	s6 =	simm.s32 $_size__tile_overlayer_lowered;
	s7 =	simm.s32 $_tile_overlayer_lowered  }
0x9c: {  	s22 =	simm.s32 $0x1BFF;
	s21 =	sshll.u32 s7, $0x1;
	s4 =	sadd.s32 s5, s19  }
0x9d: {  	s8 =	simm.s32 $0x0;
	s20 =	sshll.u32 s6, $0x1;
	s6 =	sadd.s32 s21, s4  }
0x9e: {  	[timem:s8], [sflag:s22] =	dma.local [hbm:s6], s20  }
0x9f: {  	_ =	swait.ge [sflag:s22], s20  }
0xa0: {  	s5 =	ssub.s32 $0x0, s20;
	[sflag:s22] =	ssyncset.done $0x0  }
0xa1: {  	[sflag:s22] =	ssyncadd.s32 s5;
	_ =	sdelay $0x1  }
0xa2: {  	s23 =	simm.s32 $0x1B8B  }
0xa3: {  	_ =	swait.ge [sflag:s23], $0x1  }
0xa4: {  	[sflag:s23] =	ssyncset.done $0x0  }
0xa5: {  	s25 =	simm.s32 $0x1B8E;
	s24 =	sld [smem:$0x3FFE];
	[sflag:s23] =	ssyncadd.s32 $0xFFFFFFFF  }
0xa6: {  	s26 =	simm.s32 $execute0_lowered;
	[smem:$0x3FD2] =	sst s25  }
0xa7: {  	s6 =	sshll.u32 s26, $0x1;
	_ =	strace $0x80000046;
	[dreg:$0x1] =	wrdreg $0xFFFFFFFF  }
0xa8: {  	s28 =	simm.s32 $_size_execute0_lowered;
	s4 =	sadd.s32 s4, s6;
	[dreg:$0x0] =	wrdreg $0x0  }
0xa9: {  	s6 =	sshll.u32 s28, $0x1;
	[dreg:$0x2] =	wrdreg s4  }
0xaa: {  	[dreg:$0x3] =	wrdreg s6  }
0xab: {  	[dreg:$0x4] =	wrdreg $0xC0  }
0xac: {  	_ =	task [dreg:s8], $0x5FFFF  }
0xad: {  	[dreg:$0x1] =	wrdreg $0xFFFFFFFF  }
0xae: {  	[dreg:$0x0] =	wrdreg $0x60  }
0xaf: {  	[dreg:$0x2] =	wrdreg s2  }
0xb0: {  	[dreg:$0x3] =	wrdreg s24  }
0xb1: {  	[dreg:$0x4] =	wrdreg s18  }
0xb2: {  	[dreg:$0x5] =	wrdreg $0x9  }
0xb3: {  	_ =	task.clear_ibuf [dreg:s8], $0x6FFFF;
	_ =	strace $0x90000046  }
0xb4: {  	s29 =	simm.s32 $0x9;
	_ =	strace $0x80000048  }
0xb5: {  	_ =	swait.ge [sflag:s29], $0x1  }
0xb6: {  	[sflag:s29] =	ssyncadd.s32 $0xFFFFFFFF  }
0xb7: {  	_ =	strace $0x90000048  }
0xb8: {  	_ =	sfence  }
0xb9: {  	s30 =	sld [smem:$0x0];
	_ =	sdelay $0x2  }
0xba: {  	s31 =	sshll.u32 s1, $0xD;
	s1 =	sshrl.u32 s1, $0x2  }
0xbb: {  	s3 =	sand.u32 $0x4000, s31;
	s1 =	sadd.s32 s1, s30  }
0xbc: {  	s0 =	sor.u32 s3, s0;
	s1 =	sshll.u32 s1, $0x11  }
0xbd: {  	s0 =	sor.u32 s1, s0  }
0xbe: {  	s0 =	sadd.s32 $0x8F2B, s0  }
0xbf: {  	[sflag:s0] =	ssyncadd.remote.s32 $0x1  }
0xc0: {  	_ =	sfence.sel $0xFFFF  }
0xc1: {  	[dreg:$0x0] =	wrdreg $0xFFFFFFFF;
	(pc) =	sbr.abs _section_cstart, $3  }
0xc2: {  	[dreg:$0x1] =	wrdreg $0xFFFFFFFF  }
0xc3: {  	_ =	task.clear_ibuf [dreg:s8], $0x2FFFF;
	_ =	strace $0x9FFFFFFF  }
0xc4: {  	(tm) =	ssettm $0x7FFFFFFF  }
0xc5: {  	_ =	shalt  }
tec
execute0_lowered:
.L_overlay_start_1:
0x0: {  	(tag) =	ssettag $0x1  }
0x1: {  	s4 =	rddreg [dreg:$0x1]  }
0x2: {  	s5 =	rddreg [dreg:$0x2]  }
0x3: {  	s3 =	srdreg.scid;
	s0 =	stileid.u32  }
0x4: {  	s6 =	sand.u32 $0x1, s3;
	s3 =	simm.s32 $0x0;
	s7 =	sshll.u32 s0, $0xB  }
0x5: {  	s30 =	sshll.u32 s0, $0x13;
	s8 =	sshll.u32 s6, $0xA;
	[smem:$0x7FF] =	sst s3  }
0x6: {  	s29 =	ssub.s32 $0x2, s6;
	s5 =	sadd.s32 s30, s5;
	s6 =	sshll.u32 s6, $0x12  }
0x7: {  	s7 =	sor.u32 s8, s7;
	s31 =	sshrl.u32 s29, $0x1;
	_ =	strace $0x80000047  }
0x8: {  	s6 =	sadd.s32 s6, s5;
	s8 =	simm.s32 $0x0;
	s4 =	sadd.s32 s7, s4  }
0x9: {  	s7 =	ssub.s32 s29, s31;
	[dreg:$0x4] =	wrdreg s6;
	s6 =	simm.s32 $0x2  }
0xa: {  	s4 =	sadd.s32 $0x400, s4;
	s5 =	smax.u32 s7, $0x1;
	s7 =	simm.s32 $0x1  }
.LBB2_1:
0xb: {  	s0 =	rddreg [dreg:$0x0]  }
0xc: {  	[tilespmem:s3], [sflag:$0x2] =	stream.linear.gather [hbm4b:s0+s3], $0x2000, $0x38;
	[tilespmem:$0x4000] =	vst v63  }
0xd: {  	_ =	swait.ge [sflag:s6], $0x2000  }
0xe: {  	[sflag:s6] =	ssyncset.done $0x0  }
0xf: {  	s9 =	simm.s32 $0x2000;
	[sflag:s6] =	ssyncadd.s32 $0xFFFFE000  }
0x10: {  	[tilespmem:s9], [sflag:$0x2] =	stream.linear.gather [hbm4b:s4+s3], $0x2000, $0x38;
	[tilespmem:$0x4000] =	vst v63  }
0x11: {  	_ =	swait.ge [sflag:s6], $0x2000  }
0x12: {  	[sflag:s6] =	ssyncset.done $0x0  }
0x13: {  	[sflag:s6] =	ssyncadd.s32 $0xFFFFE000  }
0x14: {  	v0 =	vld [tilespmem:s9+$0x0];
	_ =	sdelay $0x4  }
0x15: {  	(v2sf) =	vpush v0, $0x0;
	_ =	sdelay $0xe  }
0x16: {  	s10 =	spop (v2sf)  }
0x17: {  	s11 =	sshll.u32 s10, $0xB;
	s10 =	sshll.u32 s10, $0x7  }
0x18: {  	s16 =	rddreg [dreg:$0x4];
	s11 =	sand.u32 $0xFFFFE000, s11;
	s10 =	sand.u32 $0x180, s10  }
0x19: {  	s9 =	sadd.s32 $0x0, s16;
	s10 =	sor.u32 s10, s11  }
0x1a: {  	[hbm4b:s9+s3] =	stream.linear.scatter [tilespmem:s10], [sflag:$0x1], $0x80, $0x38;
	[tilespmem:$0x4000] =	vst v63  }
0x1b: {  	s17 =	sadd.s32 $0x80, s9;
	s12 =	sor.u32 $0x200, s10  }
0x1c: {  	[hbm4b:s17+s3] =	stream.linear.scatter [tilespmem:s12], [sflag:$0x1], $0x80, $0x38;
	[tilespmem:$0x4000] =	vst v63  }
0x1d: {  	s19 =	sadd.s32 $0x100, s9;
	s18 =	sor.u32 $0x400, s10  }
0x1e: {  	[hbm4b:s19+s3] =	stream.linear.scatter [tilespmem:s18], [sflag:$0x1], $0x80, $0x38;
	[tilespmem:$0x4000] =	vst v63  }
0x1f: {  	s21 =	sadd.s32 $0x180, s9;
	s20 =	sor.u32 $0x600, s10  }
0x20: {  	[hbm4b:s21+s3] =	stream.linear.scatter [tilespmem:s20], [sflag:$0x1], $0x80, $0x38;
	[tilespmem:$0x4000] =	vst v63  }
0x21: {  	s23 =	sadd.s32 $0x200, s9;
	s22 =	sor.u32 $0x800, s10  }
0x22: {  	[hbm4b:s23+s3] =	stream.linear.scatter [tilespmem:s22], [sflag:$0x1], $0x80, $0x38;
	[tilespmem:$0x4000] =	vst v63  }
0x23: {  	s25 =	sadd.s32 $0x280, s9;
	s24 =	sor.u32 $0xA00, s10  }
0x24: {  	[hbm4b:s25+s3] =	stream.linear.scatter [tilespmem:s24], [sflag:$0x1], $0x80, $0x38;
	[tilespmem:$0x4000] =	vst v63  }
0x25: {  	s28 =	sadd.s32 $0x300, s9;
	s26 =	sor.u32 $0xC00, s10  }
0x26: {  	(v2sf) =	vpush v0, $0x1;
	[hbm4b:s28+s3] =	stream.linear.scatter [tilespmem:s26], [sflag:$0x1], $0x80, $0x38;
	[tilespmem:$0x4000] =	vst v63  }
0x27: {  	s30 =	sadd.s32 $0x380, s9;
	s29 =	sor.u32 $0xE00, s10  }
0x28: {  	[hbm4b:s30+s3] =	stream.linear.scatter [tilespmem:s29], [sflag:$0x1], $0x80, $0x38;
	[tilespmem:$0x4000] =	vst v63  }
0x29: {  	s0 =	sadd.s32 $0x400, s9;
	s31 =	sor.u32 $0x1000, s10  }
0x2a: {  	[hbm4b:s0+s3] =	stream.linear.scatter [tilespmem:s31], [sflag:$0x1], $0x80, $0x38;
	[tilespmem:$0x4000] =	vst v63  }
0x2b: {  	s2 =	sadd.s32 $0x480, s9;
	s1 =	sor.u32 $0x1200, s10  }
0x2c: {  	[hbm4b:s2+s3] =	stream.linear.scatter [tilespmem:s1], [sflag:$0x1], $0x80, $0x38;
	[tilespmem:$0x4000] =	vst v63  }
0x2d: {  	s13 =	sadd.s32 $0x500, s9;
	s12 =	sor.u32 $0x1400, s10  }
0x2e: {  	[hbm4b:s13+s3] =	stream.linear.scatter [tilespmem:s12], [sflag:$0x1], $0x80, $0x38;
	[tilespmem:$0x4000] =	vst v63  }
0x2f: {  	s15 =	sadd.s32 $0x580, s9;
	s14 =	sor.u32 $0x1600, s10  }
0x30: {  	[hbm4b:s15+s3] =	stream.linear.scatter [tilespmem:s14], [sflag:$0x1], $0x80, $0x38;
	[tilespmem:$0x4000] =	vst v63  }
0x31: {  	s16 =	sor.u32 $0x1800, s10;
	s17 =	sadd.s32 $0x600, s9  }
0x32: {  	[hbm4b:s17+s3] =	stream.linear.scatter [tilespmem:s16], [sflag:$0x1], $0x80, $0x38;
	[tilespmem:$0x4000] =	vst v63  }
0x33: {  	s18 =	sor.u32 $0x1A00, s10;
	s19 =	sadd.s32 $0x680, s9;
	s20 =	sor.u32 $0x1C00, s10  }
0x34: {  	[hbm4b:s19+s3] =	stream.linear.scatter [tilespmem:s18], [sflag:$0x1], $0x80, $0x38;
	[tilespmem:$0x4000] =	vst v63  }
0x35: {  	s21 =	sadd.s32 $0x700, s9;
	s10 =	sor.u32 $0x1E00, s10;
	s22 =	spop (v2sf)  }
0x36: {  	[hbm4b:s21+s3] =	stream.linear.scatter [tilespmem:s20], [sflag:$0x1], $0x80, $0x38;
	[tilespmem:$0x4000] =	vst v63  }
0x37: {  	s23 =	sadd.s32 $0x780, s9;
	s24 =	sshll.u32 s22, $0xB;
	s11 =	sshll.u32 s22, $0x7  }
0x38: {  	[hbm4b:s23+s3] =	stream.linear.scatter [tilespmem:s10], [sflag:$0x1], $0x80, $0x38;
	[tilespmem:$0x4000] =	vst v63  }
0x39: {  	s11 =	sand.u32 $0x180, s11;
	s10 =	sand.u32 $0xFFFFE000, s24  }
0x3a: {  	s25 =	sadd.s32 $0x10, s9;
	s10 =	sor.u32 s11, s10  }
0x3b: {  	[hbm4b:s25+s3] =	stream.linear.scatter [tilespmem:s10], [sflag:$0x1], $0x80, $0x38;
	[tilespmem:$0x4000] =	vst v63  }
0x3c: {  	s28 =	sadd.s32 $0x90, s9;
	s26 =	sor.u32 $0x200, s10  }
0x3d: {  	[hbm4b:s28+s3] =	stream.linear.scatter [tilespmem:s26], [sflag:$0x1], $0x80, $0x38;
	[tilespmem:$0x4000] =	vst v63  }
0x3e: {  	s30 =	sadd.s32 $0x110, s9;
	s29 =	sor.u32 $0x400, s10  }
0x3f: {  	[hbm4b:s30+s3] =	stream.linear.scatter [tilespmem:s29], [sflag:$0x1], $0x80, $0x38;
	[tilespmem:$0x4000] =	vst v63  }
0x40: {  	s0 =	sadd.s32 $0x190, s9;
	s31 =	sor.u32 $0x600, s10  }
0x41: {  	[hbm4b:s0+s3] =	stream.linear.scatter [tilespmem:s31], [sflag:$0x1], $0x80, $0x38;
	[tilespmem:$0x4000] =	vst v63  }
0x42: {  	s2 =	sadd.s32 $0x210, s9;
	s1 =	sor.u32 $0x800, s10  }
0x43: {  	[hbm4b:s2+s3] =	stream.linear.scatter [tilespmem:s1], [sflag:$0x1], $0x80, $0x38;
	[tilespmem:$0x4000] =	vst v63  }
0x44: {  	s14 =	sadd.s32 $0x290, s9;
	s13 =	sor.u32 $0xA00, s10  }
0x45: {  	[hbm4b:s14+s3] =	stream.linear.scatter [tilespmem:s13], [sflag:$0x1], $0x80, $0x38;
	[tilespmem:$0x4000] =	vst v63  }
0x46: {  	s16 =	sadd.s32 $0x310, s9;
	s15 =	sor.u32 $0xC00, s10  }
0x47: {  	(v2sf) =	vpush v0, $0x2;
	[hbm4b:s16+s3] =	stream.linear.scatter [tilespmem:s15], [sflag:$0x1], $0x80, $0x38;
	[tilespmem:$0x4000] =	vst v63  }
0x48: {  	s18 =	sadd.s32 $0x390, s9;
	s17 =	sor.u32 $0xE00, s10  }
0x49: {  	[hbm4b:s18+s3] =	stream.linear.scatter [tilespmem:s17], [sflag:$0x1], $0x80, $0x38;
	[tilespmem:$0x4000] =	vst v63  }
0x4a: {  	s20 =	sadd.s32 $0x410, s9;
	s19 =	sor.u32 $0x1000, s10  }
0x4b: {  	[hbm4b:s20+s3] =	stream.linear.scatter [tilespmem:s19], [sflag:$0x1], $0x80, $0x38;
	[tilespmem:$0x4000] =	vst v63  }
0x4c: {  	s22 =	sadd.s32 $0x490, s9;
	s21 =	sor.u32 $0x1200, s10  }
0x4d: {  	[hbm4b:s22+s3] =	stream.linear.scatter [tilespmem:s21], [sflag:$0x1], $0x80, $0x38;
	[tilespmem:$0x4000] =	vst v63  }
0x4e: {  	s24 =	sadd.s32 $0x510, s9;
	s23 =	sor.u32 $0x1400, s10  }
0x4f: {  	[hbm4b:s24+s3] =	stream.linear.scatter [tilespmem:s23], [sflag:$0x1], $0x80, $0x38;
	[tilespmem:$0x4000] =	vst v63  }
0x50: {  	s25 =	sor.u32 $0x1600, s10;
	s26 =	sadd.s32 $0x590, s9  }
0x51: {  	[hbm4b:s26+s3] =	stream.linear.scatter [tilespmem:s25], [sflag:$0x1], $0x80, $0x38;
	[tilespmem:$0x4000] =	vst v63  }
0x52: {  	s28 =	sor.u32 $0x1800, s10;
	s29 =	sadd.s32 $0x610, s9  }
0x53: {  	[hbm4b:s29+s3] =	stream.linear.scatter [tilespmem:s28], [sflag:$0x1], $0x80, $0x38;
	[tilespmem:$0x4000] =	vst v63  }
0x54: {  	s30 =	sor.u32 $0x1A00, s10;
	s31 =	sadd.s32 $0x690, s9;
	s0 =	sor.u32 $0x1C00, s10  }
0x55: {  	[hbm4b:s31+s3] =	stream.linear.scatter [tilespmem:s30], [sflag:$0x1], $0x80, $0x38;
	[tilespmem:$0x4000] =	vst v63  }
0x56: {  	s10 =	sor.u32 $0x1E00, s10;
	s1 =	sadd.s32 $0x710, s9;
	s2 =	spop (v2sf)  }
0x57: {  	[hbm4b:s1+s3] =	stream.linear.scatter [tilespmem:s0], [sflag:$0x1], $0x80, $0x38;
	[tilespmem:$0x4000] =	vst v63  }
0x58: {  	s11 =	sshll.u32 s2, $0x7;
	s13 =	sadd.s32 $0x790, s9;
	s14 =	sshll.u32 s2, $0xB  }
0x59: {  	[hbm4b:s13+s3] =	stream.linear.scatter [tilespmem:s10], [sflag:$0x1], $0x80, $0x38;
	[tilespmem:$0x4000] =	vst v63  }
0x5a: {  	s11 =	sand.u32 $0x180, s11;
	s10 =	sand.u32 $0xFFFFE000, s14  }
0x5b: {  	s15 =	sadd.s32 $0x20, s9;
	s10 =	sor.u32 s11, s10  }
0x5c: {  	[hbm4b:s15+s3] =	stream.linear.scatter [tilespmem:s10], [sflag:$0x1], $0x80, $0x38;
	[tilespmem:$0x4000] =	vst v63  }
0x5d: {  	s17 =	sadd.s32 $0xA0, s9;
	s16 =	sor.u32 $0x200, s10  }
0x5e: {  	[hbm4b:s17+s3] =	stream.linear.scatter [tilespmem:s16], [sflag:$0x1], $0x80, $0x38;
	[tilespmem:$0x4000] =	vst v63  }
0x5f: {  	s19 =	sadd.s32 $0x120, s9;
	s18 =	sor.u32 $0x400, s10  }
0x60: {  	[hbm4b:s19+s3] =	stream.linear.scatter [tilespmem:s18], [sflag:$0x1], $0x80, $0x38;
	[tilespmem:$0x4000] =	vst v63  }
0x61: {  	s21 =	sadd.s32 $0x1A0, s9;
	s20 =	sor.u32 $0x600, s10  }
0x62: {  	[hbm4b:s21+s3] =	stream.linear.scatter [tilespmem:s20], [sflag:$0x1], $0x80, $0x38;
	[tilespmem:$0x4000] =	vst v63  }
0x63: {  	s23 =	sadd.s32 $0x220, s9;
	s22 =	sor.u32 $0x800, s10  }
0x64: {  	[hbm4b:s23+s3] =	stream.linear.scatter [tilespmem:s22], [sflag:$0x1], $0x80, $0x38;
	[tilespmem:$0x4000] =	vst v63  }
0x65: {  	s25 =	sadd.s32 $0x2A0, s9;
	s24 =	sor.u32 $0xA00, s10  }
0x66: {  	[hbm4b:s25+s3] =	stream.linear.scatter [tilespmem:s24], [sflag:$0x1], $0x80, $0x38;
	[tilespmem:$0x4000] =	vst v63  }
0x67: {  	s28 =	sadd.s32 $0x320, s9;
	s26 =	sor.u32 $0xC00, s10  }
0x68: {  	(v2sf) =	vpush v0, $0x3;
	[hbm4b:s28+s3] =	stream.linear.scatter [tilespmem:s26], [sflag:$0x1], $0x80, $0x38;
	[tilespmem:$0x4000] =	vst v63  }
0x69: {  	s30 =	sadd.s32 $0x3A0, s9;
	s29 =	sor.u32 $0xE00, s10  }
0x6a: {  	[hbm4b:s30+s3] =	stream.linear.scatter [tilespmem:s29], [sflag:$0x1], $0x80, $0x38;
	[tilespmem:$0x4000] =	vst v63  }
0x6b: {  	s0 =	sadd.s32 $0x420, s9;
	s31 =	sor.u32 $0x1000, s10  }
0x6c: {  	[hbm4b:s0+s3] =	stream.linear.scatter [tilespmem:s31], [sflag:$0x1], $0x80, $0x38;
	[tilespmem:$0x4000] =	vst v63  }
0x6d: {  	s2 =	sadd.s32 $0x4A0, s9;
	s1 =	sor.u32 $0x1200, s10  }
0x6e: {  	[hbm4b:s2+s3] =	stream.linear.scatter [tilespmem:s1], [sflag:$0x1], $0x80, $0x38;
	[tilespmem:$0x4000] =	vst v63  }
0x6f: {  	s13 =	sadd.s32 $0x520, s9;
	s12 =	sor.u32 $0x1400, s10  }
0x70: {  	[hbm4b:s13+s3] =	stream.linear.scatter [tilespmem:s12], [sflag:$0x1], $0x80, $0x38;
	[tilespmem:$0x4000] =	vst v63  }
0x71: {  	s14 =	sor.u32 $0x1600, s10;
	s15 =	sadd.s32 $0x5A0, s9  }
0x72: {  	[hbm4b:s15+s3] =	stream.linear.scatter [tilespmem:s14], [sflag:$0x1], $0x80, $0x38;
	[tilespmem:$0x4000] =	vst v63  }
0x73: {  	s16 =	sor.u32 $0x1800, s10;
	s17 =	sadd.s32 $0x620, s9  }
0x74: {  	[hbm4b:s17+s3] =	stream.linear.scatter [tilespmem:s16], [sflag:$0x1], $0x80, $0x38;
	[tilespmem:$0x4000] =	vst v63  }
0x75: {  	s18 =	sor.u32 $0x1A00, s10;
	s19 =	sadd.s32 $0x6A0, s9;
	s20 =	sor.u32 $0x1C00, s10  }
0x76: {  	[hbm4b:s19+s3] =	stream.linear.scatter [tilespmem:s18], [sflag:$0x1], $0x80, $0x38;
	[tilespmem:$0x4000] =	vst v63  }
0x77: {  	s21 =	sadd.s32 $0x720, s9;
	s10 =	sor.u32 $0x1E00, s10;
	s22 =	spop (v2sf)  }
0x78: {  	[hbm4b:s21+s3] =	stream.linear.scatter [tilespmem:s20], [sflag:$0x1], $0x80, $0x38;
	[tilespmem:$0x4000] =	vst v63  }
0x79: {  	s23 =	sadd.s32 $0x7A0, s9;
	s11 =	sshll.u32 s22, $0x7;
	s24 =	sshll.u32 s22, $0xB  }
0x7a: {  	[hbm4b:s23+s3] =	stream.linear.scatter [tilespmem:s10], [sflag:$0x1], $0x80, $0x38;
	[tilespmem:$0x4000] =	vst v63  }
0x7b: {  	s11 =	sand.u32 $0x180, s11;
	s10 =	sand.u32 $0xFFFFE000, s24  }
0x7c: {  	s25 =	sadd.s32 $0x30, s9;
	s10 =	sor.u32 s11, s10  }
0x7d: {  	[hbm4b:s25+s3] =	stream.linear.scatter [tilespmem:s10], [sflag:$0x1], $0x80, $0x38;
	[tilespmem:$0x4000] =	vst v63  }
0x7e: {  	s28 =	sadd.s32 $0xB0, s9;
	s26 =	sor.u32 $0x200, s10  }
0x7f: {  	[hbm4b:s28+s3] =	stream.linear.scatter [tilespmem:s26], [sflag:$0x1], $0x80, $0x38;
	[tilespmem:$0x4000] =	vst v63  }
0x80: {  	s30 =	sadd.s32 $0x130, s9;
	s29 =	sor.u32 $0x400, s10  }
0x81: {  	[hbm4b:s30+s3] =	stream.linear.scatter [tilespmem:s29], [sflag:$0x1], $0x80, $0x38;
	[tilespmem:$0x4000] =	vst v63  }
0x82: {  	s0 =	sadd.s32 $0x1B0, s9;
	s31 =	sor.u32 $0x600, s10  }
0x83: {  	[hbm4b:s0+s3] =	stream.linear.scatter [tilespmem:s31], [sflag:$0x1], $0x80, $0x38;
	[tilespmem:$0x4000] =	vst v63  }
0x84: {  	s2 =	sadd.s32 $0x230, s9;
	s1 =	sor.u32 $0x800, s10  }
0x85: {  	[hbm4b:s2+s3] =	stream.linear.scatter [tilespmem:s1], [sflag:$0x1], $0x80, $0x38;
	[tilespmem:$0x4000] =	vst v63  }
0x86: {  	s14 =	sadd.s32 $0x2B0, s9;
	s13 =	sor.u32 $0xA00, s10  }
0x87: {  	[hbm4b:s14+s3] =	stream.linear.scatter [tilespmem:s13], [sflag:$0x1], $0x80, $0x38;
	[tilespmem:$0x4000] =	vst v63  }
0x88: {  	s16 =	sadd.s32 $0x330, s9;
	s15 =	sor.u32 $0xC00, s10  }
0x89: {  	(v2sf) =	vpush v0, $0x4;
	[hbm4b:s16+s3] =	stream.linear.scatter [tilespmem:s15], [sflag:$0x1], $0x80, $0x38;
	[tilespmem:$0x4000] =	vst v63  }
0x8a: {  	s18 =	sadd.s32 $0x3B0, s9;
	s17 =	sor.u32 $0xE00, s10  }
0x8b: {  	[hbm4b:s18+s3] =	stream.linear.scatter [tilespmem:s17], [sflag:$0x1], $0x80, $0x38;
	[tilespmem:$0x4000] =	vst v63  }
0x8c: {  	s20 =	sadd.s32 $0x430, s9;
	s19 =	sor.u32 $0x1000, s10  }
0x8d: {  	[hbm4b:s20+s3] =	stream.linear.scatter [tilespmem:s19], [sflag:$0x1], $0x80, $0x38;
	[tilespmem:$0x4000] =	vst v63  }
0x8e: {  	s22 =	sadd.s32 $0x4B0, s9;
	s21 =	sor.u32 $0x1200, s10  }
0x8f: {  	[hbm4b:s22+s3] =	stream.linear.scatter [tilespmem:s21], [sflag:$0x1], $0x80, $0x38;
	[tilespmem:$0x4000] =	vst v63  }
0x90: {  	s24 =	sadd.s32 $0x530, s9;
	s23 =	sor.u32 $0x1400, s10  }
0x91: {  	[hbm4b:s24+s3] =	stream.linear.scatter [tilespmem:s23], [sflag:$0x1], $0x80, $0x38;
	[tilespmem:$0x4000] =	vst v63  }
0x92: {  	s25 =	sor.u32 $0x1600, s10;
	s26 =	sadd.s32 $0x5B0, s9  }
0x93: {  	[hbm4b:s26+s3] =	stream.linear.scatter [tilespmem:s25], [sflag:$0x1], $0x80, $0x38;
	[tilespmem:$0x4000] =	vst v63  }
0x94: {  	s28 =	sor.u32 $0x1800, s10;
	s29 =	sadd.s32 $0x630, s9  }
0x95: {  	[hbm4b:s29+s3] =	stream.linear.scatter [tilespmem:s28], [sflag:$0x1], $0x80, $0x38;
	[tilespmem:$0x4000] =	vst v63  }
0x96: {  	s30 =	sor.u32 $0x1A00, s10;
	s31 =	sadd.s32 $0x6B0, s9;
	s0 =	sor.u32 $0x1C00, s10  }
0x97: {  	[hbm4b:s31+s3] =	stream.linear.scatter [tilespmem:s30], [sflag:$0x1], $0x80, $0x38;
	[tilespmem:$0x4000] =	vst v63  }
0x98: {  	s10 =	sor.u32 $0x1E00, s10;
	s1 =	sadd.s32 $0x730, s9;
	s2 =	spop (v2sf)  }
0x99: {  	[hbm4b:s1+s3] =	stream.linear.scatter [tilespmem:s0], [sflag:$0x1], $0x80, $0x38;
	[tilespmem:$0x4000] =	vst v63  }
0x9a: {  	s11 =	sshll.u32 s2, $0x7;
	s13 =	sadd.s32 $0x7B0, s9;
	s14 =	sshll.u32 s2, $0xB  }
0x9b: {  	[hbm4b:s13+s3] =	stream.linear.scatter [tilespmem:s10], [sflag:$0x1], $0x80, $0x38;
	[tilespmem:$0x4000] =	vst v63  }
0x9c: {  	s11 =	sand.u32 $0x180, s11;
	s10 =	sand.u32 $0xFFFFE000, s14  }
0x9d: {  	s15 =	sadd.s32 $0x40, s9;
	s10 =	sor.u32 s11, s10  }
0x9e: {  	[hbm4b:s15+s3] =	stream.linear.scatter [tilespmem:s10], [sflag:$0x1], $0x80, $0x38;
	[tilespmem:$0x4000] =	vst v63  }
0x9f: {  	s17 =	sadd.s32 $0xC0, s9;
	s16 =	sor.u32 $0x200, s10  }
0xa0: {  	[hbm4b:s17+s3] =	stream.linear.scatter [tilespmem:s16], [sflag:$0x1], $0x80, $0x38;
	[tilespmem:$0x4000] =	vst v63  }
0xa1: {  	s19 =	sadd.s32 $0x140, s9;
	s18 =	sor.u32 $0x400, s10  }
0xa2: {  	[hbm4b:s19+s3] =	stream.linear.scatter [tilespmem:s18], [sflag:$0x1], $0x80, $0x38;
	[tilespmem:$0x4000] =	vst v63  }
0xa3: {  	s21 =	sadd.s32 $0x1C0, s9;
	s20 =	sor.u32 $0x600, s10  }
0xa4: {  	[hbm4b:s21+s3] =	stream.linear.scatter [tilespmem:s20], [sflag:$0x1], $0x80, $0x38;
	[tilespmem:$0x4000] =	vst v63  }
0xa5: {  	s23 =	sadd.s32 $0x240, s9;
	s22 =	sor.u32 $0x800, s10  }
0xa6: {  	[hbm4b:s23+s3] =	stream.linear.scatter [tilespmem:s22], [sflag:$0x1], $0x80, $0x38;
	[tilespmem:$0x4000] =	vst v63  }
0xa7: {  	s25 =	sadd.s32 $0x2C0, s9;
	s24 =	sor.u32 $0xA00, s10  }
0xa8: {  	[hbm4b:s25+s3] =	stream.linear.scatter [tilespmem:s24], [sflag:$0x1], $0x80, $0x38;
	[tilespmem:$0x4000] =	vst v63  }
0xa9: {  	s28 =	sadd.s32 $0x340, s9;
	s26 =	sor.u32 $0xC00, s10  }
0xaa: {  	(v2sf) =	vpush v0, $0x5;
	[hbm4b:s28+s3] =	stream.linear.scatter [tilespmem:s26], [sflag:$0x1], $0x80, $0x38;
	[tilespmem:$0x4000] =	vst v63  }
0xab: {  	s30 =	sadd.s32 $0x3C0, s9;
	s29 =	sor.u32 $0xE00, s10  }
0xac: {  	[hbm4b:s30+s3] =	stream.linear.scatter [tilespmem:s29], [sflag:$0x1], $0x80, $0x38;
	[tilespmem:$0x4000] =	vst v63  }
0xad: {  	s0 =	sadd.s32 $0x440, s9;
	s31 =	sor.u32 $0x1000, s10  }
0xae: {  	[hbm4b:s0+s3] =	stream.linear.scatter [tilespmem:s31], [sflag:$0x1], $0x80, $0x38;
	[tilespmem:$0x4000] =	vst v63  }
0xaf: {  	s2 =	sadd.s32 $0x4C0, s9;
	s1 =	sor.u32 $0x1200, s10  }
0xb0: {  	[hbm4b:s2+s3] =	stream.linear.scatter [tilespmem:s1], [sflag:$0x1], $0x80, $0x38;
	[tilespmem:$0x4000] =	vst v63  }
0xb1: {  	s13 =	sadd.s32 $0x540, s9;
	s12 =	sor.u32 $0x1400, s10  }
0xb2: {  	[hbm4b:s13+s3] =	stream.linear.scatter [tilespmem:s12], [sflag:$0x1], $0x80, $0x38;
	[tilespmem:$0x4000] =	vst v63  }
0xb3: {  	s14 =	sor.u32 $0x1600, s10;
	s15 =	sadd.s32 $0x5C0, s9  }
0xb4: {  	[hbm4b:s15+s3] =	stream.linear.scatter [tilespmem:s14], [sflag:$0x1], $0x80, $0x38;
	[tilespmem:$0x4000] =	vst v63  }
0xb5: {  	s16 =	sor.u32 $0x1800, s10;
	s17 =	sadd.s32 $0x640, s9  }
0xb6: {  	[hbm4b:s17+s3] =	stream.linear.scatter [tilespmem:s16], [sflag:$0x1], $0x80, $0x38;
	[tilespmem:$0x4000] =	vst v63  }
0xb7: {  	s18 =	sor.u32 $0x1A00, s10;
	s19 =	sadd.s32 $0x6C0, s9;
	s20 =	sor.u32 $0x1C00, s10  }
0xb8: {  	[hbm4b:s19+s3] =	stream.linear.scatter [tilespmem:s18], [sflag:$0x1], $0x80, $0x38;
	[tilespmem:$0x4000] =	vst v63  }
0xb9: {  	s21 =	sadd.s32 $0x740, s9;
	s10 =	sor.u32 $0x1E00, s10;
	s22 =	spop (v2sf)  }
0xba: {  	[hbm4b:s21+s3] =	stream.linear.scatter [tilespmem:s20], [sflag:$0x1], $0x80, $0x38;
	[tilespmem:$0x4000] =	vst v63  }
0xbb: {  	s23 =	sadd.s32 $0x7C0, s9;
	s11 =	sshll.u32 s22, $0x7;
	s24 =	sshll.u32 s22, $0xB  }
0xbc: {  	[hbm4b:s23+s3] =	stream.linear.scatter [tilespmem:s10], [sflag:$0x1], $0x80, $0x38;
	[tilespmem:$0x4000] =	vst v63  }
0xbd: {  	s11 =	sand.u32 $0x180, s11;
	s10 =	sand.u32 $0xFFFFE000, s24  }
0xbe: {  	s25 =	sadd.s32 $0x50, s9;
	s10 =	sor.u32 s11, s10  }
0xbf: {  	[hbm4b:s25+s3] =	stream.linear.scatter [tilespmem:s10], [sflag:$0x1], $0x80, $0x38;
	[tilespmem:$0x4000] =	vst v63  }
0xc0: {  	s28 =	sadd.s32 $0xD0, s9;
	s26 =	sor.u32 $0x200, s10  }
0xc1: {  	[hbm4b:s28+s3] =	stream.linear.scatter [tilespmem:s26], [sflag:$0x1], $0x80, $0x38;
	[tilespmem:$0x4000] =	vst v63  }
0xc2: {  	s30 =	sadd.s32 $0x150, s9;
	s29 =	sor.u32 $0x400, s10  }
0xc3: {  	[hbm4b:s30+s3] =	stream.linear.scatter [tilespmem:s29], [sflag:$0x1], $0x80, $0x38;
	[tilespmem:$0x4000] =	vst v63  }
0xc4: {  	s0 =	sadd.s32 $0x1D0, s9;
	s31 =	sor.u32 $0x600, s10  }
0xc5: {  	[hbm4b:s0+s3] =	stream.linear.scatter [tilespmem:s31], [sflag:$0x1], $0x80, $0x38;
	[tilespmem:$0x4000] =	vst v63  }
0xc6: {  	s2 =	sadd.s32 $0x250, s9;
	s1 =	sor.u32 $0x800, s10  }
0xc7: {  	[hbm4b:s2+s3] =	stream.linear.scatter [tilespmem:s1], [sflag:$0x1], $0x80, $0x38;
	[tilespmem:$0x4000] =	vst v63  }
0xc8: {  	s14 =	sadd.s32 $0x2D0, s9;
	s13 =	sor.u32 $0xA00, s10  }
0xc9: {  	[hbm4b:s14+s3] =	stream.linear.scatter [tilespmem:s13], [sflag:$0x1], $0x80, $0x38;
	[tilespmem:$0x4000] =	vst v63  }
0xca: {  	s16 =	sadd.s32 $0x350, s9;
	s15 =	sor.u32 $0xC00, s10  }
0xcb: {  	(v2sf) =	vpush v0, $0x6;
	[hbm4b:s16+s3] =	stream.linear.scatter [tilespmem:s15], [sflag:$0x1], $0x80, $0x38;
	[tilespmem:$0x4000] =	vst v63  }
0xcc: {  	s18 =	sadd.s32 $0x3D0, s9;
	s17 =	sor.u32 $0xE00, s10  }
0xcd: {  	[hbm4b:s18+s3] =	stream.linear.scatter [tilespmem:s17], [sflag:$0x1], $0x80, $0x38;
	[tilespmem:$0x4000] =	vst v63  }
0xce: {  	s20 =	sadd.s32 $0x450, s9;
	s19 =	sor.u32 $0x1000, s10  }
0xcf: {  	[hbm4b:s20+s3] =	stream.linear.scatter [tilespmem:s19], [sflag:$0x1], $0x80, $0x38;
	[tilespmem:$0x4000] =	vst v63  }
0xd0: {  	s22 =	sadd.s32 $0x4D0, s9;
	s21 =	sor.u32 $0x1200, s10  }
0xd1: {  	[hbm4b:s22+s3] =	stream.linear.scatter [tilespmem:s21], [sflag:$0x1], $0x80, $0x38;
	[tilespmem:$0x4000] =	vst v63  }
0xd2: {  	s24 =	sadd.s32 $0x550, s9;
	s23 =	sor.u32 $0x1400, s10  }
0xd3: {  	[hbm4b:s24+s3] =	stream.linear.scatter [tilespmem:s23], [sflag:$0x1], $0x80, $0x38;
	[tilespmem:$0x4000] =	vst v63  }
0xd4: {  	s25 =	sor.u32 $0x1600, s10;
	s26 =	sadd.s32 $0x5D0, s9  }
0xd5: {  	[hbm4b:s26+s3] =	stream.linear.scatter [tilespmem:s25], [sflag:$0x1], $0x80, $0x38;
	[tilespmem:$0x4000] =	vst v63  }
0xd6: {  	s28 =	sor.u32 $0x1800, s10;
	s29 =	sadd.s32 $0x650, s9  }
0xd7: {  	[hbm4b:s29+s3] =	stream.linear.scatter [tilespmem:s28], [sflag:$0x1], $0x80, $0x38;
	[tilespmem:$0x4000] =	vst v63  }
0xd8: {  	s30 =	sor.u32 $0x1A00, s10;
	s31 =	sadd.s32 $0x6D0, s9;
	s0 =	sor.u32 $0x1C00, s10  }
0xd9: {  	[hbm4b:s31+s3] =	stream.linear.scatter [tilespmem:s30], [sflag:$0x1], $0x80, $0x38;
	[tilespmem:$0x4000] =	vst v63  }
0xda: {  	s10 =	sor.u32 $0x1E00, s10;
	s1 =	sadd.s32 $0x750, s9;
	s2 =	spop (v2sf)  }
0xdb: {  	[hbm4b:s1+s3] =	stream.linear.scatter [tilespmem:s0], [sflag:$0x1], $0x80, $0x38;
	[tilespmem:$0x4000] =	vst v63  }
0xdc: {  	s11 =	sshll.u32 s2, $0x7;
	s13 =	sadd.s32 $0x7D0, s9;
	s14 =	sshll.u32 s2, $0xB  }
0xdd: {  	[hbm4b:s13+s3] =	stream.linear.scatter [tilespmem:s10], [sflag:$0x1], $0x80, $0x38;
	[tilespmem:$0x4000] =	vst v63  }
0xde: {  	s11 =	sand.u32 $0x180, s11;
	s10 =	sand.u32 $0xFFFFE000, s14  }
0xdf: {  	s15 =	sadd.s32 $0x60, s9;
	s10 =	sor.u32 s11, s10  }
0xe0: {  	[hbm4b:s15+s3] =	stream.linear.scatter [tilespmem:s10], [sflag:$0x1], $0x80, $0x38;
	[tilespmem:$0x4000] =	vst v63  }
0xe1: {  	s17 =	sadd.s32 $0xE0, s9;
	s16 =	sor.u32 $0x200, s10  }
0xe2: {  	[hbm4b:s17+s3] =	stream.linear.scatter [tilespmem:s16], [sflag:$0x1], $0x80, $0x38;
	[tilespmem:$0x4000] =	vst v63  }
0xe3: {  	s19 =	sadd.s32 $0x160, s9;
	s18 =	sor.u32 $0x400, s10  }
0xe4: {  	[hbm4b:s19+s3] =	stream.linear.scatter [tilespmem:s18], [sflag:$0x1], $0x80, $0x38;
	[tilespmem:$0x4000] =	vst v63  }
0xe5: {  	s21 =	sadd.s32 $0x1E0, s9;
	s20 =	sor.u32 $0x600, s10  }
0xe6: {  	[hbm4b:s21+s3] =	stream.linear.scatter [tilespmem:s20], [sflag:$0x1], $0x80, $0x38;
	[tilespmem:$0x4000] =	vst v63  }
0xe7: {  	s23 =	sadd.s32 $0x260, s9;
	s22 =	sor.u32 $0x800, s10  }
0xe8: {  	[hbm4b:s23+s3] =	stream.linear.scatter [tilespmem:s22], [sflag:$0x1], $0x80, $0x38;
	[tilespmem:$0x4000] =	vst v63  }
0xe9: {  	s25 =	sadd.s32 $0x2E0, s9;
	s24 =	sor.u32 $0xA00, s10  }
0xea: {  	[hbm4b:s25+s3] =	stream.linear.scatter [tilespmem:s24], [sflag:$0x1], $0x80, $0x38;
	[tilespmem:$0x4000] =	vst v63  }
0xeb: {  	s28 =	sadd.s32 $0x360, s9;
	s26 =	sor.u32 $0xC00, s10  }
0xec: {  	(v2sf) =	vpush v0, $0x7;
	[hbm4b:s28+s3] =	stream.linear.scatter [tilespmem:s26], [sflag:$0x1], $0x80, $0x38;
	[tilespmem:$0x4000] =	vst v63  }
0xed: {  	s30 =	sadd.s32 $0x3E0, s9;
	s29 =	sor.u32 $0xE00, s10  }
0xee: {  	[hbm4b:s30+s3] =	stream.linear.scatter [tilespmem:s29], [sflag:$0x1], $0x80, $0x38;
	[tilespmem:$0x4000] =	vst v63  }
0xef: {  	s0 =	sadd.s32 $0x460, s9;
	s31 =	sor.u32 $0x1000, s10  }
0xf0: {  	[hbm4b:s0+s3] =	stream.linear.scatter [tilespmem:s31], [sflag:$0x1], $0x80, $0x38;
	[tilespmem:$0x4000] =	vst v63  }
0xf1: {  	s2 =	sadd.s32 $0x4E0, s9;
	s1 =	sor.u32 $0x1200, s10  }
0xf2: {  	[hbm4b:s2+s3] =	stream.linear.scatter [tilespmem:s1], [sflag:$0x1], $0x80, $0x38;
	[tilespmem:$0x4000] =	vst v63  }
0xf3: {  	s13 =	sadd.s32 $0x560, s9;
	s12 =	sor.u32 $0x1400, s10  }
0xf4: {  	[hbm4b:s13+s3] =	stream.linear.scatter [tilespmem:s12], [sflag:$0x1], $0x80, $0x38;
	[tilespmem:$0x4000] =	vst v63  }
0xf5: {  	s14 =	sor.u32 $0x1600, s10;
	s15 =	sadd.s32 $0x5E0, s9  }
0xf6: {  	[hbm4b:s15+s3] =	stream.linear.scatter [tilespmem:s14], [sflag:$0x1], $0x80, $0x38;
	[tilespmem:$0x4000] =	vst v63  }
0xf7: {  	s16 =	sor.u32 $0x1800, s10;
	s17 =	sadd.s32 $0x660, s9  }
0xf8: {  	[hbm4b:s17+s3] =	stream.linear.scatter [tilespmem:s16], [sflag:$0x1], $0x80, $0x38;
	[tilespmem:$0x4000] =	vst v63  }
0xf9: {  	s18 =	sor.u32 $0x1A00, s10;
	s19 =	sadd.s32 $0x6E0, s9;
	s20 =	sor.u32 $0x1C00, s10  }
0xfa: {  	[hbm4b:s19+s3] =	stream.linear.scatter [tilespmem:s18], [sflag:$0x1], $0x80, $0x38;
	[tilespmem:$0x4000] =	vst v63  }
0xfb: {  	s21 =	sadd.s32 $0x760, s9;
	s10 =	sor.u32 $0x1E00, s10;
	s22 =	spop (v2sf)  }
0xfc: {  	[hbm4b:s21+s3] =	stream.linear.scatter [tilespmem:s20], [sflag:$0x1], $0x80, $0x38;
	[tilespmem:$0x4000] =	vst v63  }
0xfd: {  	s23 =	sadd.s32 $0x7E0, s9;
	s11 =	sshll.u32 s22, $0x7;
	s24 =	sshll.u32 s22, $0xB  }
0xfe: {  	[hbm4b:s23+s3] =	stream.linear.scatter [tilespmem:s10], [sflag:$0x1], $0x80, $0x38;
	[tilespmem:$0x4000] =	vst v63  }
0xff: {  	s11 =	sand.u32 $0x180, s11;
	s10 =	sand.u32 $0xFFFFE000, s24  }
0x100: {  	s25 =	sadd.s32 $0x70, s9;
	s10 =	sor.u32 s11, s10  }
0x101: {  	[hbm4b:s25+s3] =	stream.linear.scatter [tilespmem:s10], [sflag:$0x1], $0x80, $0x38;
	[tilespmem:$0x4000] =	vst v63  }
0x102: {  	s28 =	sadd.s32 $0xF0, s9;
	s26 =	sor.u32 $0x200, s10  }
0x103: {  	[hbm4b:s28+s3] =	stream.linear.scatter [tilespmem:s26], [sflag:$0x1], $0x80, $0x38;
	[tilespmem:$0x4000] =	vst v63  }
0x104: {  	s30 =	sadd.s32 $0x170, s9;
	s29 =	sor.u32 $0x400, s10  }
0x105: {  	[hbm4b:s30+s3] =	stream.linear.scatter [tilespmem:s29], [sflag:$0x1], $0x80, $0x38;
	[tilespmem:$0x4000] =	vst v63  }
0x106: {  	s0 =	sadd.s32 $0x1F0, s9;
	s31 =	sor.u32 $0x600, s10  }
0x107: {  	[hbm4b:s0+s3] =	stream.linear.scatter [tilespmem:s31], [sflag:$0x1], $0x80, $0x38;
	[tilespmem:$0x4000] =	vst v63  }
0x108: {  	s2 =	sadd.s32 $0x270, s9;
	s1 =	sor.u32 $0x800, s10  }
0x109: {  	[hbm4b:s2+s3] =	stream.linear.scatter [tilespmem:s1], [sflag:$0x1], $0x80, $0x38;
	[tilespmem:$0x4000] =	vst v63  }
0x10a: {  	s14 =	sadd.s32 $0x2F0, s9;
	s13 =	sor.u32 $0xA00, s10  }
0x10b: {  	[hbm4b:s14+s3] =	stream.linear.scatter [tilespmem:s13], [sflag:$0x1], $0x80, $0x38;
	[tilespmem:$0x4000] =	vst v63  }
0x10c: {  	s16 =	sadd.s32 $0x370, s9;
	s15 =	sor.u32 $0xC00, s10  }
0x10d: {  	(v2sf) =	vpush v0, $0x8;
	[hbm4b:s16+s3] =	stream.linear.scatter [tilespmem:s15], [sflag:$0x1], $0x80, $0x38;
	[tilespmem:$0x4000] =	vst v63  }
0x10e: {  	s18 =	sadd.s32 $0x3F0, s9;
	s17 =	sor.u32 $0xE00, s10  }
0x10f: {  	[hbm4b:s18+s3] =	stream.linear.scatter [tilespmem:s17], [sflag:$0x1], $0x80, $0x38;
	[tilespmem:$0x4000] =	vst v63  }
0x110: {  	s20 =	sadd.s32 $0x470, s9;
	s19 =	sor.u32 $0x1000, s10  }
0x111: {  	[hbm4b:s20+s3] =	stream.linear.scatter [tilespmem:s19], [sflag:$0x1], $0x80, $0x38;
	[tilespmem:$0x4000] =	vst v63  }
0x112: {  	s22 =	sadd.s32 $0x4F0, s9;
	s21 =	sor.u32 $0x1200, s10  }
0x113: {  	[hbm4b:s22+s3] =	stream.linear.scatter [tilespmem:s21], [sflag:$0x1], $0x80, $0x38;
	[tilespmem:$0x4000] =	vst v63  }
0x114: {  	s24 =	sadd.s32 $0x570, s9;
	s23 =	sor.u32 $0x1400, s10  }
0x115: {  	[hbm4b:s24+s3] =	stream.linear.scatter [tilespmem:s23], [sflag:$0x1], $0x80, $0x38;
	[tilespmem:$0x4000] =	vst v63  }
0x116: {  	s25 =	sor.u32 $0x1600, s10;
	s26 =	sadd.s32 $0x5F0, s9  }
0x117: {  	[hbm4b:s26+s3] =	stream.linear.scatter [tilespmem:s25], [sflag:$0x1], $0x80, $0x38;
	[tilespmem:$0x4000] =	vst v63  }
0x118: {  	s28 =	sor.u32 $0x1800, s10;
	s29 =	sadd.s32 $0x670, s9  }
0x119: {  	[hbm4b:s29+s3] =	stream.linear.scatter [tilespmem:s28], [sflag:$0x1], $0x80, $0x38;
	[tilespmem:$0x4000] =	vst v63  }
0x11a: {  	s30 =	sor.u32 $0x1A00, s10;
	s31 =	sadd.s32 $0x6F0, s9;
	s0 =	sor.u32 $0x1C00, s10  }
0x11b: {  	[hbm4b:s31+s3] =	stream.linear.scatter [tilespmem:s30], [sflag:$0x1], $0x80, $0x38;
	[tilespmem:$0x4000] =	vst v63  }
0x11c: {  	s10 =	sor.u32 $0x1E00, s10;
	s1 =	sadd.s32 $0x770, s9;
	s2 =	spop (v2sf)  }
0x11d: {  	[hbm4b:s1+s3] =	stream.linear.scatter [tilespmem:s0], [sflag:$0x1], $0x80, $0x38;
	[tilespmem:$0x4000] =	vst v63  }
0x11e: {  	s11 =	sshll.u32 s2, $0x7;
	s13 =	sadd.s32 $0x7F0, s9;
	s14 =	sshll.u32 s2, $0xB  }
0x11f: {  	[hbm4b:s13+s3] =	stream.linear.scatter [tilespmem:s10], [sflag:$0x1], $0x80, $0x38;
	[tilespmem:$0x4000] =	vst v63  }
0x120: {  	s11 =	sand.u32 $0x180, s11;
	s10 =	sand.u32 $0xFFFFE000, s14  }
0x121: {  	s15 =	sadd.s32 $0x800, s9;
	s10 =	sor.u32 s11, s10  }
0x122: {  	[hbm4b:s15+s3] =	stream.linear.scatter [tilespmem:s10], [sflag:$0x1], $0x80, $0x38;
	[tilespmem:$0x4000] =	vst v63  }
0x123: {  	s17 =	sadd.s32 $0x880, s9;
	s16 =	sor.u32 $0x200, s10  }
0x124: {  	[hbm4b:s17+s3] =	stream.linear.scatter [tilespmem:s16], [sflag:$0x1], $0x80, $0x38;
	[tilespmem:$0x4000] =	vst v63  }
0x125: {  	s19 =	sadd.s32 $0x900, s9;
	s18 =	sor.u32 $0x400, s10  }
0x126: {  	[hbm4b:s19+s3] =	stream.linear.scatter [tilespmem:s18], [sflag:$0x1], $0x80, $0x38;
	[tilespmem:$0x4000] =	vst v63  }
0x127: {  	s21 =	sadd.s32 $0x980, s9;
	s20 =	sor.u32 $0x600, s10  }
0x128: {  	[hbm4b:s21+s3] =	stream.linear.scatter [tilespmem:s20], [sflag:$0x1], $0x80, $0x38;
	[tilespmem:$0x4000] =	vst v63  }
0x129: {  	s23 =	sadd.s32 $0xA00, s9;
	s22 =	sor.u32 $0x800, s10  }
0x12a: {  	[hbm4b:s23+s3] =	stream.linear.scatter [tilespmem:s22], [sflag:$0x1], $0x80, $0x38;
	[tilespmem:$0x4000] =	vst v63  }
0x12b: {  	s25 =	sadd.s32 $0xA80, s9;
	s24 =	sor.u32 $0xA00, s10  }
0x12c: {  	[hbm4b:s25+s3] =	stream.linear.scatter [tilespmem:s24], [sflag:$0x1], $0x80, $0x38;
	[tilespmem:$0x4000] =	vst v63  }
0x12d: {  	s28 =	sadd.s32 $0xB00, s9;
	s26 =	sor.u32 $0xC00, s10  }
0x12e: {  	(v2sf) =	vpush v0, $0x9;
	[hbm4b:s28+s3] =	stream.linear.scatter [tilespmem:s26], [sflag:$0x1], $0x80, $0x38;
	[tilespmem:$0x4000] =	vst v63  }
0x12f: {  	s30 =	sadd.s32 $0xB80, s9;
	s29 =	sor.u32 $0xE00, s10  }
0x130: {  	[hbm4b:s30+s3] =	stream.linear.scatter [tilespmem:s29], [sflag:$0x1], $0x80, $0x38;
	[tilespmem:$0x4000] =	vst v63  }
0x131: {  	s0 =	sadd.s32 $0xC00, s9;
	s31 =	sor.u32 $0x1000, s10  }
0x132: {  	[hbm4b:s0+s3] =	stream.linear.scatter [tilespmem:s31], [sflag:$0x1], $0x80, $0x38;
	[tilespmem:$0x4000] =	vst v63  }
0x133: {  	s2 =	sadd.s32 $0xC80, s9;
	s1 =	sor.u32 $0x1200, s10  }
0x134: {  	[hbm4b:s2+s3] =	stream.linear.scatter [tilespmem:s1], [sflag:$0x1], $0x80, $0x38;
	[tilespmem:$0x4000] =	vst v63  }
0x135: {  	s13 =	sadd.s32 $0xD00, s9;
	s12 =	sor.u32 $0x1400, s10  }
0x136: {  	[hbm4b:s13+s3] =	stream.linear.scatter [tilespmem:s12], [sflag:$0x1], $0x80, $0x38;
	[tilespmem:$0x4000] =	vst v63  }
0x137: {  	s14 =	sor.u32 $0x1600, s10;
	s15 =	sadd.s32 $0xD80, s9  }
0x138: {  	[hbm4b:s15+s3] =	stream.linear.scatter [tilespmem:s14], [sflag:$0x1], $0x80, $0x38;
	[tilespmem:$0x4000] =	vst v63  }
0x139: {  	s16 =	sor.u32 $0x1800, s10;
	s17 =	sadd.s32 $0xE00, s9  }
0x13a: {  	[hbm4b:s17+s3] =	stream.linear.scatter [tilespmem:s16], [sflag:$0x1], $0x80, $0x38;
	[tilespmem:$0x4000] =	vst v63  }
0x13b: {  	s18 =	sor.u32 $0x1A00, s10;
	s19 =	sadd.s32 $0xE80, s9;
	s20 =	sor.u32 $0x1C00, s10  }
0x13c: {  	[hbm4b:s19+s3] =	stream.linear.scatter [tilespmem:s18], [sflag:$0x1], $0x80, $0x38;
	[tilespmem:$0x4000] =	vst v63  }
0x13d: {  	s21 =	sadd.s32 $0xF00, s9;
	s10 =	sor.u32 $0x1E00, s10;
	s22 =	spop (v2sf)  }
0x13e: {  	[hbm4b:s21+s3] =	stream.linear.scatter [tilespmem:s20], [sflag:$0x1], $0x80, $0x38;
	[tilespmem:$0x4000] =	vst v63  }
0x13f: {  	s23 =	sadd.s32 $0xF80, s9;
	s11 =	sshll.u32 s22, $0x7;
	s24 =	sshll.u32 s22, $0xB  }
0x140: {  	[hbm4b:s23+s3] =	stream.linear.scatter [tilespmem:s10], [sflag:$0x1], $0x80, $0x38;
	[tilespmem:$0x4000] =	vst v63  }
0x141: {  	s11 =	sand.u32 $0x180, s11;
	s10 =	sand.u32 $0xFFFFE000, s24  }
0x142: {  	s25 =	sadd.s32 $0x810, s9;
	s10 =	sor.u32 s11, s10  }
0x143: {  	[hbm4b:s25+s3] =	stream.linear.scatter [tilespmem:s10], [sflag:$0x1], $0x80, $0x38;
	[tilespmem:$0x4000] =	vst v63  }
0x144: {  	s28 =	sadd.s32 $0x890, s9;
	s26 =	sor.u32 $0x200, s10  }
0x145: {  	[hbm4b:s28+s3] =	stream.linear.scatter [tilespmem:s26], [sflag:$0x1], $0x80, $0x38;
	[tilespmem:$0x4000] =	vst v63  }
0x146: {  	s30 =	sadd.s32 $0x910, s9;
	s29 =	sor.u32 $0x400, s10  }
0x147: {  	[hbm4b:s30+s3] =	stream.linear.scatter [tilespmem:s29], [sflag:$0x1], $0x80, $0x38;
	[tilespmem:$0x4000] =	vst v63  }
0x148: {  	s0 =	sadd.s32 $0x990, s9;
	s31 =	sor.u32 $0x600, s10  }
0x149: {  	[hbm4b:s0+s3] =	stream.linear.scatter [tilespmem:s31], [sflag:$0x1], $0x80, $0x38;
	[tilespmem:$0x4000] =	vst v63  }
0x14a: {  	s2 =	sadd.s32 $0xA10, s9;
	s1 =	sor.u32 $0x800, s10  }
0x14b: {  	[hbm4b:s2+s3] =	stream.linear.scatter [tilespmem:s1], [sflag:$0x1], $0x80, $0x38;
	[tilespmem:$0x4000] =	vst v63  }
0x14c: {  	s14 =	sadd.s32 $0xA90, s9;
	s13 =	sor.u32 $0xA00, s10  }
0x14d: {  	[hbm4b:s14+s3] =	stream.linear.scatter [tilespmem:s13], [sflag:$0x1], $0x80, $0x38;
	[tilespmem:$0x4000] =	vst v63  }
0x14e: {  	s16 =	sadd.s32 $0xB10, s9;
	s15 =	sor.u32 $0xC00, s10  }
0x14f: {  	(v2sf) =	vpush v0, $0xA;
	[hbm4b:s16+s3] =	stream.linear.scatter [tilespmem:s15], [sflag:$0x1], $0x80, $0x38;
	[tilespmem:$0x4000] =	vst v63  }
0x150: {  	s18 =	sadd.s32 $0xB90, s9;
	s17 =	sor.u32 $0xE00, s10  }
0x151: {  	[hbm4b:s18+s3] =	stream.linear.scatter [tilespmem:s17], [sflag:$0x1], $0x80, $0x38;
	[tilespmem:$0x4000] =	vst v63  }
0x152: {  	s20 =	sadd.s32 $0xC10, s9;
	s19 =	sor.u32 $0x1000, s10  }
0x153: {  	[hbm4b:s20+s3] =	stream.linear.scatter [tilespmem:s19], [sflag:$0x1], $0x80, $0x38;
	[tilespmem:$0x4000] =	vst v63  }
0x154: {  	s22 =	sadd.s32 $0xC90, s9;
	s21 =	sor.u32 $0x1200, s10  }
0x155: {  	[hbm4b:s22+s3] =	stream.linear.scatter [tilespmem:s21], [sflag:$0x1], $0x80, $0x38;
	[tilespmem:$0x4000] =	vst v63  }
0x156: {  	s24 =	sadd.s32 $0xD10, s9;
	s23 =	sor.u32 $0x1400, s10  }
0x157: {  	[hbm4b:s24+s3] =	stream.linear.scatter [tilespmem:s23], [sflag:$0x1], $0x80, $0x38;
	[tilespmem:$0x4000] =	vst v63  }
0x158: {  	s25 =	sor.u32 $0x1600, s10;
	s26 =	sadd.s32 $0xD90, s9  }
0x159: {  	[hbm4b:s26+s3] =	stream.linear.scatter [tilespmem:s25], [sflag:$0x1], $0x80, $0x38;
	[tilespmem:$0x4000] =	vst v63  }
0x15a: {  	s28 =	sor.u32 $0x1800, s10;
	s29 =	sadd.s32 $0xE10, s9  }
0x15b: {  	[hbm4b:s29+s3] =	stream.linear.scatter [tilespmem:s28], [sflag:$0x1], $0x80, $0x38;
	[tilespmem:$0x4000] =	vst v63  }
0x15c: {  	s30 =	sor.u32 $0x1A00, s10;
	s31 =	sadd.s32 $0xE90, s9;
	s0 =	sor.u32 $0x1C00, s10  }
0x15d: {  	[hbm4b:s31+s3] =	stream.linear.scatter [tilespmem:s30], [sflag:$0x1], $0x80, $0x38;
	[tilespmem:$0x4000] =	vst v63  }
0x15e: {  	s10 =	sor.u32 $0x1E00, s10;
	s1 =	sadd.s32 $0xF10, s9;
	s2 =	spop (v2sf)  }
0x15f: {  	[hbm4b:s1+s3] =	stream.linear.scatter [tilespmem:s0], [sflag:$0x1], $0x80, $0x38;
	[tilespmem:$0x4000] =	vst v63  }
0x160: {  	s11 =	sshll.u32 s2, $0x7;
	s13 =	sadd.s32 $0xF90, s9;
	s14 =	sshll.u32 s2, $0xB  }
0x161: {  	[hbm4b:s13+s3] =	stream.linear.scatter [tilespmem:s10], [sflag:$0x1], $0x80, $0x38;
	[tilespmem:$0x4000] =	vst v63  }
0x162: {  	s11 =	sand.u32 $0x180, s11;
	s10 =	sand.u32 $0xFFFFE000, s14  }
0x163: {  	s15 =	sadd.s32 $0x820, s9;
	s10 =	sor.u32 s11, s10  }
0x164: {  	[hbm4b:s15+s3] =	stream.linear.scatter [tilespmem:s10], [sflag:$0x1], $0x80, $0x38;
	[tilespmem:$0x4000] =	vst v63  }
0x165: {  	s17 =	sadd.s32 $0x8A0, s9;
	s16 =	sor.u32 $0x200, s10  }
0x166: {  	[hbm4b:s17+s3] =	stream.linear.scatter [tilespmem:s16], [sflag:$0x1], $0x80, $0x38;
	[tilespmem:$0x4000] =	vst v63  }
0x167: {  	s19 =	sadd.s32 $0x920, s9;
	s18 =	sor.u32 $0x400, s10  }
0x168: {  	[hbm4b:s19+s3] =	stream.linear.scatter [tilespmem:s18], [sflag:$0x1], $0x80, $0x38;
	[tilespmem:$0x4000] =	vst v63  }
0x169: {  	s21 =	sadd.s32 $0x9A0, s9;
	s20 =	sor.u32 $0x600, s10  }
0x16a: {  	[hbm4b:s21+s3] =	stream.linear.scatter [tilespmem:s20], [sflag:$0x1], $0x80, $0x38;
	[tilespmem:$0x4000] =	vst v63  }
0x16b: {  	s23 =	sadd.s32 $0xA20, s9;
	s22 =	sor.u32 $0x800, s10  }
0x16c: {  	[hbm4b:s23+s3] =	stream.linear.scatter [tilespmem:s22], [sflag:$0x1], $0x80, $0x38;
	[tilespmem:$0x4000] =	vst v63  }
0x16d: {  	s25 =	sadd.s32 $0xAA0, s9;
	s24 =	sor.u32 $0xA00, s10  }
0x16e: {  	[hbm4b:s25+s3] =	stream.linear.scatter [tilespmem:s24], [sflag:$0x1], $0x80, $0x38;
	[tilespmem:$0x4000] =	vst v63  }
0x16f: {  	s28 =	sadd.s32 $0xB20, s9;
	s26 =	sor.u32 $0xC00, s10  }
0x170: {  	(v2sf) =	vpush v0, $0xB;
	[hbm4b:s28+s3] =	stream.linear.scatter [tilespmem:s26], [sflag:$0x1], $0x80, $0x38;
	[tilespmem:$0x4000] =	vst v63  }
0x171: {  	s30 =	sadd.s32 $0xBA0, s9;
	s29 =	sor.u32 $0xE00, s10  }
0x172: {  	[hbm4b:s30+s3] =	stream.linear.scatter [tilespmem:s29], [sflag:$0x1], $0x80, $0x38;
	[tilespmem:$0x4000] =	vst v63  }
0x173: {  	s0 =	sadd.s32 $0xC20, s9;
	s31 =	sor.u32 $0x1000, s10  }
0x174: {  	[hbm4b:s0+s3] =	stream.linear.scatter [tilespmem:s31], [sflag:$0x1], $0x80, $0x38;
	[tilespmem:$0x4000] =	vst v63  }
0x175: {  	s2 =	sadd.s32 $0xCA0, s9;
	s1 =	sor.u32 $0x1200, s10  }
0x176: {  	[hbm4b:s2+s3] =	stream.linear.scatter [tilespmem:s1], [sflag:$0x1], $0x80, $0x38;
	[tilespmem:$0x4000] =	vst v63  }
0x177: {  	s13 =	sadd.s32 $0xD20, s9;
	s12 =	sor.u32 $0x1400, s10  }
0x178: {  	[hbm4b:s13+s3] =	stream.linear.scatter [tilespmem:s12], [sflag:$0x1], $0x80, $0x38;
	[tilespmem:$0x4000] =	vst v63  }
0x179: {  	s14 =	sor.u32 $0x1600, s10;
	s15 =	sadd.s32 $0xDA0, s9  }
0x17a: {  	[hbm4b:s15+s3] =	stream.linear.scatter [tilespmem:s14], [sflag:$0x1], $0x80, $0x38;
	[tilespmem:$0x4000] =	vst v63  }
0x17b: {  	s16 =	sor.u32 $0x1800, s10;
	s17 =	sadd.s32 $0xE20, s9  }
0x17c: {  	[hbm4b:s17+s3] =	stream.linear.scatter [tilespmem:s16], [sflag:$0x1], $0x80, $0x38;
	[tilespmem:$0x4000] =	vst v63  }
0x17d: {  	s18 =	sor.u32 $0x1A00, s10;
	s19 =	sadd.s32 $0xEA0, s9;
	s20 =	sor.u32 $0x1C00, s10  }
0x17e: {  	[hbm4b:s19+s3] =	stream.linear.scatter [tilespmem:s18], [sflag:$0x1], $0x80, $0x38;
	[tilespmem:$0x4000] =	vst v63  }
0x17f: {  	s21 =	sadd.s32 $0xF20, s9;
	s10 =	sor.u32 $0x1E00, s10;
	s22 =	spop (v2sf)  }
0x180: {  	[hbm4b:s21+s3] =	stream.linear.scatter [tilespmem:s20], [sflag:$0x1], $0x80, $0x38;
	[tilespmem:$0x4000] =	vst v63  }
0x181: {  	s23 =	sadd.s32 $0xFA0, s9;
	s11 =	sshll.u32 s22, $0x7;
	s24 =	sshll.u32 s22, $0xB  }
0x182: {  	[hbm4b:s23+s3] =	stream.linear.scatter [tilespmem:s10], [sflag:$0x1], $0x80, $0x38;
	[tilespmem:$0x4000] =	vst v63  }
0x183: {  	s11 =	sand.u32 $0x180, s11;
	s10 =	sand.u32 $0xFFFFE000, s24  }
0x184: {  	s25 =	sadd.s32 $0x830, s9;
	s10 =	sor.u32 s11, s10  }
0x185: {  	[hbm4b:s25+s3] =	stream.linear.scatter [tilespmem:s10], [sflag:$0x1], $0x80, $0x38;
	[tilespmem:$0x4000] =	vst v63  }
0x186: {  	s28 =	sadd.s32 $0x8B0, s9;
	s26 =	sor.u32 $0x200, s10  }
0x187: {  	[hbm4b:s28+s3] =	stream.linear.scatter [tilespmem:s26], [sflag:$0x1], $0x80, $0x38;
	[tilespmem:$0x4000] =	vst v63  }
0x188: {  	s30 =	sadd.s32 $0x930, s9;
	s29 =	sor.u32 $0x400, s10  }
0x189: {  	[hbm4b:s30+s3] =	stream.linear.scatter [tilespmem:s29], [sflag:$0x1], $0x80, $0x38;
	[tilespmem:$0x4000] =	vst v63  }
0x18a: {  	s0 =	sadd.s32 $0x9B0, s9;
	s31 =	sor.u32 $0x600, s10  }
0x18b: {  	[hbm4b:s0+s3] =	stream.linear.scatter [tilespmem:s31], [sflag:$0x1], $0x80, $0x38;
	[tilespmem:$0x4000] =	vst v63  }
0x18c: {  	s2 =	sadd.s32 $0xA30, s9;
	s1 =	sor.u32 $0x800, s10  }
0x18d: {  	[hbm4b:s2+s3] =	stream.linear.scatter [tilespmem:s1], [sflag:$0x1], $0x80, $0x38;
	[tilespmem:$0x4000] =	vst v63  }
0x18e: {  	s14 =	sadd.s32 $0xAB0, s9;
	s13 =	sor.u32 $0xA00, s10  }
0x18f: {  	[hbm4b:s14+s3] =	stream.linear.scatter [tilespmem:s13], [sflag:$0x1], $0x80, $0x38;
	[tilespmem:$0x4000] =	vst v63  }
0x190: {  	s16 =	sadd.s32 $0xB30, s9;
	s15 =	sor.u32 $0xC00, s10  }
0x191: {  	(v2sf) =	vpush v0, $0xC;
	[hbm4b:s16+s3] =	stream.linear.scatter [tilespmem:s15], [sflag:$0x1], $0x80, $0x38;
	[tilespmem:$0x4000] =	vst v63  }
0x192: {  	s18 =	sadd.s32 $0xBB0, s9;
	s17 =	sor.u32 $0xE00, s10  }
0x193: {  	[hbm4b:s18+s3] =	stream.linear.scatter [tilespmem:s17], [sflag:$0x1], $0x80, $0x38;
	[tilespmem:$0x4000] =	vst v63  }
0x194: {  	s20 =	sadd.s32 $0xC30, s9;
	s19 =	sor.u32 $0x1000, s10  }
0x195: {  	[hbm4b:s20+s3] =	stream.linear.scatter [tilespmem:s19], [sflag:$0x1], $0x80, $0x38;
	[tilespmem:$0x4000] =	vst v63  }
0x196: {  	s22 =	sadd.s32 $0xCB0, s9;
	s21 =	sor.u32 $0x1200, s10  }
0x197: {  	[hbm4b:s22+s3] =	stream.linear.scatter [tilespmem:s21], [sflag:$0x1], $0x80, $0x38;
	[tilespmem:$0x4000] =	vst v63  }
0x198: {  	s24 =	sadd.s32 $0xD30, s9;
	s23 =	sor.u32 $0x1400, s10  }
0x199: {  	[hbm4b:s24+s3] =	stream.linear.scatter [tilespmem:s23], [sflag:$0x1], $0x80, $0x38;
	[tilespmem:$0x4000] =	vst v63  }
0x19a: {  	s25 =	sor.u32 $0x1600, s10;
	s26 =	sadd.s32 $0xDB0, s9  }
0x19b: {  	[hbm4b:s26+s3] =	stream.linear.scatter [tilespmem:s25], [sflag:$0x1], $0x80, $0x38;
	[tilespmem:$0x4000] =	vst v63  }
0x19c: {  	s28 =	sor.u32 $0x1800, s10;
	s29 =	sadd.s32 $0xE30, s9  }
0x19d: {  	[hbm4b:s29+s3] =	stream.linear.scatter [tilespmem:s28], [sflag:$0x1], $0x80, $0x38;
	[tilespmem:$0x4000] =	vst v63  }
0x19e: {  	s30 =	sor.u32 $0x1A00, s10;
	s31 =	sadd.s32 $0xEB0, s9;
	s0 =	sor.u32 $0x1C00, s10  }
0x19f: {  	[hbm4b:s31+s3] =	stream.linear.scatter [tilespmem:s30], [sflag:$0x1], $0x80, $0x38;
	[tilespmem:$0x4000] =	vst v63  }
0x1a0: {  	s10 =	sor.u32 $0x1E00, s10;
	s1 =	sadd.s32 $0xF30, s9;
	s2 =	spop (v2sf)  }
0x1a1: {  	[hbm4b:s1+s3] =	stream.linear.scatter [tilespmem:s0], [sflag:$0x1], $0x80, $0x38;
	[tilespmem:$0x4000] =	vst v63  }
0x1a2: {  	s11 =	sshll.u32 s2, $0x7;
	s13 =	sadd.s32 $0xFB0, s9;
	s14 =	sshll.u32 s2, $0xB  }
0x1a3: {  	[hbm4b:s13+s3] =	stream.linear.scatter [tilespmem:s10], [sflag:$0x1], $0x80, $0x38;
	[tilespmem:$0x4000] =	vst v63  }
0x1a4: {  	s11 =	sand.u32 $0x180, s11;
	s10 =	sand.u32 $0xFFFFE000, s14  }
0x1a5: {  	s15 =	sadd.s32 $0x840, s9;
	s10 =	sor.u32 s11, s10  }
0x1a6: {  	[hbm4b:s15+s3] =	stream.linear.scatter [tilespmem:s10], [sflag:$0x1], $0x80, $0x38;
	[tilespmem:$0x4000] =	vst v63  }
0x1a7: {  	s17 =	sadd.s32 $0x8C0, s9;
	s16 =	sor.u32 $0x200, s10  }
0x1a8: {  	[hbm4b:s17+s3] =	stream.linear.scatter [tilespmem:s16], [sflag:$0x1], $0x80, $0x38;
	[tilespmem:$0x4000] =	vst v63  }
0x1a9: {  	s19 =	sadd.s32 $0x940, s9;
	s18 =	sor.u32 $0x400, s10  }
0x1aa: {  	[hbm4b:s19+s3] =	stream.linear.scatter [tilespmem:s18], [sflag:$0x1], $0x80, $0x38;
	[tilespmem:$0x4000] =	vst v63  }
0x1ab: {  	s21 =	sadd.s32 $0x9C0, s9;
	s20 =	sor.u32 $0x600, s10  }
0x1ac: {  	[hbm4b:s21+s3] =	stream.linear.scatter [tilespmem:s20], [sflag:$0x1], $0x80, $0x38;
	[tilespmem:$0x4000] =	vst v63  }
0x1ad: {  	s23 =	sadd.s32 $0xA40, s9;
	s22 =	sor.u32 $0x800, s10  }
0x1ae: {  	[hbm4b:s23+s3] =	stream.linear.scatter [tilespmem:s22], [sflag:$0x1], $0x80, $0x38;
	[tilespmem:$0x4000] =	vst v63  }
0x1af: {  	s25 =	sadd.s32 $0xAC0, s9;
	s24 =	sor.u32 $0xA00, s10  }
0x1b0: {  	[hbm4b:s25+s3] =	stream.linear.scatter [tilespmem:s24], [sflag:$0x1], $0x80, $0x38;
	[tilespmem:$0x4000] =	vst v63  }
0x1b1: {  	s28 =	sadd.s32 $0xB40, s9;
	s26 =	sor.u32 $0xC00, s10  }
0x1b2: {  	(v2sf) =	vpush v0, $0xD;
	[hbm4b:s28+s3] =	stream.linear.scatter [tilespmem:s26], [sflag:$0x1], $0x80, $0x38;
	[tilespmem:$0x4000] =	vst v63  }
0x1b3: {  	s30 =	sadd.s32 $0xBC0, s9;
	s29 =	sor.u32 $0xE00, s10  }
0x1b4: {  	[hbm4b:s30+s3] =	stream.linear.scatter [tilespmem:s29], [sflag:$0x1], $0x80, $0x38;
	[tilespmem:$0x4000] =	vst v63  }
0x1b5: {  	s0 =	sadd.s32 $0xC40, s9;
	s31 =	sor.u32 $0x1000, s10  }
0x1b6: {  	[hbm4b:s0+s3] =	stream.linear.scatter [tilespmem:s31], [sflag:$0x1], $0x80, $0x38;
	[tilespmem:$0x4000] =	vst v63  }
0x1b7: {  	s2 =	sadd.s32 $0xCC0, s9;
	s1 =	sor.u32 $0x1200, s10  }
0x1b8: {  	[hbm4b:s2+s3] =	stream.linear.scatter [tilespmem:s1], [sflag:$0x1], $0x80, $0x38;
	[tilespmem:$0x4000] =	vst v63  }
0x1b9: {  	s13 =	sadd.s32 $0xD40, s9;
	s12 =	sor.u32 $0x1400, s10  }
0x1ba: {  	[hbm4b:s13+s3] =	stream.linear.scatter [tilespmem:s12], [sflag:$0x1], $0x80, $0x38;
	[tilespmem:$0x4000] =	vst v63  }
0x1bb: {  	s14 =	sor.u32 $0x1600, s10;
	s15 =	sadd.s32 $0xDC0, s9  }
0x1bc: {  	[hbm4b:s15+s3] =	stream.linear.scatter [tilespmem:s14], [sflag:$0x1], $0x80, $0x38;
	[tilespmem:$0x4000] =	vst v63  }
0x1bd: {  	s16 =	sor.u32 $0x1800, s10;
	s17 =	sadd.s32 $0xE40, s9  }
0x1be: {  	[hbm4b:s17+s3] =	stream.linear.scatter [tilespmem:s16], [sflag:$0x1], $0x80, $0x38;
	[tilespmem:$0x4000] =	vst v63  }
0x1bf: {  	s18 =	sor.u32 $0x1A00, s10;
	s19 =	sadd.s32 $0xEC0, s9;
	s20 =	sor.u32 $0x1C00, s10  }
0x1c0: {  	[hbm4b:s19+s3] =	stream.linear.scatter [tilespmem:s18], [sflag:$0x1], $0x80, $0x38;
	[tilespmem:$0x4000] =	vst v63  }
0x1c1: {  	s21 =	sadd.s32 $0xF40, s9;
	s10 =	sor.u32 $0x1E00, s10;
	s22 =	spop (v2sf)  }
0x1c2: {  	[hbm4b:s21+s3] =	stream.linear.scatter [tilespmem:s20], [sflag:$0x1], $0x80, $0x38;
	[tilespmem:$0x4000] =	vst v63  }
0x1c3: {  	s23 =	sadd.s32 $0xFC0, s9;
	s11 =	sshll.u32 s22, $0x7;
	s24 =	sshll.u32 s22, $0xB  }
0x1c4: {  	[hbm4b:s23+s3] =	stream.linear.scatter [tilespmem:s10], [sflag:$0x1], $0x80, $0x38;
	[tilespmem:$0x4000] =	vst v63  }
0x1c5: {  	s11 =	sand.u32 $0x180, s11;
	s10 =	sand.u32 $0xFFFFE000, s24  }
0x1c6: {  	s25 =	sadd.s32 $0x850, s9;
	s10 =	sor.u32 s11, s10  }
0x1c7: {  	[hbm4b:s25+s3] =	stream.linear.scatter [tilespmem:s10], [sflag:$0x1], $0x80, $0x38;
	[tilespmem:$0x4000] =	vst v63  }
0x1c8: {  	s28 =	sadd.s32 $0x8D0, s9;
	s26 =	sor.u32 $0x200, s10  }
0x1c9: {  	[hbm4b:s28+s3] =	stream.linear.scatter [tilespmem:s26], [sflag:$0x1], $0x80, $0x38;
	[tilespmem:$0x4000] =	vst v63  }
0x1ca: {  	s30 =	sadd.s32 $0x950, s9;
	s29 =	sor.u32 $0x400, s10  }
0x1cb: {  	[hbm4b:s30+s3] =	stream.linear.scatter [tilespmem:s29], [sflag:$0x1], $0x80, $0x38;
	[tilespmem:$0x4000] =	vst v63  }
0x1cc: {  	s0 =	sadd.s32 $0x9D0, s9;
	s31 =	sor.u32 $0x600, s10  }
0x1cd: {  	[hbm4b:s0+s3] =	stream.linear.scatter [tilespmem:s31], [sflag:$0x1], $0x80, $0x38;
	[tilespmem:$0x4000] =	vst v63  }
0x1ce: {  	s2 =	sadd.s32 $0xA50, s9;
	s1 =	sor.u32 $0x800, s10  }
0x1cf: {  	[hbm4b:s2+s3] =	stream.linear.scatter [tilespmem:s1], [sflag:$0x1], $0x80, $0x38;
	[tilespmem:$0x4000] =	vst v63  }
0x1d0: {  	s13 =	sadd.s32 $0xAD0, s9;
	s12 =	sor.u32 $0xA00, s10  }
0x1d1: {  	[hbm4b:s13+s3] =	stream.linear.scatter [tilespmem:s12], [sflag:$0x1], $0x80, $0x38;
	[tilespmem:$0x4000] =	vst v63  }
0x1d2: {  	s15 =	sadd.s32 $0xB50, s9;
	s14 =	sor.u32 $0xC00, s10  }
0x1d3: {  	(v2sf) =	vpush v0, $0xE;
	[hbm4b:s15+s3] =	stream.linear.scatter [tilespmem:s14], [sflag:$0x1], $0x80, $0x38;
	[tilespmem:$0x4000] =	vst v63  }
0x1d4: {  	s17 =	sadd.s32 $0xBD0, s9;
	s16 =	sor.u32 $0xE00, s10  }
0x1d5: {  	[hbm4b:s17+s3] =	stream.linear.scatter [tilespmem:s16], [sflag:$0x1], $0x80, $0x38;
	[tilespmem:$0x4000] =	vst v63  }
0x1d6: {  	s19 =	sadd.s32 $0xC50, s9;
	s18 =	sor.u32 $0x1000, s10  }
0x1d7: {  	[hbm4b:s19+s3] =	stream.linear.scatter [tilespmem:s18], [sflag:$0x1], $0x80, $0x38;
	[tilespmem:$0x4000] =	vst v63  }
0x1d8: {  	s21 =	sadd.s32 $0xCD0, s9;
	s20 =	sor.u32 $0x1200, s10  }
0x1d9: {  	[hbm4b:s21+s3] =	stream.linear.scatter [tilespmem:s20], [sflag:$0x1], $0x80, $0x38;
	[tilespmem:$0x4000] =	vst v63  }
0x1da: {  	s23 =	sadd.s32 $0xD50, s9;
	s22 =	sor.u32 $0x1400, s10  }
0x1db: {  	[hbm4b:s23+s3] =	stream.linear.scatter [tilespmem:s22], [sflag:$0x1], $0x80, $0x38;
	[tilespmem:$0x4000] =	vst v63  }
0x1dc: {  	s24 =	sor.u32 $0x1600, s10;
	s25 =	sadd.s32 $0xDD0, s9  }
0x1dd: {  	[hbm4b:s25+s3] =	stream.linear.scatter [tilespmem:s24], [sflag:$0x1], $0x80, $0x38;
	[tilespmem:$0x4000] =	vst v63  }
0x1de: {  	s26 =	sor.u32 $0x1800, s10;
	s28 =	sadd.s32 $0xE50, s9  }
0x1df: {  	[hbm4b:s28+s3] =	stream.linear.scatter [tilespmem:s26], [sflag:$0x1], $0x80, $0x38;
	[tilespmem:$0x4000] =	vst v63  }
0x1e0: {  	s29 =	sor.u32 $0x1A00, s10;
	s30 =	sadd.s32 $0xED0, s9;
	s31 =	sor.u32 $0x1C00, s10  }
0x1e1: {  	[hbm4b:s30+s3] =	stream.linear.scatter [tilespmem:s29], [sflag:$0x1], $0x80, $0x38;
	[tilespmem:$0x4000] =	vst v63  }
0x1e2: {  	s0 =	sadd.s32 $0xF50, s9;
	s10 =	sor.u32 $0x1E00, s10;
	s1 =	spop (v2sf)  }
0x1e3: {  	[hbm4b:s0+s3] =	stream.linear.scatter [tilespmem:s31], [sflag:$0x1], $0x80, $0x38;
	[tilespmem:$0x4000] =	vst v63  }
0x1e4: {  	s2 =	sadd.s32 $0xFD0, s9;
	s11 =	sshll.u32 s1, $0x7;
	s12 =	sshll.u32 s1, $0xB  }
0x1e5: {  	[hbm4b:s2+s3] =	stream.linear.scatter [tilespmem:s10], [sflag:$0x1], $0x80, $0x38;
	[tilespmem:$0x4000] =	vst v63  }
0x1e6: {  	s11 =	sand.u32 $0x180, s11;
	s10 =	sand.u32 $0xFFFFE000, s12  }
0x1e7: {  	s13 =	sadd.s32 $0x860, s9;
	s10 =	sor.u32 s11, s10  }
0x1e8: {  	[hbm4b:s13+s3] =	stream.linear.scatter [tilespmem:s10], [sflag:$0x1], $0x80, $0x38;
	[tilespmem:$0x4000] =	vst v63  }
0x1e9: {  	s15 =	sadd.s32 $0x8E0, s9;
	s14 =	sor.u32 $0x200, s10  }
0x1ea: {  	[hbm4b:s15+s3] =	stream.linear.scatter [tilespmem:s14], [sflag:$0x1], $0x80, $0x38;
	[tilespmem:$0x4000] =	vst v63  }
0x1eb: {  	s17 =	sadd.s32 $0x960, s9;
	s16 =	sor.u32 $0x400, s10  }
0x1ec: {  	[hbm4b:s17+s3] =	stream.linear.scatter [tilespmem:s16], [sflag:$0x1], $0x80, $0x38;
	[tilespmem:$0x4000] =	vst v63  }
0x1ed: {  	s19 =	sadd.s32 $0x9E0, s9;
	s18 =	sor.u32 $0x600, s10  }
0x1ee: {  	[hbm4b:s19+s3] =	stream.linear.scatter [tilespmem:s18], [sflag:$0x1], $0x80, $0x38;
	[tilespmem:$0x4000] =	vst v63  }
0x1ef: {  	s21 =	sadd.s32 $0xA60, s9;
	s20 =	sor.u32 $0x800, s10  }
0x1f0: {  	[hbm4b:s21+s3] =	stream.linear.scatter [tilespmem:s20], [sflag:$0x1], $0x80, $0x38;
	[tilespmem:$0x4000] =	vst v63  }
0x1f1: {  	s23 =	sadd.s32 $0xAE0, s9;
	s22 =	sor.u32 $0xA00, s10  }
0x1f2: {  	[hbm4b:s23+s3] =	stream.linear.scatter [tilespmem:s22], [sflag:$0x1], $0x80, $0x38;
	[tilespmem:$0x4000] =	vst v63  }
0x1f3: {  	s25 =	sadd.s32 $0xB60, s9;
	s24 =	sor.u32 $0xC00, s10  }
0x1f4: {  	(v2sf) =	vpush v0, $0xF;
	[hbm4b:s25+s3] =	stream.linear.scatter [tilespmem:s24], [sflag:$0x1], $0x80, $0x38;
	[tilespmem:$0x4000] =	vst v63  }
0x1f5: {  	s28 =	sadd.s32 $0xBE0, s9;
	s26 =	sor.u32 $0xE00, s10  }
0x1f6: {  	[hbm4b:s28+s3] =	stream.linear.scatter [tilespmem:s26], [sflag:$0x1], $0x80, $0x38;
	[tilespmem:$0x4000] =	vst v63  }
0x1f7: {  	s30 =	sadd.s32 $0xC60, s9;
	s29 =	sor.u32 $0x1000, s10  }
0x1f8: {  	[hbm4b:s30+s3] =	stream.linear.scatter [tilespmem:s29], [sflag:$0x1], $0x80, $0x38;
	[tilespmem:$0x4000] =	vst v63  }
0x1f9: {  	s0 =	sadd.s32 $0xCE0, s9;
	s31 =	sor.u32 $0x1200, s10  }
0x1fa: {  	[hbm4b:s0+s3] =	stream.linear.scatter [tilespmem:s31], [sflag:$0x1], $0x80, $0x38;
	[tilespmem:$0x4000] =	vst v63  }
0x1fb: {  	s2 =	sadd.s32 $0xD60, s9;
	s1 =	sor.u32 $0x1400, s10  }
0x1fc: {  	[hbm4b:s2+s3] =	stream.linear.scatter [tilespmem:s1], [sflag:$0x1], $0x80, $0x38;
	[tilespmem:$0x4000] =	vst v63  }
0x1fd: {  	s12 =	sor.u32 $0x1600, s10;
	s13 =	sadd.s32 $0xDE0, s9  }
0x1fe: {  	[hbm4b:s13+s3] =	stream.linear.scatter [tilespmem:s12], [sflag:$0x1], $0x80, $0x38;
	[tilespmem:$0x4000] =	vst v63  }
0x1ff: {  	s14 =	sor.u32 $0x1800, s10;
	s15 =	sadd.s32 $0xE60, s9  }
0x200: {  	[hbm4b:s15+s3] =	stream.linear.scatter [tilespmem:s14], [sflag:$0x1], $0x80, $0x38;
	[tilespmem:$0x4000] =	vst v63  }
0x201: {  	s16 =	sor.u32 $0x1A00, s10;
	s17 =	sadd.s32 $0xEE0, s9;
	s18 =	sor.u32 $0x1C00, s10  }
0x202: {  	[hbm4b:s17+s3] =	stream.linear.scatter [tilespmem:s16], [sflag:$0x1], $0x80, $0x38;
	[tilespmem:$0x4000] =	vst v63  }
0x203: {  	s19 =	sadd.s32 $0xF60, s9;
	s10 =	sor.u32 $0x1E00, s10;
	s20 =	spop (v2sf)  }
0x204: {  	[hbm4b:s19+s3] =	stream.linear.scatter [tilespmem:s18], [sflag:$0x1], $0x80, $0x38;
	[tilespmem:$0x4000] =	vst v63  }
0x205: {  	s21 =	sadd.s32 $0xFE0, s9;
	s11 =	sshll.u32 s20, $0x7;
	s22 =	sshll.u32 s20, $0xB  }
0x206: {  	[hbm4b:s21+s3] =	stream.linear.scatter [tilespmem:s10], [sflag:$0x1], $0x80, $0x38;
	[tilespmem:$0x4000] =	vst v63  }
0x207: {  	s11 =	sand.u32 $0x180, s11;
	s10 =	sand.u32 $0xFFFFE000, s22  }
0x208: {  	s23 =	sadd.s32 $0x870, s9;
	s10 =	sor.u32 s11, s10  }
0x209: {  	[hbm4b:s23+s3] =	stream.linear.scatter [tilespmem:s10], [sflag:$0x1], $0x80, $0x38;
	[tilespmem:$0x4000] =	vst v63  }
0x20a: {  	s25 =	sadd.s32 $0x8F0, s9;
	s24 =	sor.u32 $0x200, s10  }
0x20b: {  	[hbm4b:s25+s3] =	stream.linear.scatter [tilespmem:s24], [sflag:$0x1], $0x80, $0x38;
	[tilespmem:$0x4000] =	vst v63  }
0x20c: {  	s28 =	sadd.s32 $0x970, s9;
	s26 =	sor.u32 $0x400, s10  }
0x20d: {  	[hbm4b:s28+s3] =	stream.linear.scatter [tilespmem:s26], [sflag:$0x1], $0x80, $0x38;
	[tilespmem:$0x4000] =	vst v63  }
0x20e: {  	s30 =	sadd.s32 $0x9F0, s9;
	s29 =	sor.u32 $0x600, s10  }
0x20f: {  	[hbm4b:s30+s3] =	stream.linear.scatter [tilespmem:s29], [sflag:$0x1], $0x80, $0x38;
	[tilespmem:$0x4000] =	vst v63  }
0x210: {  	s0 =	sadd.s32 $0xA70, s9;
	s31 =	sor.u32 $0x800, s10  }
0x211: {  	[hbm4b:s0+s3] =	stream.linear.scatter [tilespmem:s31], [sflag:$0x1], $0x80, $0x38;
	[tilespmem:$0x4000] =	vst v63  }
0x212: {  	s2 =	sadd.s32 $0xAF0, s9;
	s1 =	sor.u32 $0xA00, s10  }
0x213: {  	[hbm4b:s2+s3] =	stream.linear.scatter [tilespmem:s1], [sflag:$0x1], $0x80, $0x38;
	[tilespmem:$0x4000] =	vst v63  }
0x214: {  	s14 =	sadd.s32 $0xB70, s9;
	s13 =	sor.u32 $0xC00, s10  }
0x215: {  	[hbm4b:s14+s3] =	stream.linear.scatter [tilespmem:s13], [sflag:$0x1], $0x80, $0x38;
	[tilespmem:$0x4000] =	vst v63  }
0x216: {  	s16 =	sadd.s32 $0xBF0, s9;
	s15 =	sor.u32 $0xE00, s10  }
0x217: {  	[hbm4b:s16+s3] =	stream.linear.scatter [tilespmem:s15], [sflag:$0x1], $0x80, $0x38;
	[tilespmem:$0x4000] =	vst v63  }
0x218: {  	s18 =	sadd.s32 $0xC70, s9;
	s17 =	sor.u32 $0x1000, s10  }
0x219: {  	[hbm4b:s18+s3] =	stream.linear.scatter [tilespmem:s17], [sflag:$0x1], $0x80, $0x38;
	[tilespmem:$0x4000] =	vst v63  }
0x21a: {  	s20 =	sadd.s32 $0xCF0, s9;
	s19 =	sor.u32 $0x1200, s10  }
0x21b: {  	[hbm4b:s20+s3] =	stream.linear.scatter [tilespmem:s19], [sflag:$0x1], $0x80, $0x38;
	[tilespmem:$0x4000] =	vst v63  }
0x21c: {  	s22 =	sadd.s32 $0xD70, s9;
	s21 =	sor.u32 $0x1400, s10  }
0x21d: {  	[hbm4b:s22+s3] =	stream.linear.scatter [tilespmem:s21], [sflag:$0x1], $0x80, $0x38;
	[tilespmem:$0x4000] =	vst v63  }
0x21e: {  	s23 =	sor.u32 $0x1600, s10;
	s24 =	sadd.s32 $0xDF0, s9  }
0x21f: {  	[hbm4b:s24+s3] =	stream.linear.scatter [tilespmem:s23], [sflag:$0x1], $0x80, $0x38;
	[tilespmem:$0x4000] =	vst v63  }
0x220: {  	s25 =	sor.u32 $0x1800, s10;
	s26 =	sadd.s32 $0xE70, s9  }
0x221: {  	[hbm4b:s26+s3] =	stream.linear.scatter [tilespmem:s25], [sflag:$0x1], $0x80, $0x38;
	[tilespmem:$0x4000] =	vst v63  }
0x222: {  	s28 =	sor.u32 $0x1A00, s10;
	s29 =	sadd.s32 $0xEF0, s9  }
0x223: {  	[hbm4b:s29+s3] =	stream.linear.scatter [tilespmem:s28], [sflag:$0x1], $0x80, $0x38;
	[tilespmem:$0x4000] =	vst v63  }
0x224: {  	p1 =	por $0x1, $0x1;
	s30 =	sor.u32 $0x1C00, s10;
	s31 =	sadd.s32 $0xF70, s9  }
0x225: {  	[hbm4b:s31+s3] =	stream.linear.scatter [tilespmem:s30], [sflag:$0x1], $0x80, $0x38;
	[tilespmem:$0x4000] =	vst v63  }
0x226: {  	s12 =	simm.s32 @!p1 $0x1;
	s10 =	sor.u32 $0x1E00, s10;
	s9 =	sadd.s32 $0xFF0, s9  }
0x227: {  	[hbm4b:s9+s3] =	stream.linear.scatter [tilespmem:s10], [sflag:$0x1], $0x80, $0x38;
	[tilespmem:$0x4000] =	vst v63  }
0x228: {  	_ =	swait.ge @!p1 [sflag:s12], $0x800  }
0x229: {  	[sflag:s12] =	ssyncset.done @!p1 $0x0  }
0x22a: {  	[sflag:s12] =	ssyncadd.s32 @!p1 $0xFFFFF800  }
0x22b: {  	_ =	swait.ge @!p1 [sflag:s12], $0x800  }
0x22c: {  	[sflag:s12] =	ssyncset.done @!p1 $0x0  }
0x22d: {  	[sflag:s12] =	ssyncadd.s32 @!p1 $0xFFFFF800  }
0x22e: {  	_ =	swait.ge @!p1 [sflag:s12], $0x800  }
0x22f: {  	[sflag:s12] =	ssyncset.done @!p1 $0x0  }
0x230: {  	[sflag:s12] =	ssyncadd.s32 @!p1 $0xFFFFF800  }
0x231: {  	_ =	swait.ge @!p1 [sflag:s12], $0x800  }
0x232: {  	[sflag:s12] =	ssyncset.done @!p1 $0x0  }
0x233: {  	[sflag:s12] =	ssyncadd.s32 @!p1 $0xFFFFF800  }
0x234: {  	_ =	swait.ge @!p1 [sflag:s12], $0x800  }
0x235: {  	[sflag:s12] =	ssyncset.done @!p1 $0x0  }
0x236: {  	[sflag:s12] =	ssyncadd.s32 @!p1 $0xFFFFF800  }
0x237: {  	_ =	swait.ge @!p1 [sflag:s12], $0x800  }
0x238: {  	[sflag:s12] =	ssyncset.done @!p1 $0x0  }
0x239: {  	[sflag:s12] =	ssyncadd.s32 @!p1 $0xFFFFF800  }
0x23a: {  	_ =	swait.ge @!p1 [sflag:s12], $0x800  }
0x23b: {  	[sflag:s12] =	ssyncset.done @!p1 $0x0  }
0x23c: {  	[sflag:s12] =	ssyncadd.s32 @!p1 $0xFFFFF800  }
0x23d: {  	_ =	swait.ge @!p1 [sflag:s12], $0x800  }
0x23e: {  	[sflag:s12] =	ssyncset.done @!p1 $0x0  }
0x23f: {  	[sflag:s12] =	ssyncadd.s32 @!p1 $0xFFFFF800  }
0x240: {  	_ =	swait.ge @!p1 [sflag:s12], $0x800  }
0x241: {  	[sflag:s12] =	ssyncset.done @!p1 $0x0  }
0x242: {  	[sflag:s12] =	ssyncadd.s32 @!p1 $0xFFFFF800  }
0x243: {  	_ =	swait.ge @!p1 [sflag:s12], $0x800  }
0x244: {  	[sflag:s12] =	ssyncset.done @!p1 $0x0  }
0x245: {  	[sflag:s12] =	ssyncadd.s32 @!p1 $0xFFFFF800  }
0x246: {  	_ =	swait.ge @!p1 [sflag:s12], $0x800  }
0x247: {  	[sflag:s12] =	ssyncset.done @!p1 $0x0  }
0x248: {  	[sflag:s12] =	ssyncadd.s32 @!p1 $0xFFFFF800  }
0x249: {  	_ =	swait.ge @!p1 [sflag:s12], $0x800  }
0x24a: {  	[sflag:s12] =	ssyncset.done @!p1 $0x0  }
0x24b: {  	[sflag:s12] =	ssyncadd.s32 @!p1 $0xFFFFF800  }
0x24c: {  	_ =	swait.ge @!p1 [sflag:s12], $0x800  }
0x24d: {  	[sflag:s12] =	ssyncset.done @!p1 $0x0  }
0x24e: {  	[sflag:s12] =	ssyncadd.s32 @!p1 $0xFFFFF800  }
0x24f: {  	_ =	swait.ge @!p1 [sflag:s12], $0x800  }
0x250: {  	[sflag:s12] =	ssyncset.done @!p1 $0x0  }
0x251: {  	[sflag:s12] =	ssyncadd.s32 @!p1 $0xFFFFF800  }
0x252: {  	_ =	swait.ge @!p1 [sflag:s12], $0x800  }
0x253: {  	s11 =	simm.s32 $0x0;
	[sflag:s12] =	ssyncset.done @!p1 $0x0  }
0x254: {  	s9 =	simm.s32 $0x1000;
	s10 =	simm.s32 $0x2080;
	[sflag:s12] =	ssyncadd.s32 @!p1 $0xFFFFF800  }
.LBB2_2:
0x255: {  	_ =	swait.ge @!p1 [sflag:s12], $0x800  }
0x256: {  	[sflag:s12] =	ssyncset.done @!p1 $0x0  }
0x257: {  	[sflag:s12] =	ssyncadd.s32 @!p1 $0xFFFFF800  }
0x258: {  	v0 =	vld [tilespmem:s10+$0x0];
	_ =	sdelay $0x4  }
0x259: {  	(v2sf) =	vpush v0, $0x0;
	_ =	sdelay $0x6  }
0x25a: {  	(v2sf) =	vpush v0, $0x1;
	_ =	sdelay $0x7  }
0x25b: {  	(v2sf) =	vpush v0, $0x2;
	s14 =	spop (v2sf)  }
0x25c: {  	s13 =	smov.u32 s9;
	s15 =	sshll.u32 s14, $0xB;
	s14 =	sshll.u32 s14, $0x7  }
0x25d: {  	s22 =	rddreg [dreg:$0x4];
	s23 =	sand.u32 $0xFFFFE000, s15;
	s14 =	sand.u32 $0x180, s14  }
0x25e: {  	s12 =	sadd.s32 s13, s22;
	s14 =	sor.u32 s14, s23  }
0x25f: {  	[hbm4b:s12+s3] =	stream.linear.scatter [tilespmem:s14], [sflag:$0x1], $0x80, $0x38;
	[tilespmem:$0x4000] =	vst v63  }
0x260: {  	s25 =	sadd.s32 $0x80, s12;
	s17 =	sor.u32 $0x200, s14  }
0x261: {  	[hbm4b:s25+s3] =	stream.linear.scatter [tilespmem:s17], [sflag:$0x1], $0x80, $0x38;
	[tilespmem:$0x4000] =	vst v63  }
0x262: {  	s19 =	sadd.s32 $0x100, s12;
	s24 =	spop (v2sf);
	s18 =	sor.u32 $0x400, s14  }
0x263: {  	(v2sf) =	vpush v0, $0x3;
	[hbm4b:s19+s3] =	stream.linear.scatter [tilespmem:s18], [sflag:$0x1], $0x80, $0x38;
	[tilespmem:$0x4000] =	vst v63  }
0x264: {  	s28 =	sadd.s32 $0x180, s12;
	s20 =	sadd.s32 $0x200, s12;
	s26 =	sor.u32 $0x600, s14  }
0x265: {  	[hbm4b:s28+s3] =	stream.linear.scatter [tilespmem:s26], [sflag:$0x1], $0x80, $0x38;
	[tilespmem:$0x4000] =	vst v63  }
0x266: {  	s31 =	sadd.s32 $0x280, s12;
	s1 =	sadd.s32 $0x300, s12;
	s29 =	sor.u32 $0x800, s14  }
0x267: {  	[hbm4b:s20+s3] =	stream.linear.scatter [tilespmem:s29], [sflag:$0x1], $0x80, $0x38;
	[tilespmem:$0x4000] =	vst v63  }
0x268: {  	s22 =	sadd.s32 $0x380, s12;
	s16 =	sshll.u32 s24, $0xB;
	s30 =	sor.u32 $0xA00, s14  }
0x269: {  	[hbm4b:s31+s3] =	stream.linear.scatter [tilespmem:s30], [sflag:$0x1], $0x80, $0x38;
	[tilespmem:$0x4000] =	vst v63  }
0x26a: {  	s15 =	sshll.u32 s24, $0x7;
	s21 =	spop (v2sf);
	s0 =	sor.u32 $0xC00, s14  }
0x26b: {  	[hbm4b:s1+s3] =	stream.linear.scatter [tilespmem:s0], [sflag:$0x1], $0x80, $0x38;
	[tilespmem:$0x4000] =	vst v63  }
0x26c: {  	s2 =	sor.u32 $0xE00, s14;
	s17 =	sshll.u32 s21, $0x7;
	s18 =	sand.u32 $0x180, s15  }
0x26d: {  	[hbm4b:s22+s3] =	stream.linear.scatter [tilespmem:s2], [sflag:$0x1], $0x80, $0x38;
	[tilespmem:$0x4000] =	vst v63  }
0x26e: {  	s15 =	sshll.u32 s21, $0xB;
	s21 =	sadd.s32 $0x400, s12;
	s20 =	sor.u32 $0x1000, s14  }
0x26f: {  	[hbm4b:s21+s3] =	stream.linear.scatter [tilespmem:s20], [sflag:$0x1], $0x80, $0x38;
	[tilespmem:$0x4000] =	vst v63  }
0x270: {  	s25 =	sor.u32 $0x1200, s14;
	s26 =	sadd.s32 $0x480, s12;
	s28 =	sor.u32 $0x1400, s14  }
0x271: {  	[hbm4b:s26+s3] =	stream.linear.scatter [tilespmem:s25], [sflag:$0x1], $0x80, $0x38;
	[tilespmem:$0x4000] =	vst v63  }
0x272: {  	s29 =	sadd.s32 $0x500, s12;
	s30 =	sor.u32 $0x1600, s14;
	s24 =	spop (v2sf)  }
0x273: {  	(v2sf) =	vpush v0, $0x4;
	[hbm4b:s29+s3] =	stream.linear.scatter [tilespmem:s28], [sflag:$0x1], $0x80, $0x38;
	[tilespmem:$0x4000] =	vst v63  }
0x274: {  	s31 =	sadd.s32 $0x580, s12;
	s0 =	sor.u32 $0x1800, s14;
	s23 =	sshll.u32 s24, $0xB  }
0x275: {  	[hbm4b:s31+s3] =	stream.linear.scatter [tilespmem:s30], [sflag:$0x1], $0x80, $0x38;
	[tilespmem:$0x4000] =	vst v63  }
0x276: {  	s1 =	sadd.s32 $0x600, s12;
	s23 =	sand.u32 $0xFFFFE000, s23;
	s21 =	sshll.u32 s24, $0x7  }
0x277: {  	(v2sf) =	vpush v0, $0x5;
	[hbm4b:s1+s3] =	stream.linear.scatter [tilespmem:s0], [sflag:$0x1], $0x80, $0x38;
	[tilespmem:$0x4000] =	vst v63  }
0x278: {  	s2 =	sor.u32 $0x1A00, s14;
	s24 =	sadd.s32 $0x680, s12;
	s21 =	sand.u32 $0x180, s21  }
0x279: {  	[hbm4b:s24+s3] =	stream.linear.scatter [tilespmem:s2], [sflag:$0x1], $0x80, $0x38;
	[tilespmem:$0x4000] =	vst v63  }
0x27a: {  	s13 =	sor.u32 s21, s23;
	s23 =	sor.u32 $0x1C00, s14;
	s25 =	sadd.s32 $0x700, s12  }
0x27b: {  	[hbm4b:s25+s3] =	stream.linear.scatter [tilespmem:s23], [sflag:$0x1], $0x80, $0x38;
	[tilespmem:$0x4000] =	vst v63  }
0x27c: {  	s16 =	sand.u32 $0xFFFFE000, s16;
	s14 =	sor.u32 $0x1E00, s14;
	s28 =	sadd.s32 $0x780, s12  }
0x27d: {  	[hbm4b:s28+s3] =	stream.linear.scatter [tilespmem:s14], [sflag:$0x1], $0x80, $0x38;
	[tilespmem:$0x4000] =	vst v63  }
0x27e: {  	s17 =	sand.u32 $0x180, s17;
	s18 =	sor.u32 s18, s16;
	s29 =	sadd.s32 $0x10, s12  }
0x27f: {  	[hbm4b:s29+s3] =	stream.linear.scatter [tilespmem:s18], [sflag:$0x1], $0x80, $0x38;
	[tilespmem:$0x4000] =	vst v63  }
0x280: {  	s22 =	sadd.s32 $0x190, s12;
	s31 =	sor.u32 $0x200, s18;
	s0 =	sadd.s32 $0x90, s12  }
0x281: {  	[hbm4b:s0+s3] =	stream.linear.scatter [tilespmem:s31], [sflag:$0x1], $0x80, $0x38;
	[tilespmem:$0x4000] =	vst v63  }
0x282: {  	s26 =	spop (v2sf);
	s1 =	sor.u32 $0x400, s18;
	s2 =	sadd.s32 $0x110, s12  }
0x283: {  	[hbm4b:s2+s3] =	stream.linear.scatter [tilespmem:s1], [sflag:$0x1], $0x80, $0x38;
	[tilespmem:$0x4000] =	vst v63  }
0x284: {  	s21 =	sor.u32 $0x600, s18;
	s16 =	sshll.u32 s26, $0x7;
	s30 =	sshll.u32 s26, $0xB  }
0x285: {  	(v2sf) =	vpush v0, $0x6;
	[hbm4b:s22+s3] =	stream.linear.scatter [tilespmem:s21], [sflag:$0x1], $0x80, $0x38;
	[tilespmem:$0x4000] =	vst v63  }
0x286: {  	s26 =	sadd.s32 $0x210, s12;
	s24 =	spop (v2sf);
	s25 =	sor.u32 $0x800, s18  }
0x287: {  	[hbm4b:s26+s3] =	stream.linear.scatter [tilespmem:s25], [sflag:$0x1], $0x80, $0x38;
	[tilespmem:$0x4000] =	vst v63  }
0x288: {  	s14 =	sand.u32 $0xFFFFE000, s30;
	s30 =	sadd.s32 $0x290, s12;
	s29 =	sor.u32 $0xA00, s18  }
0x289: {  	[hbm4b:s30+s3] =	stream.linear.scatter [tilespmem:s29], [sflag:$0x1], $0x80, $0x38;
	[tilespmem:$0x4000] =	vst v63  }
0x28a: {  	s28 =	sshll.u32 s24, $0xB;
	s31 =	sor.u32 $0xC00, s18;
	s0 =	sadd.s32 $0x310, s12  }
0x28b: {  	[hbm4b:s0+s3] =	stream.linear.scatter [tilespmem:s31], [sflag:$0x1], $0x80, $0x38;
	[tilespmem:$0x4000] =	vst v63  }
0x28c: {  	s1 =	sor.u32 $0xE00, s18;
	s2 =	sadd.s32 $0x390, s12;
	s22 =	sshll.u32 s24, $0x7  }
0x28d: {  	[hbm4b:s2+s3] =	stream.linear.scatter [tilespmem:s1], [sflag:$0x1], $0x80, $0x38;
	[tilespmem:$0x4000] =	vst v63  }
0x28e: {  	s24 =	sand.u32 $0xFFFFE000, s28;
	s25 =	sor.u32 $0x1000, s18;
	s26 =	sadd.s32 $0x410, s12  }
0x28f: {  	[hbm4b:s26+s3] =	stream.linear.scatter [tilespmem:s25], [sflag:$0x1], $0x80, $0x38;
	[tilespmem:$0x4000] =	vst v63  }
0x290: {  	s21 =	sor.u32 $0x1600, s18;
	s29 =	sor.u32 $0x1200, s18;
	s30 =	sadd.s32 $0x490, s12  }
0x291: {  	[hbm4b:s30+s3] =	stream.linear.scatter [tilespmem:s29], [sflag:$0x1], $0x80, $0x38;
	[tilespmem:$0x4000] =	vst v63  }
0x292: {  	s22 =	sand.u32 $0x180, s22;
	s0 =	sor.u32 $0x1400, s18;
	s1 =	sadd.s32 $0x510, s12  }
0x293: {  	[hbm4b:s1+s3] =	stream.linear.scatter [tilespmem:s0], [sflag:$0x1], $0x80, $0x38;
	[tilespmem:$0x4000] =	vst v63  }
0x294: {  	s28 =	sor.u32 s22, s24;
	s31 =	spop (v2sf);
	s25 =	sadd.s32 $0x590, s12  }
0x295: {  	[hbm4b:s25+s3] =	stream.linear.scatter [tilespmem:s21], [sflag:$0x1], $0x80, $0x38;
	[tilespmem:$0x4000] =	vst v63  }
0x296: {  	s22 =	sshll.u32 s31, $0x7;
	s26 =	sor.u32 $0x1800, s18;
	s29 =	sadd.s32 $0x610, s12  }
0x297: {  	(v2sf) =	vpush v0, $0x7;
	[hbm4b:s29+s3] =	stream.linear.scatter [tilespmem:s26], [sflag:$0x1], $0x80, $0x38;
	[tilespmem:$0x4000] =	vst v63  }
0x298: {  	s2 =	sshll.u32 s31, $0xB;
	s31 =	sadd.s32 $0x690, s12;
	s30 =	sor.u32 $0x1A00, s18  }
0x299: {  	[hbm4b:s31+s3] =	stream.linear.scatter [tilespmem:s30], [sflag:$0x1], $0x80, $0x38;
	[tilespmem:$0x4000] =	vst v63  }
0x29a: {  	s15 =	sand.u32 $0xFFFFE000, s15;
	s0 =	sor.u32 $0x1C00, s18;
	s1 =	sadd.s32 $0x710, s12  }
0x29b: {  	[hbm4b:s1+s3] =	stream.linear.scatter [tilespmem:s0], [sflag:$0x1], $0x80, $0x38;
	[tilespmem:$0x4000] =	vst v63  }
0x29c: {  	s24 =	sand.u32 $0xFFFFE000, s2;
	s2 =	sadd.s32 $0x790, s12;
	s18 =	sor.u32 $0x1E00, s18  }
0x29d: {  	[hbm4b:s2+s3] =	stream.linear.scatter [tilespmem:s18], [sflag:$0x1], $0x80, $0x38;
	[tilespmem:$0x4000] =	vst v63  }
0x29e: {  	s15 =	sor.u32 s17, s15;
	s22 =	sand.u32 $0x180, s22;
	s21 =	sadd.s32 $0x20, s12  }
0x29f: {  	[hbm4b:s21+s3] =	stream.linear.scatter [tilespmem:s15], [sflag:$0x1], $0x80, $0x38;
	[tilespmem:$0x4000] =	vst v63  }
0x2a0: {  	s23 =	sadd.s32 $0xA0, s12;
	s26 =	sor.u32 s22, s24;
	s22 =	sor.u32 $0x200, s15  }
0x2a1: {  	(v2sf) =	vpush v0, $0x8;
	[hbm4b:s23+s3] =	stream.linear.scatter [tilespmem:s22], [sflag:$0x1], $0x80, $0x38;
	[tilespmem:$0x4000] =	vst v63  }
0x2a2: {  	s25 =	sor.u32 $0x400, s15;
	s29 =	sadd.s32 $0x120, s12  }
0x2a3: {  	[hbm4b:s29+s3] =	stream.linear.scatter [tilespmem:s25], [sflag:$0x1], $0x80, $0x38;
	[tilespmem:$0x4000] =	vst v63  }
0x2a4: {  	s19 =	sor.u32 $0xA00, s15;
	s31 =	sor.u32 $0x600, s15;
	s0 =	sadd.s32 $0x1A0, s12  }
0x2a5: {  	[hbm4b:s0+s3] =	stream.linear.scatter [tilespmem:s31], [sflag:$0x1], $0x80, $0x38;
	[tilespmem:$0x4000] =	vst v63  }
0x2a6: {  	s24 =	spop (v2sf);
	s1 =	sor.u32 $0x800, s15;
	s2 =	sadd.s32 $0x220, s12  }
0x2a7: {  	[hbm4b:s2+s3] =	stream.linear.scatter [tilespmem:s1], [sflag:$0x1], $0x80, $0x38;
	[tilespmem:$0x4000] =	vst v63  }
0x2a8: {  	s30 =	sshll.u32 s24, $0xB;
	s20 =	sshll.u32 s24, $0x7;
	s24 =	sadd.s32 $0x2A0, s12  }
0x2a9: {  	(v2sf) =	vpush v0, $0x9;
	[hbm4b:s24+s3] =	stream.linear.scatter [tilespmem:s19], [sflag:$0x1], $0x80, $0x38;
	[tilespmem:$0x4000] =	vst v63  }
0x2aa: {  	s20 =	sand.u32 $0x180, s20;
	s25 =	sor.u32 $0xC00, s15;
	s29 =	sadd.s32 $0x320, s12  }
0x2ab: {  	[hbm4b:s29+s3] =	stream.linear.scatter [tilespmem:s25], [sflag:$0x1], $0x80, $0x38;
	[tilespmem:$0x4000] =	vst v63  }
0x2ac: {  	s22 =	sand.u32 $0xFFFFE000, s30;
	s30 =	sor.u32 $0xE00, s15;
	s31 =	sadd.s32 $0x3A0, s12  }
0x2ad: {  	[hbm4b:s31+s3] =	stream.linear.scatter [tilespmem:s30], [sflag:$0x1], $0x80, $0x38;
	[tilespmem:$0x4000] =	vst v63  }
0x2ae: {  	s23 =	sor.u32 s20, s22;
	s1 =	sor.u32 $0x1000, s15;
	s2 =	sadd.s32 $0x420, s12  }
0x2af: {  	[hbm4b:s2+s3] =	stream.linear.scatter [tilespmem:s1], [sflag:$0x1], $0x80, $0x38;
	[tilespmem:$0x4000] =	vst v63  }
0x2b0: {  	s22 =	sadd.s32 $0x4A0, s12;
	s0 =	spop (v2sf);
	s19 =	sor.u32 $0x1200, s15  }
0x2b1: {  	[hbm4b:s22+s3] =	stream.linear.scatter [tilespmem:s19], [sflag:$0x1], $0x80, $0x38;
	[tilespmem:$0x4000] =	vst v63  }
0x2b2: {  	s20 =	sshll.u32 s0, $0x7;
	s29 =	sor.u32 $0x1400, s15;
	s30 =	sadd.s32 $0x520, s12  }
0x2b3: {  	(v2sf) =	vpush v0, $0xA;
	[hbm4b:s30+s3] =	stream.linear.scatter [tilespmem:s29], [sflag:$0x1], $0x80, $0x38;
	[tilespmem:$0x4000] =	vst v63  }
0x2b4: {  	s24 =	sshll.u32 s0, $0xB;
	s0 =	sadd.s32 $0x5A0, s12;
	s31 =	sor.u32 $0x1600, s15  }
0x2b5: {  	[hbm4b:s0+s3] =	stream.linear.scatter [tilespmem:s31], [sflag:$0x1], $0x80, $0x38;
	[tilespmem:$0x4000] =	vst v63  }
0x2b6: {  	s25 =	sand.u32 $0x180, s20;
	s1 =	sor.u32 $0x1800, s15;
	s2 =	sadd.s32 $0x620, s12  }
0x2b7: {  	[hbm4b:s2+s3] =	stream.linear.scatter [tilespmem:s1], [sflag:$0x1], $0x80, $0x38;
	[tilespmem:$0x4000] =	vst v63  }
0x2b8: {  	s20 =	spop (v2sf);
	s30 =	sor.u32 $0x1A00, s15;
	s31 =	sadd.s32 $0x6A0, s12  }
0x2b9: {  	(v2sf) =	vpush v0, $0xB;
	[hbm4b:s31+s3] =	stream.linear.scatter [tilespmem:s30], [sflag:$0x1], $0x80, $0x38;
	[tilespmem:$0x4000] =	vst v63  }
0x2ba: {  	s29 =	sshll.u32 s20, $0xB;
	s0 =	sor.u32 $0x1C00, s15;
	s1 =	sadd.s32 $0x720, s12  }
0x2bb: {  	[hbm4b:s1+s3] =	stream.linear.scatter [tilespmem:s0], [sflag:$0x1], $0x80, $0x38;
	[tilespmem:$0x4000] =	vst v63  }
0x2bc: {  	s20 =	sshll.u32 s20, $0x7;
	s15 =	sor.u32 $0x1E00, s15;
	s2 =	sadd.s32 $0x7A0, s12  }
0x2bd: {  	[hbm4b:s2+s3] =	stream.linear.scatter [tilespmem:s15], [sflag:$0x1], $0x80, $0x38;
	[tilespmem:$0x4000] =	vst v63  }
0x2be: {  	s21 =	sadd.s32 $0x30, s12;
	s22 =	sand.u32 $0xFFFFE000, s29;
	s20 =	sand.u32 $0x180, s20  }
0x2bf: {  	[hbm4b:s21+s3] =	stream.linear.scatter [tilespmem:s13], [sflag:$0x1], $0x80, $0x38;
	[tilespmem:$0x4000] =	vst v63  }
0x2c0: {  	s29 =	sadd.s32 $0x130, s12;
	s31 =	sor.u32 $0x200, s13;
	s0 =	sadd.s32 $0xB0, s12  }
0x2c1: {  	[hbm4b:s0+s3] =	stream.linear.scatter [tilespmem:s31], [sflag:$0x1], $0x80, $0x38;
	[tilespmem:$0x4000] =	vst v63  }
0x2c2: {  	s20 =	sor.u32 s20, s22;
	s22 =	spop (v2sf);
	s2 =	sor.u32 $0x400, s13  }
0x2c3: {  	(v2sf) =	vpush v0, $0xC;
	[hbm4b:s29+s3] =	stream.linear.scatter [tilespmem:s2], [sflag:$0x1], $0x80, $0x38;
	[tilespmem:$0x4000] =	vst v63  }
0x2c4: {  	s30 =	sor.u32 $0x600, s13;
	s1 =	sshll.u32 s22, $0xB;
	s31 =	sadd.s32 $0x1B0, s12  }
0x2c5: {  	[hbm4b:s31+s3] =	stream.linear.scatter [tilespmem:s30], [sflag:$0x1], $0x80, $0x38;
	[tilespmem:$0x4000] =	vst v63  }
0x2c6: {  	s21 =	sand.u32 $0xFFFFE000, s1;
	s1 =	sadd.s32 $0x230, s12;
	s0 =	sor.u32 $0x800, s13  }
0x2c7: {  	[hbm4b:s1+s3] =	stream.linear.scatter [tilespmem:s0], [sflag:$0x1], $0x80, $0x38;
	[tilespmem:$0x4000] =	vst v63  }
0x2c8: {  	s18 =	sor.u32 $0xA00, s13;
	s2 =	spop (v2sf);
	s31 =	sadd.s32 $0x2B0, s12  }
0x2c9: {  	[hbm4b:s31+s3] =	stream.linear.scatter [tilespmem:s18], [sflag:$0x1], $0x80, $0x38;
	[tilespmem:$0x4000] =	vst v63  }
0x2ca: {  	s29 =	sshll.u32 s2, $0x7;
	s0 =	sor.u32 $0xC00, s13;
	s1 =	sadd.s32 $0x330, s12  }
0x2cb: {  	[hbm4b:s1+s3] =	stream.linear.scatter [tilespmem:s0], [sflag:$0x1], $0x80, $0x38;
	[tilespmem:$0x4000] =	vst v63  }
0x2cc: {  	s30 =	sshll.u32 s2, $0xB;
	s2 =	sor.u32 $0xE00, s13;
	s31 =	sadd.s32 $0x3B0, s12  }
0x2cd: {  	[hbm4b:s31+s3] =	stream.linear.scatter [tilespmem:s2], [sflag:$0x1], $0x80, $0x38;
	[tilespmem:$0x4000] =	vst v63  }
0x2ce: {  	s17 =	sor.u32 $0x1400, s13;
	s0 =	sor.u32 $0x1000, s13;
	s1 =	sadd.s32 $0x430, s12  }
0x2cf: {  	[hbm4b:s1+s3] =	stream.linear.scatter [tilespmem:s0], [sflag:$0x1], $0x80, $0x38;
	[tilespmem:$0x4000] =	vst v63  }
0x2d0: {  	s15 =	sor.u32 $0x1200, s13;
	s19 =	sand.u32 $0x180, s29;
	s2 =	sadd.s32 $0x4B0, s12  }
0x2d1: {  	[hbm4b:s2+s3] =	stream.linear.scatter [tilespmem:s15], [sflag:$0x1], $0x80, $0x38;
	[tilespmem:$0x4000] =	vst v63  }
0x2d2: {  	s29 =	sor.u32 $0x1A00, s13;
	s31 =	spop (v2sf);
	s1 =	sadd.s32 $0x530, s12  }
0x2d3: {  	[hbm4b:s1+s3] =	stream.linear.scatter [tilespmem:s17], [sflag:$0x1], $0x80, $0x38;
	[tilespmem:$0x4000] =	vst v63  }
0x2d4: {  	s0 =	sshll.u32 s31, $0xB;
	s15 =	sor.u32 $0x1600, s13;
	s2 =	sadd.s32 $0x5B0, s12  }
0x2d5: {  	[hbm4b:s2+s3] =	stream.linear.scatter [tilespmem:s15], [sflag:$0x1], $0x80, $0x38;
	[tilespmem:$0x4000] =	vst v63  }
0x2d6: {  	s31 =	sshll.u32 s31, $0x7;
	s17 =	sor.u32 $0x1800, s13;
	s1 =	sadd.s32 $0x630, s12  }
0x2d7: {  	[hbm4b:s1+s3] =	stream.linear.scatter [tilespmem:s17], [sflag:$0x1], $0x80, $0x38;
	[tilespmem:$0x4000] =	vst v63  }
0x2d8: {  	s0 =	sand.u32 $0xFFFFE000, s0;
	s31 =	sand.u32 $0x180, s31;
	s2 =	sadd.s32 $0x6B0, s12  }
0x2d9: {  	(v2sf) =	vpush v0, $0xD;
	[hbm4b:s2+s3] =	stream.linear.scatter [tilespmem:s29], [sflag:$0x1], $0x80, $0x38;
	[tilespmem:$0x4000] =	vst v63  }
0x2da: {  	s15 =	sor.u32 s31, s0;
	s17 =	sor.u32 $0x1C00, s13;
	s1 =	sadd.s32 $0x730, s12  }
0x2db: {  	[hbm4b:s1+s3] =	stream.linear.scatter [tilespmem:s17], [sflag:$0x1], $0x80, $0x38;
	[tilespmem:$0x4000] =	vst v63  }
0x2dc: {  	s31 =	sand.u32 $0x180, s16;
	s2 =	sor.u32 $0x1E00, s13;
	s29 =	sadd.s32 $0x7B0, s12  }
0x2dd: {  	(v2sf) =	vpush v0, $0xE;
	[hbm4b:s29+s3] =	stream.linear.scatter [tilespmem:s2], [sflag:$0x1], $0x80, $0x38;
	[tilespmem:$0x4000] =	vst v63  }
0x2de: {  	s13 =	sor.u32 s31, s14;
	s1 =	sadd.s32 $0x40, s12  }
0x2df: {  	[hbm4b:s1+s3] =	stream.linear.scatter [tilespmem:s13], [sflag:$0x1], $0x80, $0x38;
	[tilespmem:$0x4000] =	vst v63  }
0x2e0: {  	s18 =	sand.u32 $0xFFFFE000, s30;
	s30 =	sadd.s32 $0xC0, s12;
	s2 =	sor.u32 $0x200, s13  }
0x2e1: {  	[hbm4b:s30+s3] =	stream.linear.scatter [tilespmem:s2], [sflag:$0x1], $0x80, $0x38;
	[tilespmem:$0x4000] =	vst v63  }
0x2e2: {  	s31 =	sor.u32 $0x400, s13;
	s1 =	sadd.s32 $0x140, s12  }
0x2e3: {  	[hbm4b:s1+s3] =	stream.linear.scatter [tilespmem:s31], [sflag:$0x1], $0x80, $0x38;
	[tilespmem:$0x4000] =	vst v63  }
0x2e4: {  	s2 =	sor.u32 $0x600, s13;
	s30 =	sadd.s32 $0x1C0, s12  }
0x2e5: {  	[hbm4b:s30+s3] =	stream.linear.scatter [tilespmem:s2], [sflag:$0x1], $0x80, $0x38;
	[tilespmem:$0x4000] =	vst v63  }
0x2e6: {  	s1 =	sor.u32 $0x800, s13;
	s31 =	sadd.s32 $0x240, s12  }
0x2e7: {  	[hbm4b:s31+s3] =	stream.linear.scatter [tilespmem:s1], [sflag:$0x1], $0x80, $0x38;
	[tilespmem:$0x4000] =	vst v63  }
0x2e8: {  	s16 =	spop (v2sf);
	s0 =	sor.u32 $0xA00, s13;
	s2 =	sadd.s32 $0x2C0, s12  }
0x2e9: {  	(v2sf) =	vpush v0, $0xF;
	[hbm4b:s2+s3] =	stream.linear.scatter [tilespmem:s0], [sflag:$0x1], $0x80, $0x38;
	[tilespmem:$0x4000] =	vst v63  }
0x2ea: {  	s14 =	sor.u32 $0xC00, s13;
	s1 =	sadd.s32 $0x340, s12  }
0x2eb: {  	[hbm4b:s1+s3] =	stream.linear.scatter [tilespmem:s14], [sflag:$0x1], $0x80, $0x38;
	[tilespmem:$0x4000] =	vst v63  }
0x2ec: {  	s30 =	spop (v2sf);
	s0 =	sor.u32 $0xE00, s13;
	s2 =	sadd.s32 $0x3C0, s12  }
0x2ed: {  	[hbm4b:s2+s3] =	stream.linear.scatter [tilespmem:s0], [sflag:$0x1], $0x80, $0x38;
	[tilespmem:$0x4000] =	vst v63  }
0x2ee: {  	s31 =	sshll.u32 s30, $0xB;
	s14 =	sor.u32 $0x1000, s13;
	s1 =	sadd.s32 $0x440, s12  }
0x2ef: {  	[hbm4b:s1+s3] =	stream.linear.scatter [tilespmem:s14], [sflag:$0x1], $0x80, $0x38;
	[tilespmem:$0x4000] =	vst v63  }
0x2f0: {  	s30 =	sshll.u32 s30, $0x7;
	s0 =	sor.u32 $0x1200, s13;
	s2 =	sadd.s32 $0x4C0, s12  }
0x2f1: {  	[hbm4b:s2+s3] =	stream.linear.scatter [tilespmem:s0], [sflag:$0x1], $0x80, $0x38;
	[tilespmem:$0x4000] =	vst v63  }
0x2f2: {  	s29 =	sor.u32 $0x1400, s13;
	s30 =	sand.u32 $0x180, s30;
	s1 =	sadd.s32 $0x540, s12  }
0x2f3: {  	[hbm4b:s1+s3] =	stream.linear.scatter [tilespmem:s29], [sflag:$0x1], $0x80, $0x38;
	[tilespmem:$0x4000] =	vst v63  }
0x2f4: {  	s31 =	sand.u32 $0xFFFFE000, s31;
	s0 =	sor.u32 $0x1600, s13;
	s2 =	sadd.s32 $0x5C0, s12  }
0x2f5: {  	[hbm4b:s2+s3] =	stream.linear.scatter [tilespmem:s0], [sflag:$0x1], $0x80, $0x38;
	[tilespmem:$0x4000] =	vst v63  }
0x2f6: {  	s14 =	sor.u32 s30, s31;
	s1 =	sor.u32 $0x1800, s13;
	s29 =	sadd.s32 $0x640, s12  }
0x2f7: {  	[hbm4b:s29+s3] =	stream.linear.scatter [tilespmem:s1], [sflag:$0x1], $0x80, $0x38;
	[tilespmem:$0x4000] =	vst v63  }
0x2f8: {  	s30 =	spop (v2sf);
	s0 =	sor.u32 $0x1A00, s13;
	s2 =	sadd.s32 $0x6C0, s12  }
0x2f9: {  	[hbm4b:s2+s3] =	stream.linear.scatter [tilespmem:s0], [sflag:$0x1], $0x80, $0x38;
	[tilespmem:$0x4000] =	vst v63  }
0x2fa: {  	s31 =	sshll.u32 s30, $0xB;
	s1 =	sor.u32 $0x1C00, s13;
	s29 =	sadd.s32 $0x740, s12  }
0x2fb: {  	[hbm4b:s29+s3] =	stream.linear.scatter [tilespmem:s1], [sflag:$0x1], $0x80, $0x38;
	[tilespmem:$0x4000] =	vst v63  }
0x2fc: {  	s30 =	sshll.u32 s30, $0x7;
	s0 =	sor.u32 $0x1E00, s13;
	s2 =	sadd.s32 $0x7C0, s12  }
0x2fd: {  	[hbm4b:s2+s3] =	stream.linear.scatter [tilespmem:s0], [sflag:$0x1], $0x80, $0x38;
	[tilespmem:$0x4000] =	vst v63  }
0x2fe: {  	s31 =	sand.u32 $0xFFFFE000, s31;
	s30 =	sand.u32 $0x180, s30;
	s29 =	sadd.s32 $0x50, s12  }
0x2ff: {  	[hbm4b:s29+s3] =	stream.linear.scatter [tilespmem:s28], [sflag:$0x1], $0x80, $0x38;
	[tilespmem:$0x4000] =	vst v63  }
0x300: {  	s13 =	sor.u32 s30, s31;
	s30 =	sor.u32 $0x200, s28;
	s31 =	sadd.s32 $0xD0, s12  }
0x301: {  	[hbm4b:s31+s3] =	stream.linear.scatter [tilespmem:s30], [sflag:$0x1], $0x80, $0x38;
	[tilespmem:$0x4000] =	vst v63  }
0x302: {  	s1 =	sor.u32 $0x400, s28;
	s29 =	sadd.s32 $0x150, s12  }
0x303: {  	[hbm4b:s29+s3] =	stream.linear.scatter [tilespmem:s1], [sflag:$0x1], $0x80, $0x38;
	[tilespmem:$0x4000] =	vst v63  }
0x304: {  	s30 =	sor.u32 $0x600, s28;
	s31 =	sadd.s32 $0x1D0, s12  }
0x305: {  	[hbm4b:s31+s3] =	stream.linear.scatter [tilespmem:s30], [sflag:$0x1], $0x80, $0x38;
	[tilespmem:$0x4000] =	vst v63  }
0x306: {  	s1 =	sor.u32 $0x800, s28;
	s29 =	sadd.s32 $0x250, s12  }
0x307: {  	[hbm4b:s29+s3] =	stream.linear.scatter [tilespmem:s1], [sflag:$0x1], $0x80, $0x38;
	[tilespmem:$0x4000] =	vst v63  }
0x308: {  	s30 =	sor.u32 $0xA00, s28;
	s31 =	sadd.s32 $0x2D0, s12  }
0x309: {  	[hbm4b:s31+s3] =	stream.linear.scatter [tilespmem:s30], [sflag:$0x1], $0x80, $0x38;
	[tilespmem:$0x4000] =	vst v63  }
0x30a: {  	s1 =	sor.u32 $0xC00, s28;
	s29 =	sadd.s32 $0x350, s12  }
0x30b: {  	[hbm4b:s29+s3] =	stream.linear.scatter [tilespmem:s1], [sflag:$0x1], $0x80, $0x38;
	[tilespmem:$0x4000] =	vst v63  }
0x30c: {  	s30 =	sor.u32 $0xE00, s28;
	s31 =	sadd.s32 $0x3D0, s12  }
0x30d: {  	[hbm4b:s31+s3] =	stream.linear.scatter [tilespmem:s30], [sflag:$0x1], $0x80, $0x38;
	[tilespmem:$0x4000] =	vst v63  }
0x30e: {  	s1 =	sor.u32 $0x1000, s28;
	s29 =	sadd.s32 $0x450, s12  }
0x30f: {  	[hbm4b:s29+s3] =	stream.linear.scatter [tilespmem:s1], [sflag:$0x1], $0x80, $0x38;
	[tilespmem:$0x4000] =	vst v63  }
0x310: {  	s30 =	sor.u32 $0x1200, s28;
	s31 =	sadd.s32 $0x4D0, s12  }
0x311: {  	[hbm4b:s31+s3] =	stream.linear.scatter [tilespmem:s30], [sflag:$0x1], $0x80, $0x38;
	[tilespmem:$0x4000] =	vst v63  }
0x312: {  	s1 =	sor.u32 $0x1400, s28;
	s29 =	sadd.s32 $0x550, s12  }
0x313: {  	[hbm4b:s29+s3] =	stream.linear.scatter [tilespmem:s1], [sflag:$0x1], $0x80, $0x38;
	[tilespmem:$0x4000] =	vst v63  }
0x314: {  	s30 =	sor.u32 $0x1600, s28;
	s31 =	sadd.s32 $0x5D0, s12  }
0x315: {  	[hbm4b:s31+s3] =	stream.linear.scatter [tilespmem:s30], [sflag:$0x1], $0x80, $0x38;
	[tilespmem:$0x4000] =	vst v63  }
0x316: {  	s1 =	sor.u32 $0x1800, s28;
	s29 =	sadd.s32 $0x650, s12  }
0x317: {  	[hbm4b:s29+s3] =	stream.linear.scatter [tilespmem:s1], [sflag:$0x1], $0x80, $0x38;
	[tilespmem:$0x4000] =	vst v63  }
0x318: {  	s30 =	sor.u32 $0x1A00, s28;
	s31 =	sadd.s32 $0x6D0, s12  }
0x319: {  	[hbm4b:s31+s3] =	stream.linear.scatter [tilespmem:s30], [sflag:$0x1], $0x80, $0x38;
	[tilespmem:$0x4000] =	vst v63  }
0x31a: {  	s1 =	sor.u32 $0x1C00, s28;
	s29 =	sadd.s32 $0x750, s12  }
0x31b: {  	[hbm4b:s29+s3] =	stream.linear.scatter [tilespmem:s1], [sflag:$0x1], $0x80, $0x38;
	[tilespmem:$0x4000] =	vst v63  }
0x31c: {  	s30 =	sor.u32 $0x1E00, s28;
	s31 =	sadd.s32 $0x7D0, s12  }
0x31d: {  	[hbm4b:s31+s3] =	stream.linear.scatter [tilespmem:s30], [sflag:$0x1], $0x80, $0x38;
	[tilespmem:$0x4000] =	vst v63  }
0x31e: {  	s28 =	sadd.s32 $0x60, s12  }
0x31f: {  	[hbm4b:s28+s3] =	stream.linear.scatter [tilespmem:s26], [sflag:$0x1], $0x80, $0x38;
	[tilespmem:$0x4000] =	vst v63  }
0x320: {  	s29 =	sor.u32 $0x200, s26;
	s30 =	sadd.s32 $0xE0, s12  }
0x321: {  	[hbm4b:s30+s3] =	stream.linear.scatter [tilespmem:s29], [sflag:$0x1], $0x80, $0x38;
	[tilespmem:$0x4000] =	vst v63  }
0x322: {  	s1 =	sor.u32 $0x400, s26;
	s31 =	sadd.s32 $0x160, s12  }
0x323: {  	[hbm4b:s31+s3] =	stream.linear.scatter [tilespmem:s1], [sflag:$0x1], $0x80, $0x38;
	[tilespmem:$0x4000] =	vst v63  }
0x324: {  	s29 =	sor.u32 $0x600, s26;
	s30 =	sadd.s32 $0x1E0, s12  }
0x325: {  	[hbm4b:s30+s3] =	stream.linear.scatter [tilespmem:s29], [sflag:$0x1], $0x80, $0x38;
	[tilespmem:$0x4000] =	vst v63  }
0x326: {  	s1 =	sor.u32 $0x800, s26;
	s31 =	sadd.s32 $0x260, s12  }
0x327: {  	[hbm4b:s31+s3] =	stream.linear.scatter [tilespmem:s1], [sflag:$0x1], $0x80, $0x38;
	[tilespmem:$0x4000] =	vst v63  }
0x328: {  	s29 =	sor.u32 $0xA00, s26;
	s30 =	sadd.s32 $0x2E0, s12  }
0x329: {  	[hbm4b:s30+s3] =	stream.linear.scatter [tilespmem:s29], [sflag:$0x1], $0x80, $0x38;
	[tilespmem:$0x4000] =	vst v63  }
0x32a: {  	s1 =	sor.u32 $0xC00, s26;
	s31 =	sadd.s32 $0x360, s12  }
0x32b: {  	[hbm4b:s31+s3] =	stream.linear.scatter [tilespmem:s1], [sflag:$0x1], $0x80, $0x38;
	[tilespmem:$0x4000] =	vst v63  }
0x32c: {  	s29 =	sor.u32 $0xE00, s26;
	s30 =	sadd.s32 $0x3E0, s12  }
0x32d: {  	[hbm4b:s30+s3] =	stream.linear.scatter [tilespmem:s29], [sflag:$0x1], $0x80, $0x38;
	[tilespmem:$0x4000] =	vst v63  }
0x32e: {  	s1 =	sor.u32 $0x1000, s26;
	s31 =	sadd.s32 $0x460, s12  }
0x32f: {  	[hbm4b:s31+s3] =	stream.linear.scatter [tilespmem:s1], [sflag:$0x1], $0x80, $0x38;
	[tilespmem:$0x4000] =	vst v63  }
0x330: {  	s29 =	sor.u32 $0x1200, s26;
	s30 =	sadd.s32 $0x4E0, s12  }
0x331: {  	[hbm4b:s30+s3] =	stream.linear.scatter [tilespmem:s29], [sflag:$0x1], $0x80, $0x38;
	[tilespmem:$0x4000] =	vst v63  }
0x332: {  	s1 =	sor.u32 $0x1400, s26;
	s31 =	sadd.s32 $0x560, s12  }
0x333: {  	[hbm4b:s31+s3] =	stream.linear.scatter [tilespmem:s1], [sflag:$0x1], $0x80, $0x38;
	[tilespmem:$0x4000] =	vst v63  }
0x334: {  	s29 =	sor.u32 $0x1600, s26;
	s30 =	sadd.s32 $0x5E0, s12  }
0x335: {  	[hbm4b:s30+s3] =	stream.linear.scatter [tilespmem:s29], [sflag:$0x1], $0x80, $0x38;
	[tilespmem:$0x4000] =	vst v63  }
0x336: {  	s1 =	sor.u32 $0x1800, s26;
	s31 =	sadd.s32 $0x660, s12  }
0x337: {  	[hbm4b:s31+s3] =	stream.linear.scatter [tilespmem:s1], [sflag:$0x1], $0x80, $0x38;
	[tilespmem:$0x4000] =	vst v63  }
0x338: {  	s29 =	sor.u32 $0x1A00, s26;
	s30 =	sadd.s32 $0x6E0, s12  }
0x339: {  	[hbm4b:s30+s3] =	stream.linear.scatter [tilespmem:s29], [sflag:$0x1], $0x80, $0x38;
	[tilespmem:$0x4000] =	vst v63  }
0x33a: {  	s1 =	sor.u32 $0x1C00, s26;
	s31 =	sadd.s32 $0x760, s12  }
0x33b: {  	[hbm4b:s31+s3] =	stream.linear.scatter [tilespmem:s1], [sflag:$0x1], $0x80, $0x38;
	[tilespmem:$0x4000] =	vst v63  }
0x33c: {  	s29 =	sor.u32 $0x1E00, s26;
	s30 =	sadd.s32 $0x7E0, s12  }
0x33d: {  	[hbm4b:s30+s3] =	stream.linear.scatter [tilespmem:s29], [sflag:$0x1], $0x80, $0x38;
	[tilespmem:$0x4000] =	vst v63  }
0x33e: {  	s31 =	sadd.s32 $0x70, s12  }
0x33f: {  	[hbm4b:s31+s3] =	stream.linear.scatter [tilespmem:s23], [sflag:$0x1], $0x80, $0x38;
	[tilespmem:$0x4000] =	vst v63  }
0x340: {  	s2 =	sor.u32 $0x200, s23;
	s26 =	sadd.s32 $0xF0, s12  }
0x341: {  	[hbm4b:s26+s3] =	stream.linear.scatter [tilespmem:s2], [sflag:$0x1], $0x80, $0x38;
	[tilespmem:$0x4000] =	vst v63  }
0x342: {  	s28 =	sor.u32 $0x400, s23;
	s29 =	sadd.s32 $0x170, s12  }
0x343: {  	[hbm4b:s29+s3] =	stream.linear.scatter [tilespmem:s28], [sflag:$0x1], $0x80, $0x38;
	[tilespmem:$0x4000] =	vst v63  }
0x344: {  	s30 =	sor.u32 $0x600, s23;
	s31 =	sadd.s32 $0x1F0, s12  }
0x345: {  	[hbm4b:s31+s3] =	stream.linear.scatter [tilespmem:s30], [sflag:$0x1], $0x80, $0x38;
	[tilespmem:$0x4000] =	vst v63  }
0x346: {  	s28 =	sor.u32 $0x800, s23;
	s29 =	sadd.s32 $0x270, s12  }
0x347: {  	[hbm4b:s29+s3] =	stream.linear.scatter [tilespmem:s28], [sflag:$0x1], $0x80, $0x38;
	[tilespmem:$0x4000] =	vst v63  }
0x348: {  	s30 =	sor.u32 $0xA00, s23;
	s31 =	sadd.s32 $0x2F0, s12  }
0x349: {  	[hbm4b:s31+s3] =	stream.linear.scatter [tilespmem:s30], [sflag:$0x1], $0x80, $0x38;
	[tilespmem:$0x4000] =	vst v63  }
0x34a: {  	s28 =	sor.u32 $0xC00, s23;
	s29 =	sadd.s32 $0x370, s12  }
0x34b: {  	[hbm4b:s29+s3] =	stream.linear.scatter [tilespmem:s28], [sflag:$0x1], $0x80, $0x38;
	[tilespmem:$0x4000] =	vst v63  }
0x34c: {  	s30 =	sor.u32 $0xE00, s23;
	s31 =	sadd.s32 $0x3F0, s12  }
0x34d: {  	[hbm4b:s31+s3] =	stream.linear.scatter [tilespmem:s30], [sflag:$0x1], $0x80, $0x38;
	[tilespmem:$0x4000] =	vst v63  }
0x34e: {  	s28 =	sor.u32 $0x1000, s23;
	s29 =	sadd.s32 $0x470, s12  }
0x34f: {  	[hbm4b:s29+s3] =	stream.linear.scatter [tilespmem:s28], [sflag:$0x1], $0x80, $0x38;
	[tilespmem:$0x4000] =	vst v63  }
0x350: {  	s30 =	sor.u32 $0x1200, s23;
	s31 =	sadd.s32 $0x4F0, s12  }
0x351: {  	[hbm4b:s31+s3] =	stream.linear.scatter [tilespmem:s30], [sflag:$0x1], $0x80, $0x38;
	[tilespmem:$0x4000] =	vst v63  }
0x352: {  	s28 =	sor.u32 $0x1400, s23;
	s29 =	sadd.s32 $0x570, s12  }
0x353: {  	[hbm4b:s29+s3] =	stream.linear.scatter [tilespmem:s28], [sflag:$0x1], $0x80, $0x38;
	[tilespmem:$0x4000] =	vst v63  }
0x354: {  	s30 =	sor.u32 $0x1600, s23;
	s31 =	sadd.s32 $0x5F0, s12  }
0x355: {  	[hbm4b:s31+s3] =	stream.linear.scatter [tilespmem:s30], [sflag:$0x1], $0x80, $0x38;
	[tilespmem:$0x4000] =	vst v63  }
0x356: {  	s28 =	sor.u32 $0x1800, s23;
	s29 =	sadd.s32 $0x670, s12  }
0x357: {  	[hbm4b:s29+s3] =	stream.linear.scatter [tilespmem:s28], [sflag:$0x1], $0x80, $0x38;
	[tilespmem:$0x4000] =	vst v63  }
0x358: {  	s30 =	sor.u32 $0x1A00, s23;
	s31 =	sadd.s32 $0x6F0, s12  }
0x359: {  	[hbm4b:s31+s3] =	stream.linear.scatter [tilespmem:s30], [sflag:$0x1], $0x80, $0x38;
	[tilespmem:$0x4000] =	vst v63  }
0x35a: {  	s28 =	sor.u32 $0x1C00, s23;
	s29 =	sadd.s32 $0x770, s12  }
0x35b: {  	[hbm4b:s29+s3] =	stream.linear.scatter [tilespmem:s28], [sflag:$0x1], $0x80, $0x38;
	[tilespmem:$0x4000] =	vst v63  }
0x35c: {  	s24 =	sand.u32 $0xFFFFE000, s24;
	s30 =	sor.u32 $0x1E00, s23;
	s31 =	sadd.s32 $0x7F0, s12  }
0x35d: {  	[hbm4b:s31+s3] =	stream.linear.scatter [tilespmem:s30], [sflag:$0x1], $0x80, $0x38;
	[tilespmem:$0x4000] =	vst v63  }
0x35e: {  	s26 =	sadd.s32 $0x800, s12;
	s23 =	sor.u32 s25, s24  }
0x35f: {  	[hbm4b:s26+s3] =	stream.linear.scatter [tilespmem:s23], [sflag:$0x1], $0x80, $0x38;
	[tilespmem:$0x4000] =	vst v63  }
0x360: {  	s28 =	sor.u32 $0x200, s23;
	s29 =	sadd.s32 $0x880, s12  }
0x361: {  	[hbm4b:s29+s3] =	stream.linear.scatter [tilespmem:s28], [sflag:$0x1], $0x80, $0x38;
	[tilespmem:$0x4000] =	vst v63  }
0x362: {  	s30 =	sor.u32 $0x400, s23;
	s31 =	sadd.s32 $0x900, s12  }
0x363: {  	[hbm4b:s31+s3] =	stream.linear.scatter [tilespmem:s30], [sflag:$0x1], $0x80, $0x38;
	[tilespmem:$0x4000] =	vst v63  }
0x364: {  	s25 =	sor.u32 $0x600, s23;
	s26 =	sadd.s32 $0x980, s12  }
0x365: {  	[hbm4b:s26+s3] =	stream.linear.scatter [tilespmem:s25], [sflag:$0x1], $0x80, $0x38;
	[tilespmem:$0x4000] =	vst v63  }
0x366: {  	s28 =	sor.u32 $0x800, s23;
	s29 =	sadd.s32 $0xA00, s12  }
0x367: {  	[hbm4b:s29+s3] =	stream.linear.scatter [tilespmem:s28], [sflag:$0x1], $0x80, $0x38;
	[tilespmem:$0x4000] =	vst v63  }
0x368: {  	s30 =	sor.u32 $0xA00, s23;
	s31 =	sadd.s32 $0xA80, s12  }
0x369: {  	[hbm4b:s31+s3] =	stream.linear.scatter [tilespmem:s30], [sflag:$0x1], $0x80, $0x38;
	[tilespmem:$0x4000] =	vst v63  }
0x36a: {  	s25 =	sor.u32 $0xC00, s23;
	s26 =	sadd.s32 $0xB00, s12  }
0x36b: {  	[hbm4b:s26+s3] =	stream.linear.scatter [tilespmem:s25], [sflag:$0x1], $0x80, $0x38;
	[tilespmem:$0x4000] =	vst v63  }
0x36c: {  	s28 =	sor.u32 $0xE00, s23;
	s29 =	sadd.s32 $0xB80, s12  }
0x36d: {  	[hbm4b:s29+s3] =	stream.linear.scatter [tilespmem:s28], [sflag:$0x1], $0x80, $0x38;
	[tilespmem:$0x4000] =	vst v63  }
0x36e: {  	s30 =	sor.u32 $0x1000, s23;
	s31 =	sadd.s32 $0xC00, s12  }
0x36f: {  	[hbm4b:s31+s3] =	stream.linear.scatter [tilespmem:s30], [sflag:$0x1], $0x80, $0x38;
	[tilespmem:$0x4000] =	vst v63  }
0x370: {  	s25 =	sor.u32 $0x1200, s23;
	s26 =	sadd.s32 $0xC80, s12  }
0x371: {  	[hbm4b:s26+s3] =	stream.linear.scatter [tilespmem:s25], [sflag:$0x1], $0x80, $0x38;
	[tilespmem:$0x4000] =	vst v63  }
0x372: {  	s28 =	sor.u32 $0x1400, s23;
	s29 =	sadd.s32 $0xD00, s12  }
0x373: {  	[hbm4b:s29+s3] =	stream.linear.scatter [tilespmem:s28], [sflag:$0x1], $0x80, $0x38;
	[tilespmem:$0x4000] =	vst v63  }
0x374: {  	s30 =	sor.u32 $0x1600, s23;
	s31 =	sadd.s32 $0xD80, s12  }
0x375: {  	[hbm4b:s31+s3] =	stream.linear.scatter [tilespmem:s30], [sflag:$0x1], $0x80, $0x38;
	[tilespmem:$0x4000] =	vst v63  }
0x376: {  	s25 =	sor.u32 $0x1800, s23;
	s26 =	sadd.s32 $0xE00, s12  }
0x377: {  	[hbm4b:s26+s3] =	stream.linear.scatter [tilespmem:s25], [sflag:$0x1], $0x80, $0x38;
	[tilespmem:$0x4000] =	vst v63  }
0x378: {  	s28 =	sor.u32 $0x1A00, s23;
	s29 =	sadd.s32 $0xE80, s12  }
0x379: {  	[hbm4b:s29+s3] =	stream.linear.scatter [tilespmem:s28], [sflag:$0x1], $0x80, $0x38;
	[tilespmem:$0x4000] =	vst v63  }
0x37a: {  	s30 =	sor.u32 $0x1C00, s23;
	s31 =	sadd.s32 $0xF00, s12  }
0x37b: {  	[hbm4b:s31+s3] =	stream.linear.scatter [tilespmem:s30], [sflag:$0x1], $0x80, $0x38;
	[tilespmem:$0x4000] =	vst v63  }
0x37c: {  	s23 =	sor.u32 $0x1E00, s23;
	s25 =	sadd.s32 $0xF80, s12  }
0x37d: {  	[hbm4b:s25+s3] =	stream.linear.scatter [tilespmem:s23], [sflag:$0x1], $0x80, $0x38;
	[tilespmem:$0x4000] =	vst v63  }
0x37e: {  	s26 =	sadd.s32 $0x810, s12  }
0x37f: {  	[hbm4b:s26+s3] =	stream.linear.scatter [tilespmem:s20], [sflag:$0x1], $0x80, $0x38;
	[tilespmem:$0x4000] =	vst v63  }
0x380: {  	s28 =	sor.u32 $0x200, s20;
	s29 =	sadd.s32 $0x890, s12  }
0x381: {  	[hbm4b:s29+s3] =	stream.linear.scatter [tilespmem:s28], [sflag:$0x1], $0x80, $0x38;
	[tilespmem:$0x4000] =	vst v63  }
0x382: {  	s30 =	sor.u32 $0x400, s20;
	s31 =	sadd.s32 $0x910, s12  }
0x383: {  	[hbm4b:s31+s3] =	stream.linear.scatter [tilespmem:s30], [sflag:$0x1], $0x80, $0x38;
	[tilespmem:$0x4000] =	vst v63  }
0x384: {  	s2 =	sor.u32 $0x600, s20;
	s24 =	sadd.s32 $0x990, s12  }
0x385: {  	[hbm4b:s24+s3] =	stream.linear.scatter [tilespmem:s2], [sflag:$0x1], $0x80, $0x38;
	[tilespmem:$0x4000] =	vst v63  }
0x386: {  	s25 =	sor.u32 $0x800, s20;
	s26 =	sadd.s32 $0xA10, s12  }
0x387: {  	[hbm4b:s26+s3] =	stream.linear.scatter [tilespmem:s25], [sflag:$0x1], $0x80, $0x38;
	[tilespmem:$0x4000] =	vst v63  }
0x388: {  	s28 =	sor.u32 $0xA00, s20;
	s29 =	sadd.s32 $0xA90, s12  }
0x389: {  	[hbm4b:s29+s3] =	stream.linear.scatter [tilespmem:s28], [sflag:$0x1], $0x80, $0x38;
	[tilespmem:$0x4000] =	vst v63  }
0x38a: {  	s30 =	sor.u32 $0xC00, s20;
	s31 =	sadd.s32 $0xB10, s12  }
0x38b: {  	[hbm4b:s31+s3] =	stream.linear.scatter [tilespmem:s30], [sflag:$0x1], $0x80, $0x38;
	[tilespmem:$0x4000] =	vst v63  }
0x38c: {  	s2 =	sor.u32 $0xE00, s20;
	s24 =	sadd.s32 $0xB90, s12  }
0x38d: {  	[hbm4b:s24+s3] =	stream.linear.scatter [tilespmem:s2], [sflag:$0x1], $0x80, $0x38;
	[tilespmem:$0x4000] =	vst v63  }
0x38e: {  	s25 =	sor.u32 $0x1000, s20;
	s26 =	sadd.s32 $0xC10, s12  }
0x38f: {  	[hbm4b:s26+s3] =	stream.linear.scatter [tilespmem:s25], [sflag:$0x1], $0x80, $0x38;
	[tilespmem:$0x4000] =	vst v63  }
0x390: {  	s28 =	sor.u32 $0x1200, s20;
	s29 =	sadd.s32 $0xC90, s12  }
0x391: {  	[hbm4b:s29+s3] =	stream.linear.scatter [tilespmem:s28], [sflag:$0x1], $0x80, $0x38;
	[tilespmem:$0x4000] =	vst v63  }
0x392: {  	s30 =	sor.u32 $0x1400, s20;
	s31 =	sadd.s32 $0xD10, s12  }
0x393: {  	[hbm4b:s31+s3] =	stream.linear.scatter [tilespmem:s30], [sflag:$0x1], $0x80, $0x38;
	[tilespmem:$0x4000] =	vst v63  }
0x394: {  	s2 =	sor.u32 $0x1600, s20;
	s24 =	sadd.s32 $0xD90, s12  }
0x395: {  	[hbm4b:s24+s3] =	stream.linear.scatter [tilespmem:s2], [sflag:$0x1], $0x80, $0x38;
	[tilespmem:$0x4000] =	vst v63  }
0x396: {  	s25 =	sor.u32 $0x1800, s20;
	s26 =	sadd.s32 $0xE10, s12  }
0x397: {  	[hbm4b:s26+s3] =	stream.linear.scatter [tilespmem:s25], [sflag:$0x1], $0x80, $0x38;
	[tilespmem:$0x4000] =	vst v63  }
0x398: {  	s28 =	sor.u32 $0x1A00, s20;
	s29 =	sadd.s32 $0xE90, s12  }
0x399: {  	[hbm4b:s29+s3] =	stream.linear.scatter [tilespmem:s28], [sflag:$0x1], $0x80, $0x38;
	[tilespmem:$0x4000] =	vst v63  }
0x39a: {  	s22 =	sshll.u32 s22, $0x7;
	s30 =	sor.u32 $0x1C00, s20;
	s31 =	sadd.s32 $0xF10, s12  }
0x39b: {  	[hbm4b:s31+s3] =	stream.linear.scatter [tilespmem:s30], [sflag:$0x1], $0x80, $0x38;
	[tilespmem:$0x4000] =	vst v63  }
0x39c: {  	s2 =	sor.u32 $0x1E00, s20;
	s24 =	sadd.s32 $0xF90, s12;
	s25 =	sand.u32 $0x180, s22  }
0x39d: {  	[hbm4b:s24+s3] =	stream.linear.scatter [tilespmem:s2], [sflag:$0x1], $0x80, $0x38;
	[tilespmem:$0x4000] =	vst v63  }
0x39e: {  	s26 =	sadd.s32 $0x820, s12;
	s20 =	sor.u32 s25, s21  }
0x39f: {  	[hbm4b:s26+s3] =	stream.linear.scatter [tilespmem:s20], [sflag:$0x1], $0x80, $0x38;
	[tilespmem:$0x4000] =	vst v63  }
0x3a0: {  	s28 =	sor.u32 $0x200, s20;
	s29 =	sadd.s32 $0x8A0, s12  }
0x3a1: {  	[hbm4b:s29+s3] =	stream.linear.scatter [tilespmem:s28], [sflag:$0x1], $0x80, $0x38;
	[tilespmem:$0x4000] =	vst v63  }
0x3a2: {  	s30 =	sor.u32 $0x400, s20;
	s31 =	sadd.s32 $0x920, s12  }
0x3a3: {  	[hbm4b:s31+s3] =	stream.linear.scatter [tilespmem:s30], [sflag:$0x1], $0x80, $0x38;
	[tilespmem:$0x4000] =	vst v63  }
0x3a4: {  	s22 =	sadd.s32 $0x9A0, s12;
	s2 =	sor.u32 $0x600, s20  }
0x3a5: {  	[hbm4b:s22+s3] =	stream.linear.scatter [tilespmem:s2], [sflag:$0x1], $0x80, $0x38;
	[tilespmem:$0x4000] =	vst v63  }
0x3a6: {  	s23 =	sor.u32 $0x800, s20;
	s24 =	sadd.s32 $0xA20, s12  }
0x3a7: {  	[hbm4b:s24+s3] =	stream.linear.scatter [tilespmem:s23], [sflag:$0x1], $0x80, $0x38;
	[tilespmem:$0x4000] =	vst v63  }
0x3a8: {  	s25 =	sor.u32 $0xA00, s20;
	s26 =	sadd.s32 $0xAA0, s12  }
0x3a9: {  	[hbm4b:s26+s3] =	stream.linear.scatter [tilespmem:s25], [sflag:$0x1], $0x80, $0x38;
	[tilespmem:$0x4000] =	vst v63  }
0x3aa: {  	s28 =	sor.u32 $0xC00, s20;
	s29 =	sadd.s32 $0xB20, s12  }
0x3ab: {  	[hbm4b:s29+s3] =	stream.linear.scatter [tilespmem:s28], [sflag:$0x1], $0x80, $0x38;
	[tilespmem:$0x4000] =	vst v63  }
0x3ac: {  	s30 =	sor.u32 $0xE00, s20;
	s31 =	sadd.s32 $0xBA0, s12  }
0x3ad: {  	[hbm4b:s31+s3] =	stream.linear.scatter [tilespmem:s30], [sflag:$0x1], $0x80, $0x38;
	[tilespmem:$0x4000] =	vst v63  }
0x3ae: {  	s21 =	sor.u32 $0x1000, s20;
	s22 =	sadd.s32 $0xC20, s12  }
0x3af: {  	[hbm4b:s22+s3] =	stream.linear.scatter [tilespmem:s21], [sflag:$0x1], $0x80, $0x38;
	[tilespmem:$0x4000] =	vst v63  }
0x3b0: {  	s23 =	sor.u32 $0x1200, s20;
	s24 =	sadd.s32 $0xCA0, s12  }
0x3b1: {  	[hbm4b:s24+s3] =	stream.linear.scatter [tilespmem:s23], [sflag:$0x1], $0x80, $0x38;
	[tilespmem:$0x4000] =	vst v63  }
0x3b2: {  	s25 =	sor.u32 $0x1400, s20;
	s26 =	sadd.s32 $0xD20, s12  }
0x3b3: {  	[hbm4b:s26+s3] =	stream.linear.scatter [tilespmem:s25], [sflag:$0x1], $0x80, $0x38;
	[tilespmem:$0x4000] =	vst v63  }
0x3b4: {  	s28 =	sor.u32 $0x1600, s20;
	s29 =	sadd.s32 $0xDA0, s12  }
0x3b5: {  	[hbm4b:s29+s3] =	stream.linear.scatter [tilespmem:s28], [sflag:$0x1], $0x80, $0x38;
	[tilespmem:$0x4000] =	vst v63  }
0x3b6: {  	s30 =	sor.u32 $0x1800, s20;
	s31 =	sadd.s32 $0xE20, s12  }
0x3b7: {  	[hbm4b:s31+s3] =	stream.linear.scatter [tilespmem:s30], [sflag:$0x1], $0x80, $0x38;
	[tilespmem:$0x4000] =	vst v63  }
0x3b8: {  	s22 =	sor.u32 $0x1A00, s20;
	s23 =	sadd.s32 $0xEA0, s12  }
0x3b9: {  	[hbm4b:s23+s3] =	stream.linear.scatter [tilespmem:s22], [sflag:$0x1], $0x80, $0x38;
	[tilespmem:$0x4000] =	vst v63  }
0x3ba: {  	s24 =	sor.u32 $0x1C00, s20;
	s25 =	sadd.s32 $0xF20, s12  }
0x3bb: {  	[hbm4b:s25+s3] =	stream.linear.scatter [tilespmem:s24], [sflag:$0x1], $0x80, $0x38;
	[tilespmem:$0x4000] =	vst v63  }
0x3bc: {  	s26 =	sor.u32 $0x1E00, s20;
	s28 =	sadd.s32 $0xFA0, s12  }
0x3bd: {  	[hbm4b:s28+s3] =	stream.linear.scatter [tilespmem:s26], [sflag:$0x1], $0x80, $0x38;
	[tilespmem:$0x4000] =	vst v63  }
0x3be: {  	s18 =	sor.u32 s19, s18;
	s29 =	sadd.s32 $0x830, s12  }
0x3bf: {  	[hbm4b:s29+s3] =	stream.linear.scatter [tilespmem:s18], [sflag:$0x1], $0x80, $0x38;
	[tilespmem:$0x4000] =	vst v63  }
0x3c0: {  	s30 =	sor.u32 $0x200, s18;
	s31 =	sadd.s32 $0x8B0, s12  }
0x3c1: {  	[hbm4b:s31+s3] =	stream.linear.scatter [tilespmem:s30], [sflag:$0x1], $0x80, $0x38;
	[tilespmem:$0x4000] =	vst v63  }
0x3c2: {  	s19 =	sor.u32 $0x400, s18;
	s20 =	sadd.s32 $0x930, s12  }
0x3c3: {  	[hbm4b:s20+s3] =	stream.linear.scatter [tilespmem:s19], [sflag:$0x1], $0x80, $0x38;
	[tilespmem:$0x4000] =	vst v63  }
0x3c4: {  	s21 =	sor.u32 $0x600, s18;
	s22 =	sadd.s32 $0x9B0, s12  }
0x3c5: {  	[hbm4b:s22+s3] =	stream.linear.scatter [tilespmem:s21], [sflag:$0x1], $0x80, $0x38;
	[tilespmem:$0x4000] =	vst v63  }
0x3c6: {  	s23 =	sor.u32 $0x800, s18;
	s24 =	sadd.s32 $0xA30, s12  }
0x3c7: {  	[hbm4b:s24+s3] =	stream.linear.scatter [tilespmem:s23], [sflag:$0x1], $0x80, $0x38;
	[tilespmem:$0x4000] =	vst v63  }
0x3c8: {  	s25 =	sor.u32 $0xA00, s18;
	s26 =	sadd.s32 $0xAB0, s12  }
0x3c9: {  	[hbm4b:s26+s3] =	stream.linear.scatter [tilespmem:s25], [sflag:$0x1], $0x80, $0x38;
	[tilespmem:$0x4000] =	vst v63  }
0x3ca: {  	s28 =	sor.u32 $0xC00, s18;
	s29 =	sadd.s32 $0xB30, s12  }
0x3cb: {  	[hbm4b:s29+s3] =	stream.linear.scatter [tilespmem:s28], [sflag:$0x1], $0x80, $0x38;
	[tilespmem:$0x4000] =	vst v63  }
0x3cc: {  	s30 =	sor.u32 $0xE00, s18;
	s31 =	sadd.s32 $0xBB0, s12  }
0x3cd: {  	[hbm4b:s31+s3] =	stream.linear.scatter [tilespmem:s30], [sflag:$0x1], $0x80, $0x38;
	[tilespmem:$0x4000] =	vst v63  }
0x3ce: {  	s19 =	sor.u32 $0x1000, s18;
	s20 =	sadd.s32 $0xC30, s12  }
0x3cf: {  	[hbm4b:s20+s3] =	stream.linear.scatter [tilespmem:s19], [sflag:$0x1], $0x80, $0x38;
	[tilespmem:$0x4000] =	vst v63  }
0x3d0: {  	s21 =	sor.u32 $0x1200, s18;
	s22 =	sadd.s32 $0xCB0, s12  }
0x3d1: {  	[hbm4b:s22+s3] =	stream.linear.scatter [tilespmem:s21], [sflag:$0x1], $0x80, $0x38;
	[tilespmem:$0x4000] =	vst v63  }
0x3d2: {  	s23 =	sor.u32 $0x1400, s18;
	s24 =	sadd.s32 $0xD30, s12  }
0x3d3: {  	[hbm4b:s24+s3] =	stream.linear.scatter [tilespmem:s23], [sflag:$0x1], $0x80, $0x38;
	[tilespmem:$0x4000] =	vst v63  }
0x3d4: {  	s25 =	sor.u32 $0x1600, s18;
	s26 =	sadd.s32 $0xDB0, s12  }
0x3d5: {  	[hbm4b:s26+s3] =	stream.linear.scatter [tilespmem:s25], [sflag:$0x1], $0x80, $0x38;
	[tilespmem:$0x4000] =	vst v63  }
0x3d6: {  	s28 =	sor.u32 $0x1800, s18;
	s29 =	sadd.s32 $0xE30, s12  }
0x3d7: {  	[hbm4b:s29+s3] =	stream.linear.scatter [tilespmem:s28], [sflag:$0x1], $0x80, $0x38;
	[tilespmem:$0x4000] =	vst v63  }
0x3d8: {  	s30 =	sor.u32 $0x1A00, s18;
	s31 =	sadd.s32 $0xEB0, s12  }
0x3d9: {  	[hbm4b:s31+s3] =	stream.linear.scatter [tilespmem:s30], [sflag:$0x1], $0x80, $0x38;
	[tilespmem:$0x4000] =	vst v63  }
0x3da: {  	s20 =	sor.u32 $0x1C00, s18;
	s21 =	sadd.s32 $0xF30, s12  }
0x3db: {  	[hbm4b:s21+s3] =	stream.linear.scatter [tilespmem:s20], [sflag:$0x1], $0x80, $0x38;
	[tilespmem:$0x4000] =	vst v63  }
0x3dc: {  	s22 =	sor.u32 $0x1E00, s18;
	s23 =	sadd.s32 $0xFB0, s12  }
0x3dd: {  	[hbm4b:s23+s3] =	stream.linear.scatter [tilespmem:s22], [sflag:$0x1], $0x80, $0x38;
	[tilespmem:$0x4000] =	vst v63  }
0x3de: {  	s24 =	sadd.s32 $0x840, s12  }
0x3df: {  	[hbm4b:s24+s3] =	stream.linear.scatter [tilespmem:s15], [sflag:$0x1], $0x80, $0x38;
	[tilespmem:$0x4000] =	vst v63  }
0x3e0: {  	s25 =	sor.u32 $0x200, s15;
	s26 =	sadd.s32 $0x8C0, s12  }
0x3e1: {  	[hbm4b:s26+s3] =	stream.linear.scatter [tilespmem:s25], [sflag:$0x1], $0x80, $0x38;
	[tilespmem:$0x4000] =	vst v63  }
0x3e2: {  	s28 =	sor.u32 $0x400, s15;
	s29 =	sadd.s32 $0x940, s12  }
0x3e3: {  	[hbm4b:s29+s3] =	stream.linear.scatter [tilespmem:s28], [sflag:$0x1], $0x80, $0x38;
	[tilespmem:$0x4000] =	vst v63  }
0x3e4: {  	s30 =	sor.u32 $0x600, s15;
	s31 =	sadd.s32 $0x9C0, s12  }
0x3e5: {  	[hbm4b:s31+s3] =	stream.linear.scatter [tilespmem:s30], [sflag:$0x1], $0x80, $0x38;
	[tilespmem:$0x4000] =	vst v63  }
0x3e6: {  	s19 =	sor.u32 $0x800, s15;
	s20 =	sadd.s32 $0xA40, s12  }
0x3e7: {  	[hbm4b:s20+s3] =	stream.linear.scatter [tilespmem:s19], [sflag:$0x1], $0x80, $0x38;
	[tilespmem:$0x4000] =	vst v63  }
0x3e8: {  	s21 =	sor.u32 $0xA00, s15;
	s22 =	sadd.s32 $0xAC0, s12  }
0x3e9: {  	[hbm4b:s22+s3] =	stream.linear.scatter [tilespmem:s21], [sflag:$0x1], $0x80, $0x38;
	[tilespmem:$0x4000] =	vst v63  }
0x3ea: {  	s23 =	sor.u32 $0xC00, s15;
	s24 =	sadd.s32 $0xB40, s12  }
0x3eb: {  	[hbm4b:s24+s3] =	stream.linear.scatter [tilespmem:s23], [sflag:$0x1], $0x80, $0x38;
	[tilespmem:$0x4000] =	vst v63  }
0x3ec: {  	s25 =	sor.u32 $0xE00, s15;
	s26 =	sadd.s32 $0xBC0, s12  }
0x3ed: {  	[hbm4b:s26+s3] =	stream.linear.scatter [tilespmem:s25], [sflag:$0x1], $0x80, $0x38;
	[tilespmem:$0x4000] =	vst v63  }
0x3ee: {  	s28 =	sor.u32 $0x1000, s15;
	s29 =	sadd.s32 $0xC40, s12  }
0x3ef: {  	[hbm4b:s29+s3] =	stream.linear.scatter [tilespmem:s28], [sflag:$0x1], $0x80, $0x38;
	[tilespmem:$0x4000] =	vst v63  }
0x3f0: {  	s30 =	sor.u32 $0x1200, s15;
	s31 =	sadd.s32 $0xCC0, s12  }
0x3f1: {  	[hbm4b:s31+s3] =	stream.linear.scatter [tilespmem:s30], [sflag:$0x1], $0x80, $0x38;
	[tilespmem:$0x4000] =	vst v63  }
0x3f2: {  	s19 =	sor.u32 $0x1400, s15;
	s20 =	sadd.s32 $0xD40, s12  }
0x3f3: {  	[hbm4b:s20+s3] =	stream.linear.scatter [tilespmem:s19], [sflag:$0x1], $0x80, $0x38;
	[tilespmem:$0x4000] =	vst v63  }
0x3f4: {  	s21 =	sor.u32 $0x1600, s15;
	s22 =	sadd.s32 $0xDC0, s12  }
0x3f5: {  	[hbm4b:s22+s3] =	stream.linear.scatter [tilespmem:s21], [sflag:$0x1], $0x80, $0x38;
	[tilespmem:$0x4000] =	vst v63  }
0x3f6: {  	s17 =	sshll.u32 s16, $0xB;
	s23 =	sor.u32 $0x1800, s15;
	s24 =	sadd.s32 $0xE40, s12  }
0x3f7: {  	[hbm4b:s24+s3] =	stream.linear.scatter [tilespmem:s23], [sflag:$0x1], $0x80, $0x38;
	[tilespmem:$0x4000] =	vst v63  }
0x3f8: {  	s16 =	sshll.u32 s16, $0x7;
	s25 =	sor.u32 $0x1A00, s15;
	s26 =	sadd.s32 $0xEC0, s12  }
0x3f9: {  	[hbm4b:s26+s3] =	stream.linear.scatter [tilespmem:s25], [sflag:$0x1], $0x80, $0x38;
	[tilespmem:$0x4000] =	vst v63  }
0x3fa: {  	s16 =	sand.u32 $0x180, s16;
	s28 =	sor.u32 $0x1C00, s15;
	s29 =	sadd.s32 $0xF40, s12  }
0x3fb: {  	[hbm4b:s29+s3] =	stream.linear.scatter [tilespmem:s28], [sflag:$0x1], $0x80, $0x38;
	[tilespmem:$0x4000] =	vst v63  }
0x3fc: {  	s17 =	sand.u32 $0xFFFFE000, s17;
	s30 =	sor.u32 $0x1E00, s15;
	s31 =	sadd.s32 $0xFC0, s12  }
0x3fd: {  	[hbm4b:s31+s3] =	stream.linear.scatter [tilespmem:s30], [sflag:$0x1], $0x80, $0x38;
	[tilespmem:$0x4000] =	vst v63  }
0x3fe: {  	s15 =	sor.u32 s16, s17;
	s16 =	sadd.s32 $0x850, s12  }
0x3ff: {  	[hbm4b:s16+s3] =	stream.linear.scatter [tilespmem:s15], [sflag:$0x1], $0x80, $0x38;
	[tilespmem:$0x4000] =	vst v63  }
0x400: {  	s18 =	sadd.s32 $0x8D0, s12;
	s17 =	sor.u32 $0x200, s15  }
0x401: {  	[hbm4b:s18+s3] =	stream.linear.scatter [tilespmem:s17], [sflag:$0x1], $0x80, $0x38;
	[tilespmem:$0x4000] =	vst v63  }
0x402: {  	s19 =	sor.u32 $0x400, s15;
	s20 =	sadd.s32 $0x950, s12  }
0x403: {  	[hbm4b:s20+s3] =	stream.linear.scatter [tilespmem:s19], [sflag:$0x1], $0x80, $0x38;
	[tilespmem:$0x4000] =	vst v63  }
0x404: {  	s21 =	sor.u32 $0x600, s15;
	s22 =	sadd.s32 $0x9D0, s12  }
0x405: {  	[hbm4b:s22+s3] =	stream.linear.scatter [tilespmem:s21], [sflag:$0x1], $0x80, $0x38;
	[tilespmem:$0x4000] =	vst v63  }
0x406: {  	s23 =	sor.u32 $0x800, s15;
	s24 =	sadd.s32 $0xA50, s12  }
0x407: {  	[hbm4b:s24+s3] =	stream.linear.scatter [tilespmem:s23], [sflag:$0x1], $0x80, $0x38;
	[tilespmem:$0x4000] =	vst v63  }
0x408: {  	s25 =	sor.u32 $0xA00, s15;
	s26 =	sadd.s32 $0xAD0, s12  }
0x409: {  	[hbm4b:s26+s3] =	stream.linear.scatter [tilespmem:s25], [sflag:$0x1], $0x80, $0x38;
	[tilespmem:$0x4000] =	vst v63  }
0x40a: {  	s28 =	sor.u32 $0xC00, s15;
	s29 =	sadd.s32 $0xB50, s12  }
0x40b: {  	[hbm4b:s29+s3] =	stream.linear.scatter [tilespmem:s28], [sflag:$0x1], $0x80, $0x38;
	[tilespmem:$0x4000] =	vst v63  }
0x40c: {  	s30 =	sor.u32 $0xE00, s15;
	s31 =	sadd.s32 $0xBD0, s12  }
0x40d: {  	[hbm4b:s31+s3] =	stream.linear.scatter [tilespmem:s30], [sflag:$0x1], $0x80, $0x38;
	[tilespmem:$0x4000] =	vst v63  }
0x40e: {  	s17 =	sor.u32 $0x1000, s15;
	s18 =	sadd.s32 $0xC50, s12  }
0x40f: {  	[hbm4b:s18+s3] =	stream.linear.scatter [tilespmem:s17], [sflag:$0x1], $0x80, $0x38;
	[tilespmem:$0x4000] =	vst v63  }
0x410: {  	s19 =	sor.u32 $0x1200, s15;
	s20 =	sadd.s32 $0xCD0, s12  }
0x411: {  	[hbm4b:s20+s3] =	stream.linear.scatter [tilespmem:s19], [sflag:$0x1], $0x80, $0x38;
	[tilespmem:$0x4000] =	vst v63  }
0x412: {  	s21 =	sor.u32 $0x1400, s15;
	s22 =	sadd.s32 $0xD50, s12  }
0x413: {  	[hbm4b:s22+s3] =	stream.linear.scatter [tilespmem:s21], [sflag:$0x1], $0x80, $0x38;
	[tilespmem:$0x4000] =	vst v63  }
0x414: {  	s23 =	sor.u32 $0x1600, s15;
	s24 =	sadd.s32 $0xDD0, s12  }
0x415: {  	[hbm4b:s24+s3] =	stream.linear.scatter [tilespmem:s23], [sflag:$0x1], $0x80, $0x38;
	[tilespmem:$0x4000] =	vst v63  }
0x416: {  	s25 =	sor.u32 $0x1800, s15;
	s26 =	sadd.s32 $0xE50, s12  }
0x417: {  	[hbm4b:s26+s3] =	stream.linear.scatter [tilespmem:s25], [sflag:$0x1], $0x80, $0x38;
	[tilespmem:$0x4000] =	vst v63  }
0x418: {  	s28 =	sor.u32 $0x1A00, s15;
	s29 =	sadd.s32 $0xED0, s12  }
0x419: {  	[hbm4b:s29+s3] =	stream.linear.scatter [tilespmem:s28], [sflag:$0x1], $0x80, $0x38;
	[tilespmem:$0x4000] =	vst v63  }
0x41a: {  	s30 =	sor.u32 $0x1C00, s15;
	s31 =	sadd.s32 $0xF50, s12  }
0x41b: {  	[hbm4b:s31+s3] =	stream.linear.scatter [tilespmem:s30], [sflag:$0x1], $0x80, $0x38;
	[tilespmem:$0x4000] =	vst v63  }
0x41c: {  	s15 =	sor.u32 $0x1E00, s15;
	s17 =	sadd.s32 $0xFD0, s12  }
0x41d: {  	[hbm4b:s17+s3] =	stream.linear.scatter [tilespmem:s15], [sflag:$0x1], $0x80, $0x38;
	[tilespmem:$0x4000] =	vst v63  }
0x41e: {  	s18 =	sadd.s32 $0x860, s12  }
0x41f: {  	[hbm4b:s18+s3] =	stream.linear.scatter [tilespmem:s14], [sflag:$0x1], $0x80, $0x38;
	[tilespmem:$0x4000] =	vst v63  }
0x420: {  	s19 =	sor.u32 $0x200, s14;
	s20 =	sadd.s32 $0x8E0, s12  }
0x421: {  	[hbm4b:s20+s3] =	stream.linear.scatter [tilespmem:s19], [sflag:$0x1], $0x80, $0x38;
	[tilespmem:$0x4000] =	vst v63  }
0x422: {  	s21 =	sor.u32 $0x400, s14;
	s22 =	sadd.s32 $0x960, s12  }
0x423: {  	[hbm4b:s22+s3] =	stream.linear.scatter [tilespmem:s21], [sflag:$0x1], $0x80, $0x38;
	[tilespmem:$0x4000] =	vst v63  }
0x424: {  	s23 =	sor.u32 $0x600, s14;
	s24 =	sadd.s32 $0x9E0, s12  }
0x425: {  	[hbm4b:s24+s3] =	stream.linear.scatter [tilespmem:s23], [sflag:$0x1], $0x80, $0x38;
	[tilespmem:$0x4000] =	vst v63  }
0x426: {  	s25 =	sor.u32 $0x800, s14;
	s26 =	sadd.s32 $0xA60, s12  }
0x427: {  	[hbm4b:s26+s3] =	stream.linear.scatter [tilespmem:s25], [sflag:$0x1], $0x80, $0x38;
	[tilespmem:$0x4000] =	vst v63  }
0x428: {  	s28 =	sor.u32 $0xA00, s14;
	s29 =	sadd.s32 $0xAE0, s12  }
0x429: {  	[hbm4b:s29+s3] =	stream.linear.scatter [tilespmem:s28], [sflag:$0x1], $0x80, $0x38;
	[tilespmem:$0x4000] =	vst v63  }
0x42a: {  	s30 =	sor.u32 $0xC00, s14;
	s31 =	sadd.s32 $0xB60, s12  }
0x42b: {  	[hbm4b:s31+s3] =	stream.linear.scatter [tilespmem:s30], [sflag:$0x1], $0x80, $0x38;
	[tilespmem:$0x4000] =	vst v63  }
0x42c: {  	s2 =	sor.u32 $0xE00, s14;
	s16 =	sadd.s32 $0xBE0, s12  }
0x42d: {  	[hbm4b:s16+s3] =	stream.linear.scatter [tilespmem:s2], [sflag:$0x1], $0x80, $0x38;
	[tilespmem:$0x4000] =	vst v63  }
0x42e: {  	s17 =	sor.u32 $0x1000, s14;
	s18 =	sadd.s32 $0xC60, s12  }
0x42f: {  	[hbm4b:s18+s3] =	stream.linear.scatter [tilespmem:s17], [sflag:$0x1], $0x80, $0x38;
	[tilespmem:$0x4000] =	vst v63  }
0x430: {  	s19 =	sor.u32 $0x1200, s14;
	s20 =	sadd.s32 $0xCE0, s12  }
0x431: {  	[hbm4b:s20+s3] =	stream.linear.scatter [tilespmem:s19], [sflag:$0x1], $0x80, $0x38;
	[tilespmem:$0x4000] =	vst v63  }
0x432: {  	s21 =	sor.u32 $0x1400, s14;
	s22 =	sadd.s32 $0xD60, s12  }
0x433: {  	[hbm4b:s22+s3] =	stream.linear.scatter [tilespmem:s21], [sflag:$0x1], $0x80, $0x38;
	[tilespmem:$0x4000] =	vst v63  }
0x434: {  	s23 =	sor.u32 $0x1600, s14;
	s24 =	sadd.s32 $0xDE0, s12  }
0x435: {  	[hbm4b:s24+s3] =	stream.linear.scatter [tilespmem:s23], [sflag:$0x1], $0x80, $0x38;
	[tilespmem:$0x4000] =	vst v63  }
0x436: {  	s25 =	sor.u32 $0x1800, s14;
	s26 =	sadd.s32 $0xE60, s12  }
0x437: {  	[hbm4b:s26+s3] =	stream.linear.scatter [tilespmem:s25], [sflag:$0x1], $0x80, $0x38;
	[tilespmem:$0x4000] =	vst v63  }
0x438: {  	s28 =	sor.u32 $0x1A00, s14;
	s29 =	sadd.s32 $0xEE0, s12  }
0x439: {  	[hbm4b:s29+s3] =	stream.linear.scatter [tilespmem:s28], [sflag:$0x1], $0x80, $0x38;
	[tilespmem:$0x4000] =	vst v63  }
0x43a: {  	s30 =	sor.u32 $0x1C00, s14;
	s31 =	sadd.s32 $0xF60, s12  }
0x43b: {  	[hbm4b:s31+s3] =	stream.linear.scatter [tilespmem:s30], [sflag:$0x1], $0x80, $0x38;
	[tilespmem:$0x4000] =	vst v63  }
0x43c: {  	s2 =	sor.u32 $0x1E00, s14;
	s14 =	sadd.s32 $0xFE0, s12  }
0x43d: {  	[hbm4b:s14+s3] =	stream.linear.scatter [tilespmem:s2], [sflag:$0x1], $0x80, $0x38;
	[tilespmem:$0x4000] =	vst v63  }
0x43e: {  	s16 =	sadd.s32 $0x870, s12  }
0x43f: {  	[hbm4b:s16+s3] =	stream.linear.scatter [tilespmem:s13], [sflag:$0x1], $0x80, $0x38;
	[tilespmem:$0x4000] =	vst v63  }
0x440: {  	s17 =	sor.u32 $0x200, s13;
	s18 =	sadd.s32 $0x8F0, s12  }
0x441: {  	[hbm4b:s18+s3] =	stream.linear.scatter [tilespmem:s17], [sflag:$0x1], $0x80, $0x38;
	[tilespmem:$0x4000] =	vst v63  }
0x442: {  	s19 =	sor.u32 $0x400, s13;
	s20 =	sadd.s32 $0x970, s12  }
0x443: {  	[hbm4b:s20+s3] =	stream.linear.scatter [tilespmem:s19], [sflag:$0x1], $0x80, $0x38;
	[tilespmem:$0x4000] =	vst v63  }
0x444: {  	s21 =	sor.u32 $0x600, s13;
	s22 =	sadd.s32 $0x9F0, s12  }
0x445: {  	[hbm4b:s22+s3] =	stream.linear.scatter [tilespmem:s21], [sflag:$0x1], $0x80, $0x38;
	[tilespmem:$0x4000] =	vst v63  }
0x446: {  	s23 =	sor.u32 $0x800, s13;
	s24 =	sadd.s32 $0xA70, s12  }
0x447: {  	[hbm4b:s24+s3] =	stream.linear.scatter [tilespmem:s23], [sflag:$0x1], $0x80, $0x38;
	[tilespmem:$0x4000] =	vst v63  }
0x448: {  	s25 =	sor.u32 $0xA00, s13;
	s26 =	sadd.s32 $0xAF0, s12  }
0x449: {  	[hbm4b:s26+s3] =	stream.linear.scatter [tilespmem:s25], [sflag:$0x1], $0x80, $0x38;
	[tilespmem:$0x4000] =	vst v63  }
0x44a: {  	s28 =	sor.u32 $0xC00, s13;
	s29 =	sadd.s32 $0xB70, s12  }
0x44b: {  	[hbm4b:s29+s3] =	stream.linear.scatter [tilespmem:s28], [sflag:$0x1], $0x80, $0x38;
	[tilespmem:$0x4000] =	vst v63  }
0x44c: {  	s30 =	sor.u32 $0xE00, s13;
	s31 =	sadd.s32 $0xBF0, s12  }
0x44d: {  	[hbm4b:s31+s3] =	stream.linear.scatter [tilespmem:s30], [sflag:$0x1], $0x80, $0x38;
	[tilespmem:$0x4000] =	vst v63  }
0x44e: {  	s15 =	sor.u32 $0x1000, s13;
	s16 =	sadd.s32 $0xC70, s12  }
0x44f: {  	[hbm4b:s16+s3] =	stream.linear.scatter [tilespmem:s15], [sflag:$0x1], $0x80, $0x38;
	[tilespmem:$0x4000] =	vst v63  }
0x450: {  	s17 =	sor.u32 $0x1200, s13;
	s18 =	sadd.s32 $0xCF0, s12  }
0x451: {  	[hbm4b:s18+s3] =	stream.linear.scatter [tilespmem:s17], [sflag:$0x1], $0x80, $0x38;
	[tilespmem:$0x4000] =	vst v63  }
0x452: {  	s19 =	sor.u32 $0x1400, s13;
	s20 =	sadd.s32 $0xD70, s12  }
0x453: {  	[hbm4b:s20+s3] =	stream.linear.scatter [tilespmem:s19], [sflag:$0x1], $0x80, $0x38;
	[tilespmem:$0x4000] =	vst v63  }
0x454: {  	s21 =	sor.u32 $0x1600, s13;
	s22 =	sadd.s32 $0xDF0, s12  }
0x455: {  	[hbm4b:s22+s3] =	stream.linear.scatter [tilespmem:s21], [sflag:$0x1], $0x80, $0x38;
	[tilespmem:$0x4000] =	vst v63  }
0x456: {  	s23 =	sor.u32 $0x1800, s13;
	s24 =	sadd.s32 $0xE70, s12  }
0x457: {  	[hbm4b:s24+s3] =	stream.linear.scatter [tilespmem:s23], [sflag:$0x1], $0x80, $0x38;
	[tilespmem:$0x4000] =	vst v63  }
0x458: {  	s11 =	sadd.s32 $0x1, s11;
	s25 =	sor.u32 $0x1A00, s13;
	s26 =	sadd.s32 $0xEF0, s12  }
0x459: {  	[hbm4b:s26+s3] =	stream.linear.scatter [tilespmem:s25], [sflag:$0x1], $0x80, $0x38;
	[tilespmem:$0x4000] =	vst v63  }
0x45a: {  	p1 =	slt.u32 s11, $0x2;
	s28 =	sor.u32 $0x1C00, s13;
	s29 =	sadd.s32 $0xF70, s12  }
0x45b: {  	[hbm4b:s29+s3] =	stream.linear.scatter [tilespmem:s28], [sflag:$0x1], $0x80, $0x38;
	[tilespmem:$0x4000] =	vst v63  }
0x45c: {  	s30 =	sor.u32 $0x1E00, s13;
	s31 =	sadd.s32 $0xFF0, s12;
	s12 =	simm.s32 @!p1 $0x1  }
0x45d: {  	[hbm4b:s31+s3] =	stream.linear.scatter [tilespmem:s30], [sflag:$0x1], $0x80, $0x38;
	[tilespmem:$0x4000] =	vst v63  }
0x45e: {  	_ =	swait.ge @!p1 [sflag:s12], $0x800  }
0x45f: {  	[sflag:s12] =	ssyncset.done @!p1 $0x0  }
0x460: {  	[sflag:s12] =	ssyncadd.s32 @!p1 $0xFFFFF800  }
0x461: {  	_ =	swait.ge @!p1 [sflag:s12], $0x800  }
0x462: {  	[sflag:s12] =	ssyncset.done @!p1 $0x0  }
0x463: {  	[sflag:s12] =	ssyncadd.s32 @!p1 $0xFFFFF800  }
0x464: {  	_ =	swait.ge @!p1 [sflag:s12], $0x800  }
0x465: {  	[sflag:s12] =	ssyncset.done @!p1 $0x0  }
0x466: {  	[sflag:s12] =	ssyncadd.s32 @!p1 $0xFFFFF800  }
0x467: {  	_ =	swait.ge @!p1 [sflag:s12], $0x800  }
0x468: {  	[sflag:s12] =	ssyncset.done @!p1 $0x0  }
0x469: {  	[sflag:s12] =	ssyncadd.s32 @!p1 $0xFFFFF800  }
0x46a: {  	_ =	swait.ge @!p1 [sflag:s12], $0x800  }
0x46b: {  	[sflag:s12] =	ssyncset.done @!p1 $0x0  }
0x46c: {  	[sflag:s12] =	ssyncadd.s32 @!p1 $0xFFFFF800  }
0x46d: {  	_ =	swait.ge @!p1 [sflag:s12], $0x800  }
0x46e: {  	[sflag:s12] =	ssyncset.done @!p1 $0x0  }
0x46f: {  	[sflag:s12] =	ssyncadd.s32 @!p1 $0xFFFFF800  }
0x470: {  	_ =	swait.ge @!p1 [sflag:s12], $0x800  }
0x471: {  	[sflag:s12] =	ssyncset.done @!p1 $0x0  }
0x472: {  	[sflag:s12] =	ssyncadd.s32 @!p1 $0xFFFFF800  }
0x473: {  	_ =	swait.ge @!p1 [sflag:s12], $0x800  }
0x474: {  	[sflag:s12] =	ssyncset.done @!p1 $0x0  }
0x475: {  	[sflag:s12] =	ssyncadd.s32 @!p1 $0xFFFFF800  }
0x476: {  	_ =	swait.ge @!p1 [sflag:s12], $0x800  }
0x477: {  	[sflag:s12] =	ssyncset.done @!p1 $0x0  }
0x478: {  	[sflag:s12] =	ssyncadd.s32 @!p1 $0xFFFFF800  }
0x479: {  	_ =	swait.ge @!p1 [sflag:s12], $0x800  }
0x47a: {  	[sflag:s12] =	ssyncset.done @!p1 $0x0  }
0x47b: {  	[sflag:s12] =	ssyncadd.s32 @!p1 $0xFFFFF800  }
0x47c: {  	_ =	swait.ge @!p1 [sflag:s12], $0x800  }
0x47d: {  	[sflag:s12] =	ssyncset.done @!p1 $0x0  }
0x47e: {  	[sflag:s12] =	ssyncadd.s32 @!p1 $0xFFFFF800  }
0x47f: {  	_ =	swait.ge @!p1 [sflag:s12], $0x800  }
0x480: {  	[sflag:s12] =	ssyncset.done @!p1 $0x0  }
0x481: {  	[sflag:s12] =	ssyncadd.s32 @!p1 $0xFFFFF800  }
0x482: {  	_ =	swait.ge @!p1 [sflag:s12], $0x800  }
0x483: {  	[sflag:s12] =	ssyncset.done @!p1 $0x0  }
0x484: {  	s9 =	sadd.s32 $0x1000, s9;
	[sflag:s12] =	ssyncadd.s32 @!p1 $0xFFFFF800  }
0x485: {  	p0 =	sne.s32 s9, $0x40000;
	_ =	swait.ge @!p1 [sflag:s12], $0x800  }
.Ltmp0:
0x486: {  	[sflag:s12] =	ssyncset.done @!p1 $0x0;
	(pc) =	sbr.rel @p0 .LBB2_2-.Ltmp0, $4  }
0x487: {  	[sflag:s12] =	ssyncadd.s32 @!p1 $0xFFFFF800  }
0x488: {  	_ =	swait.ge @!p1 [sflag:s12], $0x800  }
0x489: {  	[sflag:s12] =	ssyncset.done @!p1 $0x0  }
0x48a: {  	s10 =	sadd.s32 $0x80, s10;
	[sflag:s12] =	ssyncadd.s32 @!p1 $0xFFFFF800  }
0x48b: {  	_ =	swait.ge @!p1 [sflag:s12], $0x800  }
0x48c: {  	[sflag:s12] =	ssyncset.done @!p1 $0x0  }
0x48d: {  	[sflag:s12] =	ssyncadd.s32 @!p1 $0xFFFFF800  }
0x48e: {  	_ =	swait.ge [sflag:s7], $0x800  }
0x48f: {  	[sflag:s7] =	ssyncset.done $0x0  }
0x490: {  	[sflag:s7] =	ssyncadd.s32 $0xFFFFF800  }
0x491: {  	_ =	swait.ge [sflag:s7], $0x800  }
0x492: {  	[sflag:s7] =	ssyncset.done $0x0  }
0x493: {  	[sflag:s7] =	ssyncadd.s32 $0xFFFFF800  }
0x494: {  	_ =	swait.ge [sflag:s7], $0x800  }
0x495: {  	[sflag:s7] =	ssyncset.done $0x0  }
0x496: {  	[sflag:s7] =	ssyncadd.s32 $0xFFFFF800  }
0x497: {  	_ =	swait.ge [sflag:s7], $0x800  }
0x498: {  	[sflag:s7] =	ssyncset.done $0x0  }
0x499: {  	[sflag:s7] =	ssyncadd.s32 $0xFFFFF800  }
0x49a: {  	_ =	swait.ge [sflag:s7], $0x800  }
0x49b: {  	[sflag:s7] =	ssyncset.done $0x0  }
0x49c: {  	[sflag:s7] =	ssyncadd.s32 $0xFFFFF800  }
0x49d: {  	_ =	swait.ge [sflag:s7], $0x800  }
0x49e: {  	[sflag:s7] =	ssyncset.done $0x0  }
0x49f: {  	[sflag:s7] =	ssyncadd.s32 $0xFFFFF800  }
0x4a0: {  	_ =	swait.ge [sflag:s7], $0x800  }
0x4a1: {  	[sflag:s7] =	ssyncset.done $0x0  }
0x4a2: {  	[sflag:s7] =	ssyncadd.s32 $0xFFFFF800  }
0x4a3: {  	_ =	swait.ge [sflag:s7], $0x800  }
0x4a4: {  	[sflag:s7] =	ssyncset.done $0x0  }
0x4a5: {  	[sflag:s7] =	ssyncadd.s32 $0xFFFFF800  }
0x4a6: {  	_ =	swait.ge [sflag:s7], $0x800  }
0x4a7: {  	[sflag:s7] =	ssyncset.done $0x0  }
0x4a8: {  	[sflag:s7] =	ssyncadd.s32 $0xFFFFF800  }
0x4a9: {  	_ =	swait.ge [sflag:s7], $0x800  }
0x4aa: {  	[sflag:s7] =	ssyncset.done $0x0  }
0x4ab: {  	[sflag:s7] =	ssyncadd.s32 $0xFFFFF800  }
0x4ac: {  	_ =	swait.ge [sflag:s7], $0x800  }
0x4ad: {  	[sflag:s7] =	ssyncset.done $0x0  }
0x4ae: {  	[sflag:s7] =	ssyncadd.s32 $0xFFFFF800  }
0x4af: {  	_ =	swait.ge [sflag:s7], $0x800  }
0x4b0: {  	[sflag:s7] =	ssyncset.done $0x0  }
0x4b1: {  	[sflag:s7] =	ssyncadd.s32 $0xFFFFF800  }
0x4b2: {  	_ =	swait.ge [sflag:s7], $0x800  }
0x4b3: {  	[sflag:s7] =	ssyncset.done $0x0  }
0x4b4: {  	[sflag:s7] =	ssyncadd.s32 $0xFFFFF800  }
0x4b5: {  	_ =	swait.ge [sflag:s7], $0x800  }
0x4b6: {  	[sflag:s7] =	ssyncset.done $0x0  }
0x4b7: {  	[sflag:s7] =	ssyncadd.s32 $0xFFFFF800  }
0x4b8: {  	_ =	swait.ge [sflag:s7], $0x800  }
0x4b9: {  	[sflag:s7] =	ssyncset.done $0x0  }
0x4ba: {  	[sflag:s7] =	ssyncadd.s32 $0xFFFFF800  }
0x4bb: {  	_ =	swait.ge [sflag:s7], $0x800  }
0x4bc: {  	[sflag:s7] =	ssyncset.done $0x0  }
0x4bd: {  	[sflag:s7] =	ssyncadd.s32 $0xFFFFF800  }
0x4be: {  	_ =	swait.ge [sflag:s7], $0x800  }
0x4bf: {  	[sflag:s7] =	ssyncset.done $0x0  }
0x4c0: {  	[sflag:s7] =	ssyncadd.s32 $0xFFFFF800  }
0x4c1: {  	_ =	swait.ge [sflag:s7], $0x800  }
0x4c2: {  	[sflag:s7] =	ssyncset.done $0x0  }
0x4c3: {  	[sflag:s7] =	ssyncadd.s32 $0xFFFFF800  }
0x4c4: {  	_ =	swait.ge [sflag:s7], $0x800  }
0x4c5: {  	[sflag:s7] =	ssyncset.done $0x0  }
0x4c6: {  	[sflag:s7] =	ssyncadd.s32 $0xFFFFF800  }
0x4c7: {  	_ =	swait.ge [sflag:s7], $0x800  }
0x4c8: {  	[sflag:s7] =	ssyncset.done $0x0  }
0x4c9: {  	[sflag:s7] =	ssyncadd.s32 $0xFFFFF800  }
0x4ca: {  	_ =	swait.ge [sflag:s7], $0x800  }
0x4cb: {  	[sflag:s7] =	ssyncset.done $0x0  }
0x4cc: {  	[sflag:s7] =	ssyncadd.s32 $0xFFFFF800  }
0x4cd: {  	_ =	swait.ge [sflag:s7], $0x800  }
0x4ce: {  	[sflag:s7] =	ssyncset.done $0x0  }
0x4cf: {  	[sflag:s7] =	ssyncadd.s32 $0xFFFFF800  }
0x4d0: {  	_ =	swait.ge [sflag:s7], $0x800  }
0x4d1: {  	[sflag:s7] =	ssyncset.done $0x0  }
0x4d2: {  	[sflag:s7] =	ssyncadd.s32 $0xFFFFF800  }
0x4d3: {  	_ =	swait.ge [sflag:s7], $0x800  }
0x4d4: {  	[sflag:s7] =	ssyncset.done $0x0  }
0x4d5: {  	[sflag:s7] =	ssyncadd.s32 $0xFFFFF800  }
0x4d6: {  	_ =	swait.ge [sflag:s7], $0x800  }
0x4d7: {  	[sflag:s7] =	ssyncset.done $0x0  }
0x4d8: {  	[sflag:s7] =	ssyncadd.s32 $0xFFFFF800  }
0x4d9: {  	_ =	swait.ge [sflag:s7], $0x800  }
0x4da: {  	[sflag:s7] =	ssyncset.done $0x0  }
0x4db: {  	[sflag:s7] =	ssyncadd.s32 $0xFFFFF800  }
0x4dc: {  	_ =	swait.ge [sflag:s7], $0x800  }
0x4dd: {  	[sflag:s7] =	ssyncset.done $0x0  }
0x4de: {  	[sflag:s7] =	ssyncadd.s32 $0xFFFFF800  }
0x4df: {  	_ =	swait.ge [sflag:s7], $0x800  }
0x4e0: {  	[sflag:s7] =	ssyncset.done $0x0  }
0x4e1: {  	[sflag:s7] =	ssyncadd.s32 $0xFFFFF800  }
0x4e2: {  	_ =	swait.ge [sflag:s7], $0x800  }
0x4e3: {  	[sflag:s7] =	ssyncset.done $0x0  }
0x4e4: {  	[sflag:s7] =	ssyncadd.s32 $0xFFFFF800  }
0x4e5: {  	_ =	swait.ge [sflag:s7], $0x800  }
0x4e6: {  	[sflag:s7] =	ssyncset.done $0x0  }
0x4e7: {  	s8 =	sadd.s32 $0x1, s8;
	[sflag:s7] =	ssyncadd.s32 $0xFFFFF800  }
0x4e8: {  	p0 =	sne.s32 s8, s5;
	_ =	swait.ge [sflag:s7], $0x800  }
.Ltmp1:
0x4e9: {  	[sflag:s7] =	ssyncset.done $0x0;
	(pc) =	sbr.rel @p0 .LBB2_1-.Ltmp1, $4  }
0x4ea: {  	[sflag:s7] =	ssyncadd.s32 $0xFFFFF800  }
0x4eb: {  	_ =	swait.ge [sflag:s7], $0x800  }
0x4ec: {  	[sflag:s7] =	ssyncset.done $0x0  }
0x4ed: {  	[sflag:s7] =	ssyncadd.s32 $0xFFFFF800  }
0x4ee: {  	_ =	sfence.sel $0x180000  }
0x4ef: {  	[bflag:$0x0] =	sbarrier.arrive $0xFFFF  }
0x4f0: {  	_ =	strace $0x90000047  }
0x4f1: {  	s0 =	stileid.u32;
	[bflag:$0x2] =	sbarrier.arrive $0xFFFF  }
0x4f2: {  	p0 =	sne.s32 s0, $0x0;
	s0 =	rddreg [dreg:$0x3]  }
0x4f3: {  	s0 =	sadd.s32 @!p0 $0x100000, s0  }
0x4f4: {  	[sflag:s0] =	ssyncadd.tile.s32 @!p0 $0x1;
	_ =	shalt  }
.Lfunc_end2:
_tile_overlayer_lowered:
.L_overlay_start_2:
0x4f5: {  	(tag) =	ssettag $0x2  }
0x4f6: {  	s0 =	rddreg [dreg:$0x0];
	s2 =	stileid.u32  }
0x4f7: {  	s1 =	rddreg [dreg:$0x1];
	p0 =	sne.s32 s2, $0x0  }
0x4f8: {  	s3 =	rddreg [dreg:$0x2];
	[bflag:$0x3] =	sbarrier.arrive $0xFFFF;
	s2 =	simm.s32 @!p0 $0x1C02  }
0x4f9: {  	[timem:s3], [sflag:s2] =	dma.local @!p0 [hbm:s0], s1  }
0x4fa: {  	s0 =	simm.s32 @!p0 $0x2  }
0x4fb: {  	_ =	swait.ge @!p0 [sflag:s0], s1  }
0x4fc: {  	s1 =	ssub.s32 @!p0 $0x0, s1;
	[sflag:s0] =	ssyncset.done @!p0 $0x0  }
0x4fd: {  	[sflag:s0] =	ssyncadd.s32 @!p0 s1  }
0x4fe: {  	[bflag:$0x3] =	sbarrier.arrive $0xFFFF  }
0x4ff: {  	_ =	shalt  }

</sc_bundles>
